<compile_context>
chip_gen: v7x
topology: tpu7x:2x2x1
jax: 0.10.2.dev20260603
libtpu: 0.0.44.dev20260713+nightly
codegen_flags: <defaults>
</compile_context>

<pallas_src>
import functools

import jax
import jax.numpy as jnp
from jax import lax
from jax.experimental import pallas as pl
from jax.experimental.pallas import tpu as pltpu
from jax.experimental.pallas import tpu_sc as plsc

D_MODEL = 1024
D_INTER = 512
N_EXPERTS = 8
TOP_K = 2
N_TOKENS = 2048
N_PAIRS = N_TOKENS * TOP_K

BLK = 640
NB = -(-(N_PAIRS + N_EXPERTS * (BLK - 1)) // BLK)
P_PAD = NB * BLK

NC, NS = 2, 16
NW = NC * NS
TOK_W = N_TOKENS // NW
SUB_X = 32
SUB_C = 16
NCH_C = TOK_W // SUB_C


def _routing_body(idxt_ref, pos_ref, be_ref, ub_ref):
    idxt = idxt_ref[...]
    e_iota = lax.broadcasted_iota(jnp.int32, (N_EXPERTS, N_TOKENS), 0)
    m0 = (idxt[0:1, :] == e_iota).astype(jnp.float32)
    m1 = (idxt[1:2, :] == e_iota).astype(jnp.float32)
    c = m0 + m1
    s = c
    d = 1
    while d < N_TOKENS:
        s = s + jnp.concatenate(
            [jnp.zeros((N_EXPERTS, d), jnp.float32), s[:, :N_TOKENS - d]],
            axis=1)
        d *= 2
    excl = s - c
    tot = s[:, N_TOKENS - 1:N_TOKENS]
    pc = jnp.ceil(tot * (1.0 / BLK)) * BLK
    li = lax.broadcasted_iota(jnp.int32, (N_EXPERTS, N_EXPERTS), 0)
    lj = lax.broadcasted_iota(jnp.int32, (N_EXPERTS, N_EXPERTS), 1)
    ltri = (lj < li).astype(jnp.float32)
    offs = lax.dot_general(ltri, pc, (((1,), (0,)), ((), ())),
                           preferred_element_type=jnp.float32)
    posv = excl + offs
    pos0 = jnp.sum(m0 * posv, axis=0).reshape(1, N_TOKENS)
    pos1 = jnp.sum(m1 * (posv + m0), axis=0).reshape(1, N_TOKENS)
    pos_ref[...] = jnp.concatenate([pos0, pos1], axis=0).astype(jnp.int32)
    ends = offs + pc
    bs = (lax.broadcasted_iota(jnp.int32, (N_EXPERTS, NB), 1) * BLK
          ).astype(jnp.float32)
    be = jnp.sum((jnp.broadcast_to(ends, (N_EXPERTS, NB)) <= bs)
                 .astype(jnp.float32), axis=0)
    be_ref[...] = jnp.minimum(be, N_EXPERTS - 1).reshape(1, NB).astype(jnp.int32)
    ub_ref[...] = (ends[N_EXPERTS - 1:, :] * (1.0 / BLK)).astype(jnp.int32)


def _routing(indices_t):
    return pl.pallas_call(
        _routing_body,
        out_shape=(
            jax.ShapeDtypeStruct((TOP_K, N_TOKENS), jnp.int32),
            jax.ShapeDtypeStruct((1, NB), jnp.int32),
            jax.ShapeDtypeStruct((1, 1), jnp.int32),
        ),
    )(indices_t)


def _xscatter_body(x_hbm, pos_hbm, xg_hbm, xa, xb, idxm, sl_a, sl_b, sc):
    wid = lax.axis_index("s") * NC + lax.axis_index("c")
    base = wid * TOK_W
    hla = pltpu.async_copy(x_hbm.at[pl.ds(base, SUB_X)], xa, sl_a)
    hlb = pltpu.async_copy(x_hbm.at[pl.ds(base + SUB_X, SUB_X)], xb, sl_b)
    waits = []
    for j, (buf, hl) in enumerate(((xa, hla), (xb, hlb))):
        cb = base + j * SUB_X
        pltpu.sync_copy(pos_hbm.at[0, pl.ds(cb, SUB_X)], idxm.at[2 * j])
        pltpu.sync_copy(pos_hbm.at[1, pl.ds(cb, SUB_X)], idxm.at[2 * j + 1])
        hl.wait()
        waits.append(pltpu.async_copy(buf, xg_hbm.at[idxm.at[2 * j]], sc))
        waits.append(pltpu.async_copy(buf, xg_hbm.at[idxm.at[2 * j + 1]], sc))
    for h in waits:
        h.wait()


def _xscatter(x, pos):
    mesh = plsc.VectorSubcoreMesh(core_axis_name="c", subcore_axis_name="s")
    return pl.kernel(
        _xscatter_body,
        out_type=jax.ShapeDtypeStruct((P_PAD, D_MODEL), jnp.float32),
        mesh=mesh,
        scratch_types=[
            pltpu.VMEM((SUB_X, D_MODEL), jnp.float32),
            pltpu.VMEM((SUB_X, D_MODEL), jnp.float32),
            pltpu.VMEM((4, SUB_X), jnp.int32),
            pltpu.SemaphoreType.DMA,
            pltpu.SemaphoreType.DMA,
            pltpu.SemaphoreType.DMA,
        ],
    )(x, pos)


def _ffn_body(be_ref, ub_ref, xg_ref, w1_ref, w2_ref, y_ref):
    del be_ref
    b = pl.program_id(0)

    @pl.when(b < ub_ref[0, 0])
    def _():
        xb = xg_ref[...]
        w1 = w1_ref[0]
        w2 = w2_ref[0]
        h = lax.dot_general(xb, w1, (((1,), (1,)), ((), ())),
                            preferred_element_type=jnp.float32)
        gate = h[:, :D_INTER]
        up = h[:, D_INTER:]
        a = gate * jax.nn.sigmoid(gate) * up
        y_ref[...] = lax.dot_general(a, w2, (((1,), (1,)), ((), ())),
                                     preferred_element_type=jnp.float32)


def _ffn(xg, fc1, fc2, be, ub):
    grid_spec = pltpu.PrefetchScalarGridSpec(
        num_scalar_prefetch=2,
        grid=(NB,),
        in_specs=[
            pl.BlockSpec((BLK, D_MODEL),
                         lambda b, be, ub: (jnp.minimum(b, ub[0, 0] - 1), 0)),
            pl.BlockSpec((1, 2 * D_INTER, D_MODEL),
                         lambda b, be, ub: (be[0, jnp.minimum(b, ub[0, 0] - 1)], 0, 0)),
            pl.BlockSpec((1, D_MODEL, D_INTER),
                         lambda b, be, ub: (be[0, jnp.minimum(b, ub[0, 0] - 1)], 0, 0)),
        ],
        out_specs=pl.BlockSpec((BLK, D_MODEL),
                               lambda b, be, ub: (jnp.minimum(b, ub[0, 0] - 1), 0)),
    )
    return pl.pallas_call(
        _ffn_body,
        grid_spec=grid_spec,
        out_shape=jax.ShapeDtypeStruct((P_PAD, D_MODEL), jnp.float32),
    )(be, ub, xg, fc1, fc2)


def _combine_body(y_hbm, pos_hbm, wt_hbm, out_hbm,
                  g0a, g1a, g0b, g1b, g0c, g1c,
                  idxm, w0all, w1all, sa, sb, sc2, so):
    wid = lax.axis_index("s") * NC + lax.axis_index("c")
    base = wid * TOK_W

    def fire(j, g0, g1, sem):
        h0 = pltpu.async_copy(y_hbm.at[idxm.at[2 * j]], g0, sem)
        h1 = pltpu.async_copy(y_hbm.at[idxm.at[2 * j + 1]], g1, sem)
        return (h0, h1)

    for j in range(NCH_C):
        pltpu.sync_copy(pos_hbm.at[0, pl.ds(base + j * SUB_C, SUB_C)],
                        idxm.at[2 * j])
        pltpu.sync_copy(pos_hbm.at[1, pl.ds(base + j * SUB_C, SUB_C)],
                        idxm.at[2 * j + 1])
    pltpu.sync_copy(wt_hbm.at[0, pl.ds(base, TOK_W)], w0all)
    pltpu.sync_copy(wt_hbm.at[1, pl.ds(base, TOK_W)], w1all)
    sets = ((g0a, g1a, sa), (g0b, g1b, sb), (g0c, g1c, sc2))
    pend = [None, None, None]
    hout = [None, None, None]
    pend[0] = fire(0, *sets[0])
    if NCH_C > 1:
        pend[1] = fire(1, *sets[1])
    for j in range(NCH_C):
        s = j % 3
        g0, g1, _ = sets[s]
        cb = base + j * SUB_C
        pend[s][0].wait()
        pend[s][1].wait()

        @plsc.parallel_loop(0, SUB_C)
        def row(i):
            w0s = w0all[j * SUB_C + i]
            w1s = w1all[j * SUB_C + i]

            @plsc.parallel_loop(0, D_MODEL // 16, unroll=8)
            def col(u):
                sl = pl.ds(u * 16, 16)
                g0[i, sl] = g0[i, sl] * w0s + g1[i, sl] * w1s

        hout[s] = pltpu.async_copy(g0, out_hbm.at[pl.ds(cb, SUB_C)], so)
        if j + 2 < NCH_C:
            s2 = (j + 2) % 3
            if hout[s2] is not None:
                hout[s2].wait()
            pend[s2] = fire(j + 2, *sets[s2])
    for h in hout:
        if h is not None:
            h.wait()


def _combine(y, pos, wt):
    mesh = plsc.VectorSubcoreMesh(core_axis_name="c", subcore_axis_name="s")
    return pl.kernel(
        _combine_body,
        out_type=jax.ShapeDtypeStruct((N_TOKENS, D_MODEL), jnp.float32),
        mesh=mesh,
        scratch_types=[
            pltpu.VMEM((SUB_C, D_MODEL), jnp.float32),
            pltpu.VMEM((SUB_C, D_MODEL), jnp.float32),
            pltpu.VMEM((SUB_C, D_MODEL), jnp.float32),
            pltpu.VMEM((SUB_C, D_MODEL), jnp.float32),
            pltpu.VMEM((SUB_C, D_MODEL), jnp.float32),
            pltpu.VMEM((SUB_C, D_MODEL), jnp.float32),
            pltpu.VMEM((2 * NCH_C, SUB_C), jnp.int32),
            pltpu.VMEM((TOK_W, 16), jnp.float32),
            pltpu.VMEM((TOK_W, 16), jnp.float32),
            pltpu.SemaphoreType.DMA,
            pltpu.SemaphoreType.DMA,
            pltpu.SemaphoreType.DMA,
            pltpu.SemaphoreType.DMA,
        ],
    )(y, pos, wt)


def kernel(x, weights, fc1_weight, fc2_weight, indices, counts):
    del counts
    pos, be, ub = _routing(indices.T)
    xg = _xscatter(x, pos)
    y = _ffn(xg, fc1_weight, fc2_weight, be, ub)
    wt16 = jnp.broadcast_to(weights.T[:, :, None], (TOP_K, N_TOKENS, 16))
    return _combine(y, pos, wt16)
    xg = _xscatter(x, pos)
    y = _ffn(xg, fc1_weight, fc2_weight, be)
    wt16 = jnp.broadcast_to(weights.T[:, :, None], (TOP_K, N_TOKENS, 16))
    return _combine(y, pos, wt16)

# --- scband reference (transcript-rebuilt; emitter-appended) ---
"""Pipeline reference for scband-routed-experts-78099685310881 (READ-ONLY COPY).

The authoritative reference and input builder live on the scoring server;
editing this copy changes nothing except your own understanding.
"""

import jax, jax.numpy as jnp
import numpy as np

D_MODEL = 1024
D_INTER = 512
N_EXPERTS = 8
TOP_K = 2
N_TOKENS = 2048


def setup_inputs(seed: int = 0) -> dict:
    key = jax.random.key(seed)
    k1, k2, k3, k4, k5 = jax.random.split(key, 5)
    x = jax.random.normal(k1, (N_TOKENS, D_MODEL), dtype=jnp.float32)
    w = jax.random.uniform(k2, (N_TOKENS, TOP_K), dtype=jnp.float32)
    # router combine weights are normalized top-k probabilities
    weights = w / jnp.sum(w, axis=-1, keepdims=True)
    indices = jax.random.randint(k3, (N_TOKENS, TOP_K), 0, N_EXPERTS)
    counts = jnp.bincount(indices.reshape(-1), length=N_EXPERTS).astype(jnp.int32)
    # kaiming_uniform_(a=sqrt(5)) -> U(-1/sqrt(fan_in), 1/sqrt(fan_in))
    b1 = 1.0 / np.sqrt(D_MODEL)
    fc1_weight = jax.random.uniform(k4, (N_EXPERTS, 2 * D_INTER, D_MODEL), minval=-b1, maxval=b1, dtype=jnp.float32)
    b2 = 1.0 / np.sqrt(D_INTER)
    fc2_weight = jax.random.uniform(k5, (N_EXPERTS, D_MODEL, D_INTER), minval=-b2, maxval=b2, dtype=jnp.float32)
    return {"x": x, "weights": weights, "fc1_weight": fc1_weight, "fc2_weight": fc2_weight, "indices": indices, "counts": counts}


def reference(x, weights, fc1_weight, fc2_weight, indices, counts):
    # Gated-MLP routed experts (SiLU gate), equivalent to per-expert GatedMLP
    # fc1: (E, 2*d_int, d_model); fc2: (E, d_model, d_int)
    h = jnp.einsum('td,efd->tef', x, fc1_weight)          # (T, E, 2*d_int)
    gate, up = jnp.split(h, 2, axis=-1)                    # (T, E, d_int) each
    a = jax.nn.silu(gate) * up                             # (T, E, d_int)
    y = jnp.einsum('tei,edi->ted', a, fc2_weight)          # (T, E, d_model)
    # gather each token's top-k selected experts and combine with router weights
    sel = jnp.take_along_axis(y, indices[:, :, None], axis=1)   # (T, K, d_model)
    out = jnp.sum(sel * weights[:, :, None], axis=1)             # (T, d_model)
    return out

if __name__ == "__main__":
    import jax
    _d = setup_inputs()
    print(jax.jit(kernel)(*tuple(_d.values())))

</pallas_src>

<mosaic_0001>
#map = affine_map<(d0, d1) -> (0, 0)>
#map1 = affine_map<(d0, d1) -> (0, 0, 0)>
module attributes {stable_mosaic.version = 14 : i64} {
  func.func @_combine_body(%arg0: i32, %arg1: i32, %arg2: memref<9600x1024xf32, #tpu.memory_space<hbm>>, %arg3: memref<2x2048xi32, #tpu.memory_space<hbm>>, %arg4: memref<2x2048x16xf32, #tpu.memory_space<hbm>>, %arg5: memref<2048x1024xf32, #tpu.memory_space<hbm>>, %arg6: memref<16x1024xf32, #tpu.memory_space<vmem>>, %arg7: memref<16x1024xf32, #tpu.memory_space<vmem>>, %arg8: memref<16x1024xf32, #tpu.memory_space<vmem>>, %arg9: memref<16x1024xf32, #tpu.memory_space<vmem>>, %arg10: memref<16x1024xf32, #tpu.memory_space<vmem>>, %arg11: memref<16x1024xf32, #tpu.memory_space<vmem>>, %arg12: memref<8x16xi32, #tpu.memory_space<vmem>>, %arg13: memref<64x16xf32, #tpu.memory_space<vmem>>, %arg14: memref<64x16xf32, #tpu.memory_space<vmem>>, %arg15: memref<!tpu.dma_semaphore, #tpu.memory_space<semaphore_mem>>, %arg16: memref<!tpu.dma_semaphore, #tpu.memory_space<semaphore_mem>>, %arg17: memref<!tpu.dma_semaphore, #tpu.memory_space<semaphore_mem>>, %arg18: memref<!tpu.dma_semaphore, #tpu.memory_space<semaphore_mem>>) attributes {dimension_semantics = [#tpu.dimension_semantics<core_parallel>, #tpu.dimension_semantics<subcore_parallel>], iteration_bounds = array<i64: 2, 16>, scalar_prefetch = 0 : i64, scratch_operands = 13 : i64, tpu.core_type = #tpu.core_type<sc_vector_subcore>, window_params = [{transform_indices = #map}, {transform_indices = #map}, {transform_indices = #map1}, {transform_indices = #map}]} {
    %mul3A = arith.constant 2 : i32
    %mul3A_0 = arith.muli %arg1, %mul3A : i32
    %add3A = arith.addi %mul3A_0, %arg0 : i32
    %mul3A_1 = arith.constant 64 : i32
    %mul3A_2 = arith.muli %add3A, %mul3A_1 : i32
    %add3A_3 = arith.constant 0 : i32
    %add3A_4 = arith.addi %mul3A_2, %add3A_3 : i32
    %run_scoped3A = arith.constant 0 : i32
    %run_scoped3A_5 = arith.constant 0 : i32
    "tpu.region"() ({
      %run_scoped3A_197 = tpu.sem_alloc : memref<!tpu.dma_semaphore, #tpu.memory_space<semaphore_mem>>
      %dma_start3A_198 = arith.constant 0 : i32
      %dma_start3A_199 = tpu.memref_slice %arg12[%run_scoped3A_5, %dma_start3A_198] : memref<8x16xi32, #tpu.memory_space<vmem>> -> memref<1x16xi32, #tpu.memory_space<vmem>>
      %dma_start3A_200 = tpu.memref_squeeze %dma_start3A_199 : memref<1x16xi32, #tpu.memory_space<vmem>> -> memref<16xi32, #tpu.memory_space<vmem>>
      %dma_start3A_201 = tpu.memref_slice %arg3[%run_scoped3A, %add3A_4] : memref<2x2048xi32, #tpu.memory_space<hbm>> -> memref<1x16xi32, #tpu.memory_space<hbm>>
      %dma_start3A_202 = tpu.memref_squeeze %dma_start3A_201 : memref<1x16xi32, #tpu.memory_space<hbm>> -> memref<16xi32, #tpu.memory_space<hbm>>
      %dma_start3A_203 = arith.constant 0 : i32
      %dma_start3A_204 = tpu.memref_slice %arg12[%run_scoped3A_5, %dma_start3A_203] : memref<8x16xi32, #tpu.memory_space<vmem>> -> memref<1x16xi32, #tpu.memory_space<vmem>>
      %dma_start3A_205 = tpu.memref_squeeze %dma_start3A_204 : memref<1x16xi32, #tpu.memory_space<vmem>> -> memref<16xi32, #tpu.memory_space<vmem>>
      %dma_start3A_206 = tpu.memref_slice %arg3[%run_scoped3A, %add3A_4] : memref<2x2048xi32, #tpu.memory_space<hbm>> -> memref<1x16xi32, #tpu.memory_space<hbm>>
      %dma_start3A_207 = tpu.memref_squeeze %dma_start3A_206 : memref<1x16xi32, #tpu.memory_space<hbm>> -> memref<16xi32, #tpu.memory_space<hbm>>
      tpu.enqueue_dma source(%dma_start3A_207 : memref<16xi32, #tpu.memory_space<hbm>>) target(%dma_start3A_205 : memref<16xi32, #tpu.memory_space<vmem>>) target_semaphore(%run_scoped3A_197 : memref<!tpu.dma_semaphore, #tpu.memory_space<semaphore_mem>>)
      %dma_wait3A_208 = arith.constant 0 : i32
      %dma_wait3A_209 = tpu.memref_slice %arg12[%run_scoped3A_5, %dma_wait3A_208] : memref<8x16xi32, #tpu.memory_space<vmem>> -> memref<1x16xi32, #tpu.memory_space<vmem>>
      %dma_wait3A_210 = tpu.memref_squeeze %dma_wait3A_209 : memref<1x16xi32, #tpu.memory_space<vmem>> -> memref<16xi32, #tpu.memory_space<vmem>>
      %dma_wait3A_211 = tpu.memref_slice %arg3[%run_scoped3A, %add3A_4] : memref<2x2048xi32, #tpu.memory_space<hbm>> -> memref<1x16xi32, #tpu.memory_space<hbm>>
      %dma_wait3A_212 = tpu.memref_squeeze %dma_wait3A_211 : memref<1x16xi32, #tpu.memory_space<hbm>> -> memref<16xi32, #tpu.memory_space<hbm>>
      %dma_wait3A_213 = arith.constant 0 : i32
      %dma_wait3A_214 = tpu.memref_slice %arg12[%run_scoped3A_5, %dma_wait3A_213] : memref<8x16xi32, #tpu.memory_space<vmem>> -> memref<1x16xi32, #tpu.memory_space<vmem>>
      %dma_wait3A_215 = tpu.memref_squeeze %dma_wait3A_214 : memref<1x16xi32, #tpu.memory_space<vmem>> -> memref<16xi32, #tpu.memory_space<vmem>>
      %dma_wait3A_216 = tpu.memref_slice %arg3[%run_scoped3A, %add3A_4] : memref<2x2048xi32, #tpu.memory_space<hbm>> -> memref<1x16xi32, #tpu.memory_space<hbm>>
      %dma_wait3A_217 = tpu.memref_squeeze %dma_wait3A_216 : memref<1x16xi32, #tpu.memory_space<hbm>> -> memref<16xi32, #tpu.memory_space<hbm>>
      tpu.wait_dma2 semaphore(%run_scoped3A_197 : memref<!tpu.dma_semaphore, #tpu.memory_space<semaphore_mem>>) src(%dma_wait3A_217 : memref<16xi32, #tpu.memory_space<hbm>>) dst(%dma_wait3A_215 : memref<16xi32, #tpu.memory_space<vmem>>)
      tpu.yield
    }) : () -> ()
    %add3A_6 = arith.constant 0 : i32
    %add3A_7 = arith.addi %mul3A_2, %add3A_6 : i32
    %run_scoped3A_8 = arith.constant 1 : i32
    %run_scoped3A_9 = arith.constant 1 : i32
    "tpu.region"() ({
      %run_scoped3A_197 = tpu.sem_alloc : memref<!tpu.dma_semaphore, #tpu.memory_space<semaphore_mem>>
      %dma_start3A_198 = arith.constant 0 : i32
      %dma_start3A_199 = tpu.memref_slice %arg12[%run_scoped3A_9, %dma_start3A_198] : memref<8x16xi32, #tpu.memory_space<vmem>> -> memref<1x16xi32, #tpu.memory_space<vmem>>
      %dma_start3A_200 = tpu.memref_squeeze %dma_start3A_199 : memref<1x16xi32, #tpu.memory_space<vmem>> -> memref<16xi32, #tpu.memory_space<vmem>>
      %dma_start3A_201 = tpu.memref_slice %arg3[%run_scoped3A_8, %add3A_7] : memref<2x2048xi32, #tpu.memory_space<hbm>> -> memref<1x16xi32, #tpu.memory_space<hbm>>
      %dma_start3A_202 = tpu.memref_squeeze %dma_start3A_201 : memref<1x16xi32, #tpu.memory_space<hbm>> -> memref<16xi32, #tpu.memory_space<hbm>>
      %dma_start3A_203 = arith.constant 0 : i32
      %dma_start3A_204 = tpu.memref_slice %arg12[%run_scoped3A_9, %dma_start3A_203] : memref<8x16xi32, #tpu.memory_space<vmem>> -> memref<1x16xi32, #tpu.memory_space<vmem>>
      %dma_start3A_205 = tpu.memref_squeeze %dma_start3A_204 : memref<1x16xi32, #tpu.memory_space<vmem>> -> memref<16xi32, #tpu.memory_space<vmem>>
      %dma_start3A_206 = tpu.memref_slice %arg3[%run_scoped3A_8, %add3A_7] : memref<2x2048xi32, #tpu.memory_space<hbm>> -> memref<1x16xi32, #tpu.memory_space<hbm>>
      %dma_start3A_207 = tpu.memref_squeeze %dma_start3A_206 : memref<1x16xi32, #tpu.memory_space<hbm>> -> memref<16xi32, #tpu.memory_space<hbm>>
      tpu.enqueue_dma source(%dma_start3A_207 : memref<16xi32, #tpu.memory_space<hbm>>) target(%dma_start3A_205 : memref<16xi32, #tpu.memory_space<vmem>>) target_semaphore(%run_scoped3A_197 : memref<!tpu.dma_semaphore, #tpu.memory_space<semaphore_mem>>)
      %dma_wait3A_208 = arith.constant 0 : i32
      %dma_wait3A_209 = tpu.memref_slice %arg12[%run_scoped3A_9, %dma_wait3A_208] : memref<8x16xi32, #tpu.memory_space<vmem>> -> memref<1x16xi32, #tpu.memory_space<vmem>>
      %dma_wait3A_210 = tpu.memref_squeeze %dma_wait3A_209 : memref<1x16xi32, #tpu.memory_space<vmem>> -> memref<16xi32, #tpu.memory_space<vmem>>
      %dma_wait3A_211 = tpu.memref_slice %arg3[%run_scoped3A_8, %add3A_7] : memref<2x2048xi32, #tpu.memory_space<hbm>> -> memref<1x16xi32, #tpu.memory_space<hbm>>
      %dma_wait3A_212 = tpu.memref_squeeze %dma_wait3A_211 : memref<1x16xi32, #tpu.memory_space<hbm>> -> memref<16xi32, #tpu.memory_space<hbm>>
      %dma_wait3A_213 = arith.constant 0 : i32
      %dma_wait3A_214 = tpu.memref_slice %arg12[%run_scoped3A_9, %dma_wait3A_213] : memref<8x16xi32, #tpu.memory_space<vmem>> -> memref<1x16xi32, #tpu.memory_space<vmem>>
      %dma_wait3A_215 = tpu.memref_squeeze %dma_wait3A_214 : memref<1x16xi32, #tpu.memory_space<vmem>> -> memref<16xi32, #tpu.memory_space<vmem>>
      %dma_wait3A_216 = tpu.memref_slice %arg3[%run_scoped3A_8, %add3A_7] : memref<2x2048xi32, #tpu.memory_space<hbm>> -> memref<1x16xi32, #tpu.memory_space<hbm>>
      %dma_wait3A_217 = tpu.memref_squeeze %dma_wait3A_216 : memref<1x16xi32, #tpu.memory_space<hbm>> -> memref<16xi32, #tpu.memory_space<hbm>>
      tpu.wait_dma2 semaphore(%run_scoped3A_197 : memref<!tpu.dma_semaphore, #tpu.memory_space<semaphore_mem>>) src(%dma_wait3A_217 : memref<16xi32, #tpu.memory_space<hbm>>) dst(%dma_wait3A_215 : memref<16xi32, #tpu.memory_space<vmem>>)
      tpu.yield
    }) : () -> ()
    %add3A_10 = arith.constant 16 : i32
    %add3A_11 = arith.addi %mul3A_2, %add3A_10 : i32
    %run_scoped3A_12 = arith.constant 0 : i32
    %run_scoped3A_13 = arith.constant 2 : i32
    "tpu.region"() ({
      %run_scoped3A_197 = tpu.sem_alloc : memref<!tpu.dma_semaphore, #tpu.memory_space<semaphore_mem>>
      %dma_start3A_198 = arith.constant 0 : i32
      %dma_start3A_199 = tpu.memref_slice %arg12[%run_scoped3A_13, %dma_start3A_198] : memref<8x16xi32, #tpu.memory_space<vmem>> -> memref<1x16xi32, #tpu.memory_space<vmem>>
      %dma_start3A_200 = tpu.memref_squeeze %dma_start3A_199 : memref<1x16xi32, #tpu.memory_space<vmem>> -> memref<16xi32, #tpu.memory_space<vmem>>
      %dma_start3A_201 = tpu.memref_slice %arg3[%run_scoped3A_12, %add3A_11] : memref<2x2048xi32, #tpu.memory_space<hbm>> -> memref<1x16xi32, #tpu.memory_space<hbm>>
      %dma_start3A_202 = tpu.memref_squeeze %dma_start3A_201 : memref<1x16xi32, #tpu.memory_space<hbm>> -> memref<16xi32, #tpu.memory_space<hbm>>
      %dma_start3A_203 = arith.constant 0 : i32
      %dma_start3A_204 = tpu.memref_slice %arg12[%run_scoped3A_13, %dma_start3A_203] : memref<8x16xi32, #tpu.memory_space<vmem>> -> memref<1x16xi32, #tpu.memory_space<vmem>>
      %dma_start3A_205 = tpu.memref_squeeze %dma_start3A_204 : memref<1x16xi32, #tpu.memory_space<vmem>> -> memref<16xi32, #tpu.memory_space<vmem>>
      %dma_start3A_206 = tpu.memref_slice %arg3[%run_scoped3A_12, %add3A_11] : memref<2x2048xi32, #tpu.memory_space<hbm>> -> memref<1x16xi32, #tpu.memory_space<hbm>>
      %dma_start3A_207 = tpu.memref_squeeze %dma_start3A_206 : memref<1x16xi32, #tpu.memory_space<hbm>> -> memref<16xi32, #tpu.memory_space<hbm>>
      tpu.enqueue_dma source(%dma_start3A_207 : memref<16xi32, #tpu.memory_space<hbm>>) target(%dma_start3A_205 : memref<16xi32, #tpu.memory_space<vmem>>) target_semaphore(%run_scoped3A_197 : memref<!tpu.dma_semaphore, #tpu.memory_space<semaphore_mem>>)
      %dma_wait3A_208 = arith.constant 0 : i32
      %dma_wait3A_209 = tpu.memref_slice %arg12[%run_scoped3A_13, %dma_wait3A_208] : memref<8x16xi32, #tpu.memory_space<vmem>> -> memref<1x16xi32, #tpu.memory_space<vmem>>
      %dma_wait3A_210 = tpu.memref_squeeze %dma_wait3A_209 : memref<1x16xi32, #tpu.memory_space<vmem>> -> memref<16xi32, #tpu.memory_space<vmem>>
      %dma_wait3A_211 = tpu.memref_slice %arg3[%run_scoped3A_12, %add3A_11] : memref<2x2048xi32, #tpu.memory_space<hbm>> -> memref<1x16xi32, #tpu.memory_space<hbm>>
      %dma_wait3A_212 = tpu.memref_squeeze %dma_wait3A_211 : memref<1x16xi32, #tpu.memory_space<hbm>> -> memref<16xi32, #tpu.memory_space<hbm>>
      %dma_wait3A_213 = arith.constant 0 : i32
      %dma_wait3A_214 = tpu.memref_slice %arg12[%run_scoped3A_13, %dma_wait3A_213] : memref<8x16xi32, #tpu.memory_space<vmem>> -> memref<1x16xi32, #tpu.memory_space<vmem>>
      %dma_wait3A_215 = tpu.memref_squeeze %dma_wait3A_214 : memref<1x16xi32, #tpu.memory_space<vmem>> -> memref<16xi32, #tpu.memory_space<vmem>>
      %dma_wait3A_216 = tpu.memref_slice %arg3[%run_scoped3A_12, %add3A_11] : memref<2x2048xi32, #tpu.memory_space<hbm>> -> memref<1x16xi32, #tpu.memory_space<hbm>>
      %dma_wait3A_217 = tpu.memref_squeeze %dma_wait3A_216 : memref<1x16xi32, #tpu.memory_space<hbm>> -> memref<16xi32, #tpu.memory_space<hbm>>
      tpu.wait_dma2 semaphore(%run_scoped3A_197 : memref<!tpu.dma_semaphore, #tpu.memory_space<semaphore_mem>>) src(%dma_wait3A_217 : memref<16xi32, #tpu.memory_space<hbm>>) dst(%dma_wait3A_215 : memref<16xi32, #tpu.memory_space<vmem>>)
      tpu.yield
    }) : () -> ()
    %add3A_14 = arith.constant 16 : i32
    %add3A_15 = arith.addi %mul3A_2, %add3A_14 : i32
    %run_scoped3A_16 = arith.constant 1 : i32
    %run_scoped3A_17 = arith.constant 3 : i32
    "tpu.region"() ({
      %run_scoped3A_197 = tpu.sem_alloc : memref<!tpu.dma_semaphore, #tpu.memory_space<semaphore_mem>>
      %dma_start3A_198 = arith.constant 0 : i32
      %dma_start3A_199 = tpu.memref_slice %arg12[%run_scoped3A_17, %dma_start3A_198] : memref<8x16xi32, #tpu.memory_space<vmem>> -> memref<1x16xi32, #tpu.memory_space<vmem>>
      %dma_start3A_200 = tpu.memref_squeeze %dma_start3A_199 : memref<1x16xi32, #tpu.memory_space<vmem>> -> memref<16xi32, #tpu.memory_space<vmem>>
      %dma_start3A_201 = tpu.memref_slice %arg3[%run_scoped3A_16, %add3A_15] : memref<2x2048xi32, #tpu.memory_space<hbm>> -> memref<1x16xi32, #tpu.memory_space<hbm>>
      %dma_start3A_202 = tpu.memref_squeeze %dma_start3A_201 : memref<1x16xi32, #tpu.memory_space<hbm>> -> memref<16xi32, #tpu.memory_space<hbm>>
      %dma_start3A_203 = arith.constant 0 : i32
      %dma_start3A_204 = tpu.memref_slice %arg12[%run_scoped3A_17, %dma_start3A_203] : memref<8x16xi32, #tpu.memory_space<vmem>> -> memref<1x16xi32, #tpu.memory_space<vmem>>
      %dma_start3A_205 = tpu.memref_squeeze %dma_start3A_204 : memref<1x16xi32, #tpu.memory_space<vmem>> -> memref<16xi32, #tpu.memory_space<vmem>>
      %dma_start3A_206 = tpu.memref_slice %arg3[%run_scoped3A_16, %add3A_15] : memref<2x2048xi32, #tpu.memory_space<hbm>> -> memref<1x16xi32, #tpu.memory_space<hbm>>
      %dma_start3A_207 = tpu.memref_squeeze %dma_start3A_206 : memref<1x16xi32, #tpu.memory_space<hbm>> -> memref<16xi32, #tpu.memory_space<hbm>>
      tpu.enqueue_dma source(%dma_start3A_207 : memref<16xi32, #tpu.memory_space<hbm>>) target(%dma_start3A_205 : memref<16xi32, #tpu.memory_space<vmem>>) target_semaphore(%run_scoped3A_197 : memref<!tpu.dma_semaphore, #tpu.memory_space<semaphore_mem>>)
      %dma_wait3A_208 = arith.constant 0 : i32
      %dma_wait3A_209 = tpu.memref_slice %arg12[%run_scoped3A_17, %dma_wait3A_208] : memref<8x16xi32, #tpu.memory_space<vmem>> -> memref<1x16xi32, #tpu.memory_space<vmem>>
      %dma_wait3A_210 = tpu.memref_squeeze %dma_wait3A_209 : memref<1x16xi32, #tpu.memory_space<vmem>> -> memref<16xi32, #tpu.memory_space<vmem>>
      %dma_wait3A_211 = tpu.memref_slice %arg3[%run_scoped3A_16, %add3A_15] : memref<2x2048xi32, #tpu.memory_space<hbm>> -> memref<1x16xi32, #tpu.memory_space<hbm>>
      %dma_wait3A_212 = tpu.memref_squeeze %dma_wait3A_211 : memref<1x16xi32, #tpu.memory_space<hbm>> -> memref<16xi32, #tpu.memory_space<hbm>>
      %dma_wait3A_213 = arith.constant 0 : i32
      %dma_wait3A_214 = tpu.memref_slice %arg12[%run_scoped3A_17, %dma_wait3A_213] : memref<8x16xi32, #tpu.memory_space<vmem>> -> memref<1x16xi32, #tpu.memory_space<vmem>>
      %dma_wait3A_215 = tpu.memref_squeeze %dma_wait3A_214 : memref<1x16xi32, #tpu.memory_space<vmem>> -> memref<16xi32, #tpu.memory_space<vmem>>
      %dma_wait3A_216 = tpu.memref_slice %arg3[%run_scoped3A_16, %add3A_15] : memref<2x2048xi32, #tpu.memory_space<hbm>> -> memref<1x16xi32, #tpu.memory_space<hbm>>
      %dma_wait3A_217 = tpu.memref_squeeze %dma_wait3A_216 : memref<1x16xi32, #tpu.memory_space<hbm>> -> memref<16xi32, #tpu.memory_space<hbm>>
      tpu.wait_dma2 semaphore(%run_scoped3A_197 : memref<!tpu.dma_semaphore, #tpu.memory_space<semaphore_mem>>) src(%dma_wait3A_217 : memref<16xi32, #tpu.memory_space<hbm>>) dst(%dma_wait3A_215 : memref<16xi32, #tpu.memory_space<vmem>>)
      tpu.yield
    }) : () -> ()
    %add3A_18 = arith.constant 32 : i32
    %add3A_19 = arith.addi %mul3A_2, %add3A_18 : i32
    %run_scoped3A_20 = arith.constant 0 : i32
    %run_scoped3A_21 = arith.constant 4 : i32
    "tpu.region"() ({
      %run_scoped3A_197 = tpu.sem_alloc : memref<!tpu.dma_semaphore, #tpu.memory_space<semaphore_mem>>
      %dma_start3A_198 = arith.constant 0 : i32
      %dma_start3A_199 = tpu.memref_slice %arg12[%run_scoped3A_21, %dma_start3A_198] : memref<8x16xi32, #tpu.memory_space<vmem>> -> memref<1x16xi32, #tpu.memory_space<vmem>>
      %dma_start3A_200 = tpu.memref_squeeze %dma_start3A_199 : memref<1x16xi32, #tpu.memory_space<vmem>> -> memref<16xi32, #tpu.memory_space<vmem>>
      %dma_start3A_201 = tpu.memref_slice %arg3[%run_scoped3A_20, %add3A_19] : memref<2x2048xi32, #tpu.memory_space<hbm>> -> memref<1x16xi32, #tpu.memory_space<hbm>>
      %dma_start3A_202 = tpu.memref_squeeze %dma_start3A_201 : memref<1x16xi32, #tpu.memory_space<hbm>> -> memref<16xi32, #tpu.memory_space<hbm>>
      %dma_start3A_203 = arith.constant 0 : i32
      %dma_start3A_204 = tpu.memref_slice %arg12[%run_scoped3A_21, %dma_start3A_203] : memref<8x16xi32, #tpu.memory_space<vmem>> -> memref<1x16xi32, #tpu.memory_space<vmem>>
      %dma_start3A_205 = tpu.memref_squeeze %dma_start3A_204 : memref<1x16xi32, #tpu.memory_space<vmem>> -> memref<16xi32, #tpu.memory_space<vmem>>
      %dma_start3A_206 = tpu.memref_slice %arg3[%run_scoped3A_20, %add3A_19] : memref<2x2048xi32, #tpu.memory_space<hbm>> -> memref<1x16xi32, #tpu.memory_space<hbm>>
      %dma_start3A_207 = tpu.memref_squeeze %dma_start3A_206 : memref<1x16xi32, #tpu.memory_space<hbm>> -> memref<16xi32, #tpu.memory_space<hbm>>
      tpu.enqueue_dma source(%dma_start3A_207 : memref<16xi32, #tpu.memory_space<hbm>>) target(%dma_start3A_205 : memref<16xi32, #tpu.memory_space<vmem>>) target_semaphore(%run_scoped3A_197 : memref<!tpu.dma_semaphore, #tpu.memory_space<semaphore_mem>>)
      %dma_wait3A_208 = arith.constant 0 : i32
      %dma_wait3A_209 = tpu.memref_slice %arg12[%run_scoped3A_21, %dma_wait3A_208] : memref<8x16xi32, #tpu.memory_space<vmem>> -> memref<1x16xi32, #tpu.memory_space<vmem>>
      %dma_wait3A_210 = tpu.memref_squeeze %dma_wait3A_209 : memref<1x16xi32, #tpu.memory_space<vmem>> -> memref<16xi32, #tpu.memory_space<vmem>>
      %dma_wait3A_211 = tpu.memref_slice %arg3[%run_scoped3A_20, %add3A_19] : memref<2x2048xi32, #tpu.memory_space<hbm>> -> memref<1x16xi32, #tpu.memory_space<hbm>>
      %dma_wait3A_212 = tpu.memref_squeeze %dma_wait3A_211 : memref<1x16xi32, #tpu.memory_space<hbm>> -> memref<16xi32, #tpu.memory_space<hbm>>
      %dma_wait3A_213 = arith.constant 0 : i32
      %dma_wait3A_214 = tpu.memref_slice %arg12[%run_scoped3A_21, %dma_wait3A_213] : memref<8x16xi32, #tpu.memory_space<vmem>> -> memref<1x16xi32, #tpu.memory_space<vmem>>
      %dma_wait3A_215 = tpu.memref_squeeze %dma_wait3A_214 : memref<1x16xi32, #tpu.memory_space<vmem>> -> memref<16xi32, #tpu.memory_space<vmem>>
      %dma_wait3A_216 = tpu.memref_slice %arg3[%run_scoped3A_20, %add3A_19] : memref<2x2048xi32, #tpu.memory_space<hbm>> -> memref<1x16xi32, #tpu.memory_space<hbm>>
      %dma_wait3A_217 = tpu.memref_squeeze %dma_wait3A_216 : memref<1x16xi32, #tpu.memory_space<hbm>> -> memref<16xi32, #tpu.memory_space<hbm>>
      tpu.wait_dma2 semaphore(%run_scoped3A_197 : memref<!tpu.dma_semaphore, #tpu.memory_space<semaphore_mem>>) src(%dma_wait3A_217 : memref<16xi32, #tpu.memory_space<hbm>>) dst(%dma_wait3A_215 : memref<16xi32, #tpu.memory_space<vmem>>)
      tpu.yield
    }) : () -> ()
    %add3A_22 = arith.constant 32 : i32
    %add3A_23 = arith.addi %mul3A_2, %add3A_22 : i32
    %run_scoped3A_24 = arith.constant 1 : i32
    %run_scoped3A_25 = arith.constant 5 : i32
    "tpu.region"() ({
      %run_scoped3A_197 = tpu.sem_alloc : memref<!tpu.dma_semaphore, #tpu.memory_space<semaphore_mem>>
      %dma_start3A_198 = arith.constant 0 : i32
      %dma_start3A_199 = tpu.memref_slice %arg12[%run_scoped3A_25, %dma_start3A_198] : memref<8x16xi32, #tpu.memory_space<vmem>> -> memref<1x16xi32, #tpu.memory_space<vmem>>
      %dma_start3A_200 = tpu.memref_squeeze %dma_start3A_199 : memref<1x16xi32, #tpu.memory_space<vmem>> -> memref<16xi32, #tpu.memory_space<vmem>>
      %dma_start3A_201 = tpu.memref_slice %arg3[%run_scoped3A_24, %add3A_23] : memref<2x2048xi32, #tpu.memory_space<hbm>> -> memref<1x16xi32, #tpu.memory_space<hbm>>
      %dma_start3A_202 = tpu.memref_squeeze %dma_start3A_201 : memref<1x16xi32, #tpu.memory_space<hbm>> -> memref<16xi32, #tpu.memory_space<hbm>>
      %dma_start3A_203 = arith.constant 0 : i32
      %dma_start3A_204 = tpu.memref_slice %arg12[%run_scoped3A_25, %dma_start3A_203] : memref<8x16xi32, #tpu.memory_space<vmem>> -> memref<1x16xi32, #tpu.memory_space<vmem>>
      %dma_start3A_205 = tpu.memref_squeeze %dma_start3A_204 : memref<1x16xi32, #tpu.memory_space<vmem>> -> memref<16xi32, #tpu.memory_space<vmem>>
      %dma_start3A_206 = tpu.memref_slice %arg3[%run_scoped3A_24, %add3A_23] : memref<2x2048xi32, #tpu.memory_space<hbm>> -> memref<1x16xi32, #tpu.memory_space<hbm>>
      %dma_start3A_207 = tpu.memref_squeeze %dma_start3A_206 : memref<1x16xi32, #tpu.memory_space<hbm>> -> memref<16xi32, #tpu.memory_space<hbm>>
      tpu.enqueue_dma source(%dma_start3A_207 : memref<16xi32, #tpu.memory_space<hbm>>) target(%dma_start3A_205 : memref<16xi32, #tpu.memory_space<vmem>>) target_semaphore(%run_scoped3A_197 : memref<!tpu.dma_semaphore, #tpu.memory_space<semaphore_mem>>)
      %dma_wait3A_208 = arith.constant 0 : i32
      %dma_wait3A_209 = tpu.memref_slice %arg12[%run_scoped3A_25, %dma_wait3A_208] : memref<8x16xi32, #tpu.memory_space<vmem>> -> memref<1x16xi32, #tpu.memory_space<vmem>>
      %dma_wait3A_210 = tpu.memref_squeeze %dma_wait3A_209 : memref<1x16xi32, #tpu.memory_space<vmem>> -> memref<16xi32, #tpu.memory_space<vmem>>
      %dma_wait3A_211 = tpu.memref_slice %arg3[%run_scoped3A_24, %add3A_23] : memref<2x2048xi32, #tpu.memory_space<hbm>> -> memref<1x16xi32, #tpu.memory_space<hbm>>
      %dma_wait3A_212 = tpu.memref_squeeze %dma_wait3A_211 : memref<1x16xi32, #tpu.memory_space<hbm>> -> memref<16xi32, #tpu.memory_space<hbm>>
      %dma_wait3A_213 = arith.constant 0 : i32
      %dma_wait3A_214 = tpu.memref_slice %arg12[%run_scoped3A_25, %dma_wait3A_213] : memref<8x16xi32, #tpu.memory_space<vmem>> -> memref<1x16xi32, #tpu.memory_space<vmem>>
      %dma_wait3A_215 = tpu.memref_squeeze %dma_wait3A_214 : memref<1x16xi32, #tpu.memory_space<vmem>> -> memref<16xi32, #tpu.memory_space<vmem>>
      %dma_wait3A_216 = tpu.memref_slice %arg3[%run_scoped3A_24, %add3A_23] : memref<2x2048xi32, #tpu.memory_space<hbm>> -> memref<1x16xi32, #tpu.memory_space<hbm>>
      %dma_wait3A_217 = tpu.memref_squeeze %dma_wait3A_216 : memref<1x16xi32, #tpu.memory_space<hbm>> -> memref<16xi32, #tpu.memory_space<hbm>>
      tpu.wait_dma2 semaphore(%run_scoped3A_197 : memref<!tpu.dma_semaphore, #tpu.memory_space<semaphore_mem>>) src(%dma_wait3A_217 : memref<16xi32, #tpu.memory_space<hbm>>) dst(%dma_wait3A_215 : memref<16xi32, #tpu.memory_space<vmem>>)
      tpu.yield
    }) : () -> ()
    %add3A_26 = arith.constant 48 : i32
    %add3A_27 = arith.addi %mul3A_2, %add3A_26 : i32
    %run_scoped3A_28 = arith.constant 0 : i32
    %run_scoped3A_29 = arith.constant 6 : i32
    "tpu.region"() ({
      %run_scoped3A_197 = tpu.sem_alloc : memref<!tpu.dma_semaphore, #tpu.memory_space<semaphore_mem>>
      %dma_start3A_198 = arith.constant 0 : i32
      %dma_start3A_199 = tpu.memref_slice %arg12[%run_scoped3A_29, %dma_start3A_198] : memref<8x16xi32, #tpu.memory_space<vmem>> -> memref<1x16xi32, #tpu.memory_space<vmem>>
      %dma_start3A_200 = tpu.memref_squeeze %dma_start3A_199 : memref<1x16xi32, #tpu.memory_space<vmem>> -> memref<16xi32, #tpu.memory_space<vmem>>
      %dma_start3A_201 = tpu.memref_slice %arg3[%run_scoped3A_28, %add3A_27] : memref<2x2048xi32, #tpu.memory_space<hbm>> -> memref<1x16xi32, #tpu.memory_space<hbm>>
      %dma_start3A_202 = tpu.memref_squeeze %dma_start3A_201 : memref<1x16xi32, #tpu.memory_space<hbm>> -> memref<16xi32, #tpu.memory_space<hbm>>
      %dma_start3A_203 = arith.constant 0 : i32
      %dma_start3A_204 = tpu.memref_slice %arg12[%run_scoped3A_29, %dma_start3A_203] : memref<8x16xi32, #tpu.memory_space<vmem>> -> memref<1x16xi32, #tpu.memory_space<vmem>>
      %dma_start3A_205 = tpu.memref_squeeze %dma_start3A_204 : memref<1x16xi32, #tpu.memory_space<vmem>> -> memref<16xi32, #tpu.memory_space<vmem>>
      %dma_start3A_206 = tpu.memref_slice %arg3[%run_scoped3A_28, %add3A_27] : memref<2x2048xi32, #tpu.memory_space<hbm>> -> memref<1x16xi32, #tpu.memory_space<hbm>>
      %dma_start3A_207 = tpu.memref_squeeze %dma_start3A_206 : memref<1x16xi32, #tpu.memory_space<hbm>> -> memref<16xi32, #tpu.memory_space<hbm>>
      tpu.enqueue_dma source(%dma_start3A_207 : memref<16xi32, #tpu.memory_space<hbm>>) target(%dma_start3A_205 : memref<16xi32, #tpu.memory_space<vmem>>) target_semaphore(%run_scoped3A_197 : memref<!tpu.dma_semaphore, #tpu.memory_space<semaphore_mem>>)
      %dma_wait3A_208 = arith.constant 0 : i32
      %dma_wait3A_209 = tpu.memref_slice %arg12[%run_scoped3A_29, %dma_wait3A_208] : memref<8x16xi32, #tpu.memory_space<vmem>> -> memref<1x16xi32, #tpu.memory_space<vmem>>
      %dma_wait3A_210 = tpu.memref_squeeze %dma_wait3A_209 : memref<1x16xi32, #tpu.memory_space<vmem>> -> memref<16xi32, #tpu.memory_space<vmem>>
      %dma_wait3A_211 = tpu.memref_slice %arg3[%run_scoped3A_28, %add3A_27] : memref<2x2048xi32, #tpu.memory_space<hbm>> -> memref<1x16xi32, #tpu.memory_space<hbm>>
      %dma_wait3A_212 = tpu.memref_squeeze %dma_wait3A_211 : memref<1x16xi32, #tpu.memory_space<hbm>> -> memref<16xi32, #tpu.memory_space<hbm>>
      %dma_wait3A_213 = arith.constant 0 : i32
      %dma_wait3A_214 = tpu.memref_slice %arg12[%run_scoped3A_29, %dma_wait3A_213] : memref<8x16xi32, #tpu.memory_space<vmem>> -> memref<1x16xi32, #tpu.memory_space<vmem>>
      %dma_wait3A_215 = tpu.memref_squeeze %dma_wait3A_214 : memref<1x16xi32, #tpu.memory_space<vmem>> -> memref<16xi32, #tpu.memory_space<vmem>>
      %dma_wait3A_216 = tpu.memref_slice %arg3[%run_scoped3A_28, %add3A_27] : memref<2x2048xi32, #tpu.memory_space<hbm>> -> memref<1x16xi32, #tpu.memory_space<hbm>>
      %dma_wait3A_217 = tpu.memref_squeeze %dma_wait3A_216 : memref<1x16xi32, #tpu.memory_space<hbm>> -> memref<16xi32, #tpu.memory_space<hbm>>
      tpu.wait_dma2 semaphore(%run_scoped3A_197 : memref<!tpu.dma_semaphore, #tpu.memory_space<semaphore_mem>>) src(%dma_wait3A_217 : memref<16xi32, #tpu.memory_space<hbm>>) dst(%dma_wait3A_215 : memref<16xi32, #tpu.memory_space<vmem>>)
      tpu.yield
    }) : () -> ()
    %add3A_30 = arith.constant 48 : i32
    %add3A_31 = arith.addi %mul3A_2, %add3A_30 : i32
    %run_scoped3A_32 = arith.constant 1 : i32
    %run_scoped3A_33 = arith.constant 7 : i32
    "tpu.region"() ({
      %run_scoped3A_197 = tpu.sem_alloc : memref<!tpu.dma_semaphore, #tpu.memory_space<semaphore_mem>>
      %dma_start3A_198 = arith.constant 0 : i32
      %dma_start3A_199 = tpu.memref_slice %arg12[%run_scoped3A_33, %dma_start3A_198] : memref<8x16xi32, #tpu.memory_space<vmem>> -> memref<1x16xi32, #tpu.memory_space<vmem>>
      %dma_start3A_200 = tpu.memref_squeeze %dma_start3A_199 : memref<1x16xi32, #tpu.memory_space<vmem>> -> memref<16xi32, #tpu.memory_space<vmem>>
      %dma_start3A_201 = tpu.memref_slice %arg3[%run_scoped3A_32, %add3A_31] : memref<2x2048xi32, #tpu.memory_space<hbm>> -> memref<1x16xi32, #tpu.memory_space<hbm>>
      %dma_start3A_202 = tpu.memref_squeeze %dma_start3A_201 : memref<1x16xi32, #tpu.memory_space<hbm>> -> memref<16xi32, #tpu.memory_space<hbm>>
      %dma_start3A_203 = arith.constant 0 : i32
      %dma_start3A_204 = tpu.memref_slice %arg12[%run_scoped3A_33, %dma_start3A_203] : memref<8x16xi32, #tpu.memory_space<vmem>> -> memref<1x16xi32, #tpu.memory_space<vmem>>
      %dma_start3A_205 = tpu.memref_squeeze %dma_start3A_204 : memref<1x16xi32, #tpu.memory_space<vmem>> -> memref<16xi32, #tpu.memory_space<vmem>>
      %dma_start3A_206 = tpu.memref_slice %arg3[%run_scoped3A_32, %add3A_31] : memref<2x2048xi32, #tpu.memory_space<hbm>> -> memref<1x16xi32, #tpu.memory_space<hbm>>
      %dma_start3A_207 = tpu.memref_squeeze %dma_start3A_206 : memref<1x16xi32, #tpu.memory_space<hbm>> -> memref<16xi32, #tpu.memory_space<hbm>>
      tpu.enqueue_dma source(%dma_start3A_207 : memref<16xi32, #tpu.memory_space<hbm>>) target(%dma_start3A_205 : memref<16xi32, #tpu.memory_space<vmem>>) target_semaphore(%run_scoped3A_197 : memref<!tpu.dma_semaphore, #tpu.memory_space<semaphore_mem>>)
      %dma_wait3A_208 = arith.constant 0 : i32
      %dma_wait3A_209 = tpu.memref_slice %arg12[%run_scoped3A_33, %dma_wait3A_208] : memref<8x16xi32, #tpu.memory_space<vmem>> -> memref<1x16xi32, #tpu.memory_space<vmem>>
      %dma_wait3A_210 = tpu.memref_squeeze %dma_wait3A_209 : memref<1x16xi32, #tpu.memory_space<vmem>> -> memref<16xi32, #tpu.memory_space<vmem>>
      %dma_wait3A_211 = tpu.memref_slice %arg3[%run_scoped3A_32, %add3A_31] : memref<2x2048xi32, #tpu.memory_space<hbm>> -> memref<1x16xi32, #tpu.memory_space<hbm>>
      %dma_wait3A_212 = tpu.memref_squeeze %dma_wait3A_211 : memref<1x16xi32, #tpu.memory_space<hbm>> -> memref<16xi32, #tpu.memory_space<hbm>>
      %dma_wait3A_213 = arith.constant 0 : i32
      %dma_wait3A_214 = tpu.memref_slice %arg12[%run_scoped3A_33, %dma_wait3A_213] : memref<8x16xi32, #tpu.memory_space<vmem>> -> memref<1x16xi32, #tpu.memory_space<vmem>>
      %dma_wait3A_215 = tpu.memref_squeeze %dma_wait3A_214 : memref<1x16xi32, #tpu.memory_space<vmem>> -> memref<16xi32, #tpu.memory_space<vmem>>
      %dma_wait3A_216 = tpu.memref_slice %arg3[%run_scoped3A_32, %add3A_31] : memref<2x2048xi32, #tpu.memory_space<hbm>> -> memref<1x16xi32, #tpu.memory_space<hbm>>
      %dma_wait3A_217 = tpu.memref_squeeze %dma_wait3A_216 : memref<1x16xi32, #tpu.memory_space<hbm>> -> memref<16xi32, #tpu.memory_space<hbm>>
      tpu.wait_dma2 semaphore(%run_scoped3A_197 : memref<!tpu.dma_semaphore, #tpu.memory_space<semaphore_mem>>) src(%dma_wait3A_217 : memref<16xi32, #tpu.memory_space<hbm>>) dst(%dma_wait3A_215 : memref<16xi32, #tpu.memory_space<vmem>>)
      tpu.yield
    }) : () -> ()
    %run_scoped3A_34 = arith.constant 0 : i32
    "tpu.region"() ({
      %run_scoped3A_197 = tpu.sem_alloc : memref<!tpu.dma_semaphore, #tpu.memory_space<semaphore_mem>>
      %dma_start3A_198 = arith.constant 0 : i32
      %dma_start3A_199 = tpu.memref_slice %arg4[%run_scoped3A_34, %mul3A_2, %dma_start3A_198] : memref<2x2048x16xf32, #tpu.memory_space<hbm>> -> memref<1x64x16xf32, #tpu.memory_space<hbm>>
      %dma_start3A_200 = tpu.memref_squeeze %dma_start3A_199 : memref<1x64x16xf32, #tpu.memory_space<hbm>> -> memref<64x16xf32, #tpu.memory_space<hbm>>
      %dma_start3A_201 = arith.constant 0 : i32
      %dma_start3A_202 = tpu.memref_slice %arg4[%run_scoped3A_34, %mul3A_2, %dma_start3A_201] : memref<2x2048x16xf32, #tpu.memory_space<hbm>> -> memref<1x64x16xf32, #tpu.memory_space<hbm>>
      %dma_start3A_203 = tpu.memref_squeeze %dma_start3A_202 : memref<1x64x16xf32, #tpu.memory_space<hbm>> -> memref<64x16xf32, #tpu.memory_space<hbm>>
      tpu.enqueue_dma source(%dma_start3A_203 : memref<64x16xf32, #tpu.memory_space<hbm>>) target(%arg13 : memref<64x16xf32, #tpu.memory_space<vmem>>) target_semaphore(%run_scoped3A_197 : memref<!tpu.dma_semaphore, #tpu.memory_space<semaphore_mem>>)
      %dma_wait3A_204 = arith.constant 0 : i32
      %dma_wait3A_205 = tpu.memref_slice %arg4[%run_scoped3A_34, %mul3A_2, %dma_wait3A_204] : memref<2x2048x16xf32, #tpu.memory_space<hbm>> -> memref<1x64x16xf32, #tpu.memory_space<hbm>>
      %dma_wait3A_206 = tpu.memref_squeeze %dma_wait3A_205 : memref<1x64x16xf32, #tpu.memory_space<hbm>> -> memref<64x16xf32, #tpu.memory_space<hbm>>
      %dma_wait3A_207 = arith.constant 0 : i32
      %dma_wait3A_208 = tpu.memref_slice %arg4[%run_scoped3A_34, %mul3A_2, %dma_wait3A_207] : memref<2x2048x16xf32, #tpu.memory_space<hbm>> -> memref<1x64x16xf32, #tpu.memory_space<hbm>>
      %dma_wait3A_209 = tpu.memref_squeeze %dma_wait3A_208 : memref<1x64x16xf32, #tpu.memory_space<hbm>> -> memref<64x16xf32, #tpu.memory_space<hbm>>
      tpu.wait_dma2 semaphore(%run_scoped3A_197 : memref<!tpu.dma_semaphore, #tpu.memory_space<semaphore_mem>>) src(%dma_wait3A_209 : memref<64x16xf32, #tpu.memory_space<hbm>>) dst(%arg13 : memref<64x16xf32, #tpu.memory_space<vmem>>)
      tpu.yield
    }) : () -> ()
    %run_scoped3A_35 = arith.constant 1 : i32
    "tpu.region"() ({
      %run_scoped3A_197 = tpu.sem_alloc : memref<!tpu.dma_semaphore, #tpu.memory_space<semaphore_mem>>
      %dma_start3A_198 = arith.constant 0 : i32
      %dma_start3A_199 = tpu.memref_slice %arg4[%run_scoped3A_35, %mul3A_2, %dma_start3A_198] : memref<2x2048x16xf32, #tpu.memory_space<hbm>> -> memref<1x64x16xf32, #tpu.memory_space<hbm>>
      %dma_start3A_200 = tpu.memref_squeeze %dma_start3A_199 : memref<1x64x16xf32, #tpu.memory_space<hbm>> -> memref<64x16xf32, #tpu.memory_space<hbm>>
      %dma_start3A_201 = arith.constant 0 : i32
      %dma_start3A_202 = tpu.memref_slice %arg4[%run_scoped3A_35, %mul3A_2, %dma_start3A_201] : memref<2x2048x16xf32, #tpu.memory_space<hbm>> -> memref<1x64x16xf32, #tpu.memory_space<hbm>>
      %dma_start3A_203 = tpu.memref_squeeze %dma_start3A_202 : memref<1x64x16xf32, #tpu.memory_space<hbm>> -> memref<64x16xf32, #tpu.memory_space<hbm>>
      tpu.enqueue_dma source(%dma_start3A_203 : memref<64x16xf32, #tpu.memory_space<hbm>>) target(%arg14 : memref<64x16xf32, #tpu.memory_space<vmem>>) target_semaphore(%run_scoped3A_197 : memref<!tpu.dma_semaphore, #tpu.memory_space<semaphore_mem>>)
      %dma_wait3A_204 = arith.constant 0 : i32
      %dma_wait3A_205 = tpu.memref_slice %arg4[%run_scoped3A_35, %mul3A_2, %dma_wait3A_204] : memref<2x2048x16xf32, #tpu.memory_space<hbm>> -> memref<1x64x16xf32, #tpu.memory_space<hbm>>
      %dma_wait3A_206 = tpu.memref_squeeze %dma_wait3A_205 : memref<1x64x16xf32, #tpu.memory_space<hbm>> -> memref<64x16xf32, #tpu.memory_space<hbm>>
      %dma_wait3A_207 = arith.constant 0 : i32
      %dma_wait3A_208 = tpu.memref_slice %arg4[%run_scoped3A_35, %mul3A_2, %dma_wait3A_207] : memref<2x2048x16xf32, #tpu.memory_space<hbm>> -> memref<1x64x16xf32, #tpu.memory_space<hbm>>
      %dma_wait3A_209 = tpu.memref_squeeze %dma_wait3A_208 : memref<1x64x16xf32, #tpu.memory_space<hbm>> -> memref<64x16xf32, #tpu.memory_space<hbm>>
      tpu.wait_dma2 semaphore(%run_scoped3A_197 : memref<!tpu.dma_semaphore, #tpu.memory_space<semaphore_mem>>) src(%dma_wait3A_209 : memref<64x16xf32, #tpu.memory_space<hbm>>) dst(%arg14 : memref<64x16xf32, #tpu.memory_space<vmem>>)
      tpu.yield
    }) : () -> ()
    %dma_start3A = arith.constant 0 : i32
    %dma_start3A_36 = arith.constant 0 : i32
    %dma_start3A_37 = tpu.memref_slice %arg12[%dma_start3A, %dma_start3A_36] : memref<8x16xi32, #tpu.memory_space<vmem>> -> memref<1x16xi32, #tpu.memory_space<vmem>>
    %dma_start3A_38 = tpu.memref_squeeze %dma_start3A_37 : memref<1x16xi32, #tpu.memory_space<vmem>> -> memref<16xi32, #tpu.memory_space<vmem>>
    %dma_start3A_39 = arith.constant 0 : i32
    %dma_start3A_40 = arith.constant 0 : i32
    %dma_start3A_41 = tpu.memref_slice %arg2[%dma_start3A_39, %dma_start3A_40] : memref<9600x1024xf32, #tpu.memory_space<hbm>> -> memref<9600x1024xf32, #tpu.memory_space<hbm>>
    tpu.enqueue_indirect_dma source(%dma_start3A_41 : memref<9600x1024xf32, #tpu.memory_space<hbm>>) target(%arg6 : memref<16x1024xf32, #tpu.memory_space<vmem>>) offsets(%dma_start3A_38 : memref<16xi32, #tpu.memory_space<vmem>>) semaphore(%arg15 : memref<!tpu.dma_semaphore, #tpu.memory_space<semaphore_mem>>)
    %dma_start3A_42 = arith.constant 1 : i32
    %dma_start3A_43 = arith.constant 0 : i32
    %dma_start3A_44 = tpu.memref_slice %arg12[%dma_start3A_42, %dma_start3A_43] : memref<8x16xi32, #tpu.memory_space<vmem>> -> memref<1x16xi32, #tpu.memory_space<vmem>>
    %dma_start3A_45 = tpu.memref_squeeze %dma_start3A_44 : memref<1x16xi32, #tpu.memory_space<vmem>> -> memref<16xi32, #tpu.memory_space<vmem>>
    %dma_start3A_46 = arith.constant 0 : i32
    %dma_start3A_47 = arith.constant 0 : i32
    %dma_start3A_48 = tpu.memref_slice %arg2[%dma_start3A_46, %dma_start3A_47] : memref<9600x1024xf32, #tpu.memory_space<hbm>> -> memref<9600x1024xf32, #tpu.memory_space<hbm>>
    tpu.enqueue_indirect_dma source(%dma_start3A_48 : memref<9600x1024xf32, #tpu.memory_space<hbm>>) target(%arg7 : memref<16x1024xf32, #tpu.memory_space<vmem>>) offsets(%dma_start3A_45 : memref<16xi32, #tpu.memory_space<vmem>>) semaphore(%arg15 : memref<!tpu.dma_semaphore, #tpu.memory_space<semaphore_mem>>)
    %dma_start3A_49 = arith.constant 2 : i32
    %dma_start3A_50 = arith.constant 0 : i32
    %dma_start3A_51 = tpu.memref_slice %arg12[%dma_start3A_49, %dma_start3A_50] : memref<8x16xi32, #tpu.memory_space<vmem>> -> memref<1x16xi32, #tpu.memory_space<vmem>>
    %dma_start3A_52 = tpu.memref_squeeze %dma_start3A_51 : memref<1x16xi32, #tpu.memory_space<vmem>> -> memref<16xi32, #tpu.memory_space<vmem>>
    %dma_start3A_53 = arith.constant 0 : i32
    %dma_start3A_54 = arith.constant 0 : i32
    %dma_start3A_55 = tpu.memref_slice %arg2[%dma_start3A_53, %dma_start3A_54] : memref<9600x1024xf32, #tpu.memory_space<hbm>> -> memref<9600x1024xf32, #tpu.memory_space<hbm>>
    tpu.enqueue_indirect_dma source(%dma_start3A_55 : memref<9600x1024xf32, #tpu.memory_space<hbm>>) target(%arg8 : memref<16x1024xf32, #tpu.memory_space<vmem>>) offsets(%dma_start3A_52 : memref<16xi32, #tpu.memory_space<vmem>>) semaphore(%arg16 : memref<!tpu.dma_semaphore, #tpu.memory_space<semaphore_mem>>)
    %dma_start3A_56 = arith.constant 3 : i32
    %dma_start3A_57 = arith.constant 0 : i32
    %dma_start3A_58 = tpu.memref_slice %arg12[%dma_start3A_56, %dma_start3A_57] : memref<8x16xi32, #tpu.memory_space<vmem>> -> memref<1x16xi32, #tpu.memory_space<vmem>>
    %dma_start3A_59 = tpu.memref_squeeze %dma_start3A_58 : memref<1x16xi32, #tpu.memory_space<vmem>> -> memref<16xi32, #tpu.memory_space<vmem>>
    %dma_start3A_60 = arith.constant 0 : i32
    %dma_start3A_61 = arith.constant 0 : i32
    %dma_start3A_62 = tpu.memref_slice %arg2[%dma_start3A_60, %dma_start3A_61] : memref<9600x1024xf32, #tpu.memory_space<hbm>> -> memref<9600x1024xf32, #tpu.memory_space<hbm>>
    tpu.enqueue_indirect_dma source(%dma_start3A_62 : memref<9600x1024xf32, #tpu.memory_space<hbm>>) target(%arg9 : memref<16x1024xf32, #tpu.memory_space<vmem>>) offsets(%dma_start3A_59 : memref<16xi32, #tpu.memory_space<vmem>>) semaphore(%arg16 : memref<!tpu.dma_semaphore, #tpu.memory_space<semaphore_mem>>)
    %add3A_63 = arith.constant 0 : i32
    %add3A_64 = arith.addi %mul3A_2, %add3A_63 : i32
    %dma_wait3A = arith.constant 0 : i32
    %dma_wait3A_65 = arith.constant 0 : i32
    %dma_wait3A_66 = tpu.memref_slice %arg12[%dma_wait3A, %dma_wait3A_65] : memref<8x16xi32, #tpu.memory_space<vmem>> -> memref<1x16xi32, #tpu.memory_space<vmem>>
    %dma_wait3A_67 = tpu.memref_squeeze %dma_wait3A_66 : memref<1x16xi32, #tpu.memory_space<vmem>> -> memref<16xi32, #tpu.memory_space<vmem>>
    %dma_wait3A_68 = arith.constant 0 : i32
    %dma_wait3A_69 = arith.constant 0 : i32
    %dma_wait3A_70 = tpu.memref_slice %arg2[%dma_wait3A_68, %dma_wait3A_69] : memref<9600x1024xf32, #tpu.memory_space<hbm>> -> memref<9600x1024xf32, #tpu.memory_space<hbm>>
    tpu.wait_indirect_dma semaphore(%arg15 : memref<!tpu.dma_semaphore, #tpu.memory_space<semaphore_mem>>) src(%dma_wait3A_70 : memref<9600x1024xf32, #tpu.memory_space<hbm>>) dst(%arg6 : memref<16x1024xf32, #tpu.memory_space<vmem>>)
    %dma_wait3A_71 = arith.constant 1 : i32
    %dma_wait3A_72 = arith.constant 0 : i32
    %dma_wait3A_73 = tpu.memref_slice %arg12[%dma_wait3A_71, %dma_wait3A_72] : memref<8x16xi32, #tpu.memory_space<vmem>> -> memref<1x16xi32, #tpu.memory_space<vmem>>
    %dma_wait3A_74 = tpu.memref_squeeze %dma_wait3A_73 : memref<1x16xi32, #tpu.memory_space<vmem>> -> memref<16xi32, #tpu.memory_space<vmem>>
    %dma_wait3A_75 = arith.constant 0 : i32
    %dma_wait3A_76 = arith.constant 0 : i32
    %dma_wait3A_77 = tpu.memref_slice %arg2[%dma_wait3A_75, %dma_wait3A_76] : memref<9600x1024xf32, #tpu.memory_space<hbm>> -> memref<9600x1024xf32, #tpu.memory_space<hbm>>
    tpu.wait_indirect_dma semaphore(%arg15 : memref<!tpu.dma_semaphore, #tpu.memory_space<semaphore_mem>>) src(%dma_wait3A_77 : memref<9600x1024xf32, #tpu.memory_space<hbm>>) dst(%arg7 : memref<16x1024xf32, #tpu.memory_space<vmem>>)
    %parallel_loop3A = arith.constant 0 : i32
    %parallel_loop3A_78 = arith.constant 16 : i32
    %parallel_loop3A_79 = arith.constant 1 : i32
    scf.for %parallel_loop3A_197 = %parallel_loop3A to %parallel_loop3A_78 step %parallel_loop3A_79  : i32 {
      %parallel_loop3A_198 = arith.constant 0 : i32
      %parallel_loop3A_199 = arith.addi %parallel_loop3A_198, %parallel_loop3A_197 : i32
      %parallel_loop3A_200 = arith.index_cast %parallel_loop3A_199 : i32 to index
      %parallel_loop3A_201 = arith.constant 0 : index
      %parallel_loop3A_202 = tpu.vector_load %arg13[%parallel_loop3A_200, %parallel_loop3A_201] {strides = array<i32>} : memref<64x16xf32, #tpu.memory_space<vmem>>, vector<1x16xf32>,
      %parallel_loop3A_203 = vector.shape_cast %parallel_loop3A_202 : vector<1x16xf32> to vector<16xf32>
      %parallel_loop3A_204 = arith.constant 0 : i32
      %parallel_loop3A_205 = arith.addi %parallel_loop3A_204, %parallel_loop3A_197 : i32
      %parallel_loop3A_206 = arith.index_cast %parallel_loop3A_205 : i32 to index
      %parallel_loop3A_207 = arith.constant 0 : index
      %parallel_loop3A_208 = tpu.vector_load %arg14[%parallel_loop3A_206, %parallel_loop3A_207] {strides = array<i32>} : memref<64x16xf32, #tpu.memory_space<vmem>>, vector<1x16xf32>,
      %parallel_loop3A_209 = vector.shape_cast %parallel_loop3A_208 : vector<1x16xf32> to vector<16xf32>
      %parallel_loop3A_210 = arith.constant 0 : i32
      %parallel_loop3A_211 = arith.constant 64 : i32
      %parallel_loop3A_212 = arith.constant 1 : i32
      scf.for %parallel_loop3A_213 = %parallel_loop3A_210 to %parallel_loop3A_211 step %parallel_loop3A_212  : i32 {
        %parallel_loop3A_214 = arith.constant 16 : i32
        %parallel_loop3A_215 = arith.muli %parallel_loop3A_213, %parallel_loop3A_214 : i32
        %parallel_loop3A_216 = arith.index_cast %parallel_loop3A_197 : i32 to index
        %parallel_loop3A_217 = arith.index_cast %parallel_loop3A_215 : i32 to index
        %parallel_loop3A_218 = tpu.vector_load %arg6[%parallel_loop3A_216, %parallel_loop3A_217] {strides = array<i32>} : memref<16x1024xf32, #tpu.memory_space<vmem>>, vector<1x16xf32>,
        %parallel_loop3A_219 = vector.shape_cast %parallel_loop3A_218 : vector<1x16xf32> to vector<16xf32>
        %parallel_loop3A_220 = arith.mulf %parallel_loop3A_219, %parallel_loop3A_203 : vector<16xf32>
        %parallel_loop3A_221 = arith.index_cast %parallel_loop3A_197 : i32 to index
        %parallel_loop3A_222 = arith.index_cast %parallel_loop3A_215 : i32 to index
        %parallel_loop3A_223 = tpu.vector_load %arg7[%parallel_loop3A_221, %parallel_loop3A_222] {strides = array<i32>} : memref<16x1024xf32, #tpu.memory_space<vmem>>, vector<1x16xf32>,
        %parallel_loop3A_224 = vector.shape_cast %parallel_loop3A_223 : vector<1x16xf32> to vector<16xf32>
        %parallel_loop3A_225 = arith.mulf %parallel_loop3A_224, %parallel_loop3A_209 : vector<16xf32>
        %parallel_loop3A_226 = arith.addf %parallel_loop3A_220, %parallel_loop3A_225 : vector<16xf32>
        %parallel_loop3A_227 = arith.index_cast %parallel_loop3A_197 : i32 to index
        %parallel_loop3A_228 = arith.index_cast %parallel_loop3A_215 : i32 to index
        %parallel_loop3A_229 = tpu.vector_load %arg6[%parallel_loop3A_227, %parallel_loop3A_228] {strides = array<i32>} : memref<16x1024xf32, #tpu.memory_space<vmem>>, vector<1x16xf32>,
        %parallel_loop3A_230 = vector.shape_cast %parallel_loop3A_229 : vector<1x16xf32> to vector<16xf32>
        %parallel_loop3A_231 = vector.shape_cast %parallel_loop3A_226 : vector<16xf32> to vector<1x16xf32>
        tpu.vector_store %arg6[%parallel_loop3A_227, %parallel_loop3A_228], %parallel_loop3A_231 {strides = array<i32>} : memref<16x1024xf32, #tpu.memory_space<vmem>>, vector<1x16xf32>,
      } {sc.loop_unroll_factor = 8 : i64, sc.parallel_access}
    } {sc.loop_unroll_factor = 1 : i64, sc.parallel_access}
    %dma_start3A_80 = arith.constant 0 : i32
    %dma_start3A_81 = tpu.memref_slice %arg5[%add3A_64, %dma_start3A_80] : memref<2048x1024xf32, #tpu.memory_space<hbm>> -> memref<16x1024xf32, #tpu.memory_space<hbm>>
    %dma_start3A_82 = arith.constant 0 : i32
    %dma_start3A_83 = tpu.memref_slice %arg5[%add3A_64, %dma_start3A_82] : memref<2048x1024xf32, #tpu.memory_space<hbm>> -> memref<16x1024xf32, #tpu.memory_space<hbm>>
    tpu.enqueue_dma source(%arg6 : memref<16x1024xf32, #tpu.memory_space<vmem>>) target(%dma_start3A_83 : memref<16x1024xf32, #tpu.memory_space<hbm>>) target_semaphore(%arg18 : memref<!tpu.dma_semaphore, #tpu.memory_space<semaphore_mem>>)
    %dma_start3A_84 = arith.constant 4 : i32
    %dma_start3A_85 = arith.constant 0 : i32
    %dma_start3A_86 = tpu.memref_slice %arg12[%dma_start3A_84, %dma_start3A_85] : memref<8x16xi32, #tpu.memory_space<vmem>> -> memref<1x16xi32, #tpu.memory_space<vmem>>
    %dma_start3A_87 = tpu.memref_squeeze %dma_start3A_86 : memref<1x16xi32, #tpu.memory_space<vmem>> -> memref<16xi32, #tpu.memory_space<vmem>>
    %dma_start3A_88 = arith.constant 0 : i32
    %dma_start3A_89 = arith.constant 0 : i32
    %dma_start3A_90 = tpu.memref_slice %arg2[%dma_start3A_88, %dma_start3A_89] : memref<9600x1024xf32, #tpu.memory_space<hbm>> -> memref<9600x1024xf32, #tpu.memory_space<hbm>>
    tpu.enqueue_indirect_dma source(%dma_start3A_90 : memref<9600x1024xf32, #tpu.memory_space<hbm>>) target(%arg10 : memref<16x1024xf32, #tpu.memory_space<vmem>>) offsets(%dma_start3A_87 : memref<16xi32, #tpu.memory_space<vmem>>) semaphore(%arg17 : memref<!tpu.dma_semaphore, #tpu.memory_space<semaphore_mem>>)
    %dma_start3A_91 = arith.constant 5 : i32
    %dma_start3A_92 = arith.constant 0 : i32
    %dma_start3A_93 = tpu.memref_slice %arg12[%dma_start3A_91, %dma_start3A_92] : memref<8x16xi32, #tpu.memory_space<vmem>> -> memref<1x16xi32, #tpu.memory_space<vmem>>
    %dma_start3A_94 = tpu.memref_squeeze %dma_start3A_93 : memref<1x16xi32, #tpu.memory_space<vmem>> -> memref<16xi32, #tpu.memory_space<vmem>>
    %dma_start3A_95 = arith.constant 0 : i32
    %dma_start3A_96 = arith.constant 0 : i32
    %dma_start3A_97 = tpu.memref_slice %arg2[%dma_start3A_95, %dma_start3A_96] : memref<9600x1024xf32, #tpu.memory_space<hbm>> -> memref<9600x1024xf32, #tpu.memory_space<hbm>>
    tpu.enqueue_indirect_dma source(%dma_start3A_97 : memref<9600x1024xf32, #tpu.memory_space<hbm>>) target(%arg11 : memref<16x1024xf32, #tpu.memory_space<vmem>>) offsets(%dma_start3A_94 : memref<16xi32, #tpu.memory_space<vmem>>) semaphore(%arg17 : memref<!tpu.dma_semaphore, #tpu.memory_space<semaphore_mem>>)
    %add3A_98 = arith.constant 16 : i32
    %add3A_99 = arith.addi %mul3A_2, %add3A_98 : i32
    %dma_wait3A_100 = arith.constant 2 : i32
    %dma_wait3A_101 = arith.constant 0 : i32
    %dma_wait3A_102 = tpu.memref_slice %arg12[%dma_wait3A_100, %dma_wait3A_101] : memref<8x16xi32, #tpu.memory_space<vmem>> -> memref<1x16xi32, #tpu.memory_space<vmem>>
    %dma_wait3A_103 = tpu.memref_squeeze %dma_wait3A_102 : memref<1x16xi32, #tpu.memory_space<vmem>> -> memref<16xi32, #tpu.memory_space<vmem>>
    %dma_wait3A_104 = arith.constant 0 : i32
    %dma_wait3A_105 = arith.constant 0 : i32
    %dma_wait3A_106 = tpu.memref_slice %arg2[%dma_wait3A_104, %dma_wait3A_105] : memref<9600x1024xf32, #tpu.memory_space<hbm>> -> memref<9600x1024xf32, #tpu.memory_space<hbm>>
    tpu.wait_indirect_dma semaphore(%arg16 : memref<!tpu.dma_semaphore, #tpu.memory_space<semaphore_mem>>) src(%dma_wait3A_106 : memref<9600x1024xf32, #tpu.memory_space<hbm>>) dst(%arg8 : memref<16x1024xf32, #tpu.memory_space<vmem>>)
    %dma_wait3A_107 = arith.constant 3 : i32
    %dma_wait3A_108 = arith.constant 0 : i32
    %dma_wait3A_109 = tpu.memref_slice %arg12[%dma_wait3A_107, %dma_wait3A_108] : memref<8x16xi32, #tpu.memory_space<vmem>> -> memref<1x16xi32, #tpu.memory_space<vmem>>
    %dma_wait3A_110 = tpu.memref_squeeze %dma_wait3A_109 : memref<1x16xi32, #tpu.memory_space<vmem>> -> memref<16xi32, #tpu.memory_space<vmem>>
    %dma_wait3A_111 = arith.constant 0 : i32
    %dma_wait3A_112 = arith.constant 0 : i32
    %dma_wait3A_113 = tpu.memref_slice %arg2[%dma_wait3A_111, %dma_wait3A_112] : memref<9600x1024xf32, #tpu.memory_space<hbm>> -> memref<9600x1024xf32, #tpu.memory_space<hbm>>
    tpu.wait_indirect_dma semaphore(%arg16 : memref<!tpu.dma_semaphore, #tpu.memory_space<semaphore_mem>>) src(%dma_wait3A_113 : memref<9600x1024xf32, #tpu.memory_space<hbm>>) dst(%arg9 : memref<16x1024xf32, #tpu.memory_space<vmem>>)
    %parallel_loop3A_114 = arith.constant 0 : i32
    %parallel_loop3A_115 = arith.constant 16 : i32
    %parallel_loop3A_116 = arith.constant 1 : i32
    scf.for %parallel_loop3A_197 = %parallel_loop3A_114 to %parallel_loop3A_115 step %parallel_loop3A_116  : i32 {
      %parallel_loop3A_198 = arith.constant 16 : i32
      %parallel_loop3A_199 = arith.addi %parallel_loop3A_198, %parallel_loop3A_197 : i32
      %parallel_loop3A_200 = arith.index_cast %parallel_loop3A_199 : i32 to index
      %parallel_loop3A_201 = arith.constant 0 : index
      %parallel_loop3A_202 = tpu.vector_load %arg13[%parallel_loop3A_200, %parallel_loop3A_201] {strides = array<i32>} : memref<64x16xf32, #tpu.memory_space<vmem>>, vector<1x16xf32>,
      %parallel_loop3A_203 = vector.shape_cast %parallel_loop3A_202 : vector<1x16xf32> to vector<16xf32>
      %parallel_loop3A_204 = arith.constant 16 : i32
      %parallel_loop3A_205 = arith.addi %parallel_loop3A_204, %parallel_loop3A_197 : i32
      %parallel_loop3A_206 = arith.index_cast %parallel_loop3A_205 : i32 to index
      %parallel_loop3A_207 = arith.constant 0 : index
      %parallel_loop3A_208 = tpu.vector_load %arg14[%parallel_loop3A_206, %parallel_loop3A_207] {strides = array<i32>} : memref<64x16xf32, #tpu.memory_space<vmem>>, vector<1x16xf32>,
      %parallel_loop3A_209 = vector.shape_cast %parallel_loop3A_208 : vector<1x16xf32> to vector<16xf32>
      %parallel_loop3A_210 = arith.constant 0 : i32
      %parallel_loop3A_211 = arith.constant 64 : i32
      %parallel_loop3A_212 = arith.constant 1 : i32
      scf.for %parallel_loop3A_213 = %parallel_loop3A_210 to %parallel_loop3A_211 step %parallel_loop3A_212  : i32 {
        %parallel_loop3A_214 = arith.constant 16 : i32
        %parallel_loop3A_215 = arith.muli %parallel_loop3A_213, %parallel_loop3A_214 : i32
        %parallel_loop3A_216 = arith.index_cast %parallel_loop3A_197 : i32 to index
        %parallel_loop3A_217 = arith.index_cast %parallel_loop3A_215 : i32 to index
        %parallel_loop3A_218 = tpu.vector_load %arg8[%parallel_loop3A_216, %parallel_loop3A_217] {strides = array<i32>} : memref<16x1024xf32, #tpu.memory_space<vmem>>, vector<1x16xf32>,
        %parallel_loop3A_219 = vector.shape_cast %parallel_loop3A_218 : vector<1x16xf32> to vector<16xf32>
        %parallel_loop3A_220 = arith.mulf %parallel_loop3A_219, %parallel_loop3A_203 : vector<16xf32>
        %parallel_loop3A_221 = arith.index_cast %parallel_loop3A_197 : i32 to index
        %parallel_loop3A_222 = arith.index_cast %parallel_loop3A_215 : i32 to index
        %parallel_loop3A_223 = tpu.vector_load %arg9[%parallel_loop3A_221, %parallel_loop3A_222] {strides = array<i32>} : memref<16x1024xf32, #tpu.memory_space<vmem>>, vector<1x16xf32>,
        %parallel_loop3A_224 = vector.shape_cast %parallel_loop3A_223 : vector<1x16xf32> to vector<16xf32>
        %parallel_loop3A_225 = arith.mulf %parallel_loop3A_224, %parallel_loop3A_209 : vector<16xf32>
        %parallel_loop3A_226 = arith.addf %parallel_loop3A_220, %parallel_loop3A_225 : vector<16xf32>
        %parallel_loop3A_227 = arith.index_cast %parallel_loop3A_197 : i32 to index
        %parallel_loop3A_228 = arith.index_cast %parallel_loop3A_215 : i32 to index
        %parallel_loop3A_229 = tpu.vector_load %arg8[%parallel_loop3A_227, %parallel_loop3A_228] {strides = array<i32>} : memref<16x1024xf32, #tpu.memory_space<vmem>>, vector<1x16xf32>,
        %parallel_loop3A_230 = vector.shape_cast %parallel_loop3A_229 : vector<1x16xf32> to vector<16xf32>
        %parallel_loop3A_231 = vector.shape_cast %parallel_loop3A_226 : vector<16xf32> to vector<1x16xf32>
        tpu.vector_store %arg8[%parallel_loop3A_227, %parallel_loop3A_228], %parallel_loop3A_231 {strides = array<i32>} : memref<16x1024xf32, #tpu.memory_space<vmem>>, vector<1x16xf32>,
      } {sc.loop_unroll_factor = 8 : i64, sc.parallel_access}
    } {sc.loop_unroll_factor = 1 : i64, sc.parallel_access}
    %dma_start3A_117 = arith.constant 0 : i32
    %dma_start3A_118 = tpu.memref_slice %arg5[%add3A_99, %dma_start3A_117] : memref<2048x1024xf32, #tpu.memory_space<hbm>> -> memref<16x1024xf32, #tpu.memory_space<hbm>>
    %dma_start3A_119 = arith.constant 0 : i32
    %dma_start3A_120 = tpu.memref_slice %arg5[%add3A_99, %dma_start3A_119] : memref<2048x1024xf32, #tpu.memory_space<hbm>> -> memref<16x1024xf32, #tpu.memory_space<hbm>>
    tpu.enqueue_dma source(%arg8 : memref<16x1024xf32, #tpu.memory_space<vmem>>) target(%dma_start3A_120 : memref<16x1024xf32, #tpu.memory_space<hbm>>) target_semaphore(%arg18 : memref<!tpu.dma_semaphore, #tpu.memory_space<semaphore_mem>>)
    %dma_wait3A_121 = arith.constant 0 : i32
    %dma_wait3A_122 = tpu.memref_slice %arg5[%add3A_64, %dma_wait3A_121] : memref<2048x1024xf32, #tpu.memory_space<hbm>> -> memref<16x1024xf32, #tpu.memory_space<hbm>>
    %dma_wait3A_123 = arith.constant 0 : i32
    %dma_wait3A_124 = tpu.memref_slice %arg5[%add3A_64, %dma_wait3A_123] : memref<2048x1024xf32, #tpu.memory_space<hbm>> -> memref<16x1024xf32, #tpu.memory_space<hbm>>
    tpu.wait_dma2 semaphore(%arg18 : memref<!tpu.dma_semaphore, #tpu.memory_space<semaphore_mem>>) src(%arg6 : memref<16x1024xf32, #tpu.memory_space<vmem>>) dst(%dma_wait3A_124 : memref<16x1024xf32, #tpu.memory_space<hbm>>)
    %dma_start3A_125 = arith.constant 6 : i32
    %dma_start3A_126 = arith.constant 0 : i32
    %dma_start3A_127 = tpu.memref_slice %arg12[%dma_start3A_125, %dma_start3A_126] : memref<8x16xi32, #tpu.memory_space<vmem>> -> memref<1x16xi32, #tpu.memory_space<vmem>>
    %dma_start3A_128 = tpu.memref_squeeze %dma_start3A_127 : memref<1x16xi32, #tpu.memory_space<vmem>> -> memref<16xi32, #tpu.memory_space<vmem>>
    %dma_start3A_129 = arith.constant 0 : i32
    %dma_start3A_130 = arith.constant 0 : i32
    %dma_start3A_131 = tpu.memref_slice %arg2[%dma_start3A_129, %dma_start3A_130] : memref<9600x1024xf32, #tpu.memory_space<hbm>> -> memref<9600x1024xf32, #tpu.memory_space<hbm>>
    tpu.enqueue_indirect_dma source(%dma_start3A_131 : memref<9600x1024xf32, #tpu.memory_space<hbm>>) target(%arg6 : memref<16x1024xf32, #tpu.memory_space<vmem>>) offsets(%dma_start3A_128 : memref<16xi32, #tpu.memory_space<vmem>>) semaphore(%arg15 : memref<!tpu.dma_semaphore, #tpu.memory_space<semaphore_mem>>)
    %dma_start3A_132 = arith.constant 7 : i32
    %dma_start3A_133 = arith.constant 0 : i32
    %dma_start3A_134 = tpu.memref_slice %arg12[%dma_start3A_132, %dma_start3A_133] : memref<8x16xi32, #tpu.memory_space<vmem>> -> memref<1x16xi32, #tpu.memory_space<vmem>>
    %dma_start3A_135 = tpu.memref_squeeze %dma_start3A_134 : memref<1x16xi32, #tpu.memory_space<vmem>> -> memref<16xi32, #tpu.memory_space<vmem>>
    %dma_start3A_136 = arith.constant 0 : i32
    %dma_start3A_137 = arith.constant 0 : i32
    %dma_start3A_138 = tpu.memref_slice %arg2[%dma_start3A_136, %dma_start3A_137] : memref<9600x1024xf32, #tpu.memory_space<hbm>> -> memref<9600x1024xf32, #tpu.memory_space<hbm>>
    tpu.enqueue_indirect_dma source(%dma_start3A_138 : memref<9600x1024xf32, #tpu.memory_space<hbm>>) target(%arg7 : memref<16x1024xf32, #tpu.memory_space<vmem>>) offsets(%dma_start3A_135 : memref<16xi32, #tpu.memory_space<vmem>>) semaphore(%arg15 : memref<!tpu.dma_semaphore, #tpu.memory_space<semaphore_mem>>)
    %add3A_139 = arith.constant 32 : i32
    %add3A_140 = arith.addi %mul3A_2, %add3A_139 : i32
    %dma_wait3A_141 = arith.constant 4 : i32
    %dma_wait3A_142 = arith.constant 0 : i32
    %dma_wait3A_143 = tpu.memref_slice %arg12[%dma_wait3A_141, %dma_wait3A_142] : memref<8x16xi32, #tpu.memory_space<vmem>> -> memref<1x16xi32, #tpu.memory_space<vmem>>
    %dma_wait3A_144 = tpu.memref_squeeze %dma_wait3A_143 : memref<1x16xi32, #tpu.memory_space<vmem>> -> memref<16xi32, #tpu.memory_space<vmem>>
    %dma_wait3A_145 = arith.constant 0 : i32
    %dma_wait3A_146 = arith.constant 0 : i32
    %dma_wait3A_147 = tpu.memref_slice %arg2[%dma_wait3A_145, %dma_wait3A_146] : memref<9600x1024xf32, #tpu.memory_space<hbm>> -> memref<9600x1024xf32, #tpu.memory_space<hbm>>
    tpu.wait_indirect_dma semaphore(%arg17 : memref<!tpu.dma_semaphore, #tpu.memory_space<semaphore_mem>>) src(%dma_wait3A_147 : memref<9600x1024xf32, #tpu.memory_space<hbm>>) dst(%arg10 : memref<16x1024xf32, #tpu.memory_space<vmem>>)
    %dma_wait3A_148 = arith.constant 5 : i32
    %dma_wait3A_149 = arith.constant 0 : i32
    %dma_wait3A_150 = tpu.memref_slice %arg12[%dma_wait3A_148, %dma_wait3A_149] : memref<8x16xi32, #tpu.memory_space<vmem>> -> memref<1x16xi32, #tpu.memory_space<vmem>>
    %dma_wait3A_151 = tpu.memref_squeeze %dma_wait3A_150 : memref<1x16xi32, #tpu.memory_space<vmem>> -> memref<16xi32, #tpu.memory_space<vmem>>
    %dma_wait3A_152 = arith.constant 0 : i32
    %dma_wait3A_153 = arith.constant 0 : i32
    %dma_wait3A_154 = tpu.memref_slice %arg2[%dma_wait3A_152, %dma_wait3A_153] : memref<9600x1024xf32, #tpu.memory_space<hbm>> -> memref<9600x1024xf32, #tpu.memory_space<hbm>>
    tpu.wait_indirect_dma semaphore(%arg17 : memref<!tpu.dma_semaphore, #tpu.memory_space<semaphore_mem>>) src(%dma_wait3A_154 : memref<9600x1024xf32, #tpu.memory_space<hbm>>) dst(%arg11 : memref<16x1024xf32, #tpu.memory_space<vmem>>)
    %parallel_loop3A_155 = arith.constant 0 : i32
    %parallel_loop3A_156 = arith.constant 16 : i32
    %parallel_loop3A_157 = arith.constant 1 : i32
    scf.for %parallel_loop3A_197 = %parallel_loop3A_155 to %parallel_loop3A_156 step %parallel_loop3A_157  : i32 {
      %parallel_loop3A_198 = arith.constant 32 : i32
      %parallel_loop3A_199 = arith.addi %parallel_loop3A_198, %parallel_loop3A_197 : i32
      %parallel_loop3A_200 = arith.index_cast %parallel_loop3A_199 : i32 to index
      %parallel_loop3A_201 = arith.constant 0 : index
      %parallel_loop3A_202 = tpu.vector_load %arg13[%parallel_loop3A_200, %parallel_loop3A_201] {strides = array<i32>} : memref<64x16xf32, #tpu.memory_space<vmem>>, vector<1x16xf32>,
      %parallel_loop3A_203 = vector.shape_cast %parallel_loop3A_202 : vector<1x16xf32> to vector<16xf32>
      %parallel_loop3A_204 = arith.constant 32 : i32
      %parallel_loop3A_205 = arith.addi %parallel_loop3A_204, %parallel_loop3A_197 : i32
      %parallel_loop3A_206 = arith.index_cast %parallel_loop3A_205 : i32 to index
      %parallel_loop3A_207 = arith.constant 0 : index
      %parallel_loop3A_208 = tpu.vector_load %arg14[%parallel_loop3A_206, %parallel_loop3A_207] {strides = array<i32>} : memref<64x16xf32, #tpu.memory_space<vmem>>, vector<1x16xf32>,
      %parallel_loop3A_209 = vector.shape_cast %parallel_loop3A_208 : vector<1x16xf32> to vector<16xf32>
      %parallel_loop3A_210 = arith.constant 0 : i32
      %parallel_loop3A_211 = arith.constant 64 : i32
      %parallel_loop3A_212 = arith.constant 1 : i32
      scf.for %parallel_loop3A_213 = %parallel_loop3A_210 to %parallel_loop3A_211 step %parallel_loop3A_212  : i32 {
        %parallel_loop3A_214 = arith.constant 16 : i32
        %parallel_loop3A_215 = arith.muli %parallel_loop3A_213, %parallel_loop3A_214 : i32
        %parallel_loop3A_216 = arith.index_cast %parallel_loop3A_197 : i32 to index
        %parallel_loop3A_217 = arith.index_cast %parallel_loop3A_215 : i32 to index
        %parallel_loop3A_218 = tpu.vector_load %arg10[%parallel_loop3A_216, %parallel_loop3A_217] {strides = array<i32>} : memref<16x1024xf32, #tpu.memory_space<vmem>>, vector<1x16xf32>,
        %parallel_loop3A_219 = vector.shape_cast %parallel_loop3A_218 : vector<1x16xf32> to vector<16xf32>
        %parallel_loop3A_220 = arith.mulf %parallel_loop3A_219, %parallel_loop3A_203 : vector<16xf32>
        %parallel_loop3A_221 = arith.index_cast %parallel_loop3A_197 : i32 to index
        %parallel_loop3A_222 = arith.index_cast %parallel_loop3A_215 : i32 to index
        %parallel_loop3A_223 = tpu.vector_load %arg11[%parallel_loop3A_221, %parallel_loop3A_222] {strides = array<i32>} : memref<16x1024xf32, #tpu.memory_space<vmem>>, vector<1x16xf32>,
        %parallel_loop3A_224 = vector.shape_cast %parallel_loop3A_223 : vector<1x16xf32> to vector<16xf32>
        %parallel_loop3A_225 = arith.mulf %parallel_loop3A_224, %parallel_loop3A_209 : vector<16xf32>
        %parallel_loop3A_226 = arith.addf %parallel_loop3A_220, %parallel_loop3A_225 : vector<16xf32>
        %parallel_loop3A_227 = arith.index_cast %parallel_loop3A_197 : i32 to index
        %parallel_loop3A_228 = arith.index_cast %parallel_loop3A_215 : i32 to index
        %parallel_loop3A_229 = tpu.vector_load %arg10[%parallel_loop3A_227, %parallel_loop3A_228] {strides = array<i32>} : memref<16x1024xf32, #tpu.memory_space<vmem>>, vector<1x16xf32>,
        %parallel_loop3A_230 = vector.shape_cast %parallel_loop3A_229 : vector<1x16xf32> to vector<16xf32>
        %parallel_loop3A_231 = vector.shape_cast %parallel_loop3A_226 : vector<16xf32> to vector<1x16xf32>
        tpu.vector_store %arg10[%parallel_loop3A_227, %parallel_loop3A_228], %parallel_loop3A_231 {strides = array<i32>} : memref<16x1024xf32, #tpu.memory_space<vmem>>, vector<1x16xf32>,
      } {sc.loop_unroll_factor = 8 : i64, sc.parallel_access}
    } {sc.loop_unroll_factor = 1 : i64, sc.parallel_access}
    %dma_start3A_158 = arith.constant 0 : i32
    %dma_start3A_159 = tpu.memref_slice %arg5[%add3A_140, %dma_start3A_158] : memref<2048x1024xf32, #tpu.memory_space<hbm>> -> memref<16x1024xf32, #tpu.memory_space<hbm>>
    %dma_start3A_160 = arith.constant 0 : i32
    %dma_start3A_161 = tpu.memref_slice %arg5[%add3A_140, %dma_start3A_160] : memref<2048x1024xf32, #tpu.memory_space<hbm>> -> memref<16x1024xf32, #tpu.memory_space<hbm>>
    tpu.enqueue_dma source(%arg10 : memref<16x1024xf32, #tpu.memory_space<vmem>>) target(%dma_start3A_161 : memref<16x1024xf32, #tpu.memory_space<hbm>>) target_semaphore(%arg18 : memref<!tpu.dma_semaphore, #tpu.memory_space<semaphore_mem>>)
    %add3A_162 = arith.constant 48 : i32
    %add3A_163 = arith.addi %mul3A_2, %add3A_162 : i32
    %dma_wait3A_164 = arith.constant 6 : i32
    %dma_wait3A_165 = arith.constant 0 : i32
    %dma_wait3A_166 = tpu.memref_slice %arg12[%dma_wait3A_164, %dma_wait3A_165] : memref<8x16xi32, #tpu.memory_space<vmem>> -> memref<1x16xi32, #tpu.memory_space<vmem>>
    %dma_wait3A_167 = tpu.memref_squeeze %dma_wait3A_166 : memref<1x16xi32, #tpu.memory_space<vmem>> -> memref<16xi32, #tpu.memory_space<vmem>>
    %dma_wait3A_168 = arith.constant 0 : i32
    %dma_wait3A_169 = arith.constant 0 : i32
    %dma_wait3A_170 = tpu.memref_slice %arg2[%dma_wait3A_168, %dma_wait3A_169] : memref<9600x1024xf32, #tpu.memory_space<hbm>> -> memref<9600x1024xf32, #tpu.memory_space<hbm>>
    tpu.wait_indirect_dma semaphore(%arg15 : memref<!tpu.dma_semaphore, #tpu.memory_space<semaphore_mem>>) src(%dma_wait3A_170 : memref<9600x1024xf32, #tpu.memory_space<hbm>>) dst(%arg6 : memref<16x1024xf32, #tpu.memory_space<vmem>>)
    %dma_wait3A_171 = arith.constant 7 : i32
    %dma_wait3A_172 = arith.constant 0 : i32
    %dma_wait3A_173 = tpu.memref_slice %arg12[%dma_wait3A_171, %dma_wait3A_172] : memref<8x16xi32, #tpu.memory_space<vmem>> -> memref<1x16xi32, #tpu.memory_space<vmem>>
    %dma_wait3A_174 = tpu.memref_squeeze %dma_wait3A_173 : memref<1x16xi32, #tpu.memory_space<vmem>> -> memref<16xi32, #tpu.memory_space<vmem>>
    %dma_wait3A_175 = arith.constant 0 : i32
    %dma_wait3A_176 = arith.constant 0 : i32
    %dma_wait3A_177 = tpu.memref_slice %arg2[%dma_wait3A_175, %dma_wait3A_176] : memref<9600x1024xf32, #tpu.memory_space<hbm>> -> memref<9600x1024xf32, #tpu.memory_space<hbm>>
    tpu.wait_indirect_dma semaphore(%arg15 : memref<!tpu.dma_semaphore, #tpu.memory_space<semaphore_mem>>) src(%dma_wait3A_177 : memref<9600x1024xf32, #tpu.memory_space<hbm>>) dst(%arg7 : memref<16x1024xf32, #tpu.memory_space<vmem>>)
    %parallel_loop3A_178 = arith.constant 0 : i32
    %parallel_loop3A_179 = arith.constant 16 : i32
    %parallel_loop3A_180 = arith.constant 1 : i32
    scf.for %parallel_loop3A_197 = %parallel_loop3A_178 to %parallel_loop3A_179 step %parallel_loop3A_180  : i32 {
      %parallel_loop3A_198 = arith.constant 48 : i32
      %parallel_loop3A_199 = arith.addi %parallel_loop3A_198, %parallel_loop3A_197 : i32
      %parallel_loop3A_200 = arith.index_cast %parallel_loop3A_199 : i32 to index
      %parallel_loop3A_201 = arith.constant 0 : index
      %parallel_loop3A_202 = tpu.vector_load %arg13[%parallel_loop3A_200, %parallel_loop3A_201] {strides = array<i32>} : memref<64x16xf32, #tpu.memory_space<vmem>>, vector<1x16xf32>,
      %parallel_loop3A_203 = vector.shape_cast %parallel_loop3A_202 : vector<1x16xf32> to vector<16xf32>
      %parallel_loop3A_204 = arith.constant 48 : i32
      %parallel_loop3A_205 = arith.addi %parallel_loop3A_204, %parallel_loop3A_197 : i32
      %parallel_loop3A_206 = arith.index_cast %parallel_loop3A_205 : i32 to index
      %parallel_loop3A_207 = arith.constant 0 : index
      %parallel_loop3A_208 = tpu.vector_load %arg14[%parallel_loop3A_206, %parallel_loop3A_207] {strides = array<i32>} : memref<64x16xf32, #tpu.memory_space<vmem>>, vector<1x16xf32>,
      %parallel_loop3A_209 = vector.shape_cast %parallel_loop3A_208 : vector<1x16xf32> to vector<16xf32>
      %parallel_loop3A_210 = arith.constant 0 : i32
      %parallel_loop3A_211 = arith.constant 64 : i32
      %parallel_loop3A_212 = arith.constant 1 : i32
      scf.for %parallel_loop3A_213 = %parallel_loop3A_210 to %parallel_loop3A_211 step %parallel_loop3A_212  : i32 {
        %parallel_loop3A_214 = arith.constant 16 : i32
        %parallel_loop3A_215 = arith.muli %parallel_loop3A_213, %parallel_loop3A_214 : i32
        %parallel_loop3A_216 = arith.index_cast %parallel_loop3A_197 : i32 to index
        %parallel_loop3A_217 = arith.index_cast %parallel_loop3A_215 : i32 to index
        %parallel_loop3A_218 = tpu.vector_load %arg6[%parallel_loop3A_216, %parallel_loop3A_217] {strides = array<i32>} : memref<16x1024xf32, #tpu.memory_space<vmem>>, vector<1x16xf32>,
        %parallel_loop3A_219 = vector.shape_cast %parallel_loop3A_218 : vector<1x16xf32> to vector<16xf32>
        %parallel_loop3A_220 = arith.mulf %parallel_loop3A_219, %parallel_loop3A_203 : vector<16xf32>
        %parallel_loop3A_221 = arith.index_cast %parallel_loop3A_197 : i32 to index
        %parallel_loop3A_222 = arith.index_cast %parallel_loop3A_215 : i32 to index
        %parallel_loop3A_223 = tpu.vector_load %arg7[%parallel_loop3A_221, %parallel_loop3A_222] {strides = array<i32>} : memref<16x1024xf32, #tpu.memory_space<vmem>>, vector<1x16xf32>,
        %parallel_loop3A_224 = vector.shape_cast %parallel_loop3A_223 : vector<1x16xf32> to vector<16xf32>
        %parallel_loop3A_225 = arith.mulf %parallel_loop3A_224, %parallel_loop3A_209 : vector<16xf32>
        %parallel_loop3A_226 = arith.addf %parallel_loop3A_220, %parallel_loop3A_225 : vector<16xf32>
        %parallel_loop3A_227 = arith.index_cast %parallel_loop3A_197 : i32 to index
        %parallel_loop3A_228 = arith.index_cast %parallel_loop3A_215 : i32 to index
        %parallel_loop3A_229 = tpu.vector_load %arg6[%parallel_loop3A_227, %parallel_loop3A_228] {strides = array<i32>} : memref<16x1024xf32, #tpu.memory_space<vmem>>, vector<1x16xf32>,
        %parallel_loop3A_230 = vector.shape_cast %parallel_loop3A_229 : vector<1x16xf32> to vector<16xf32>
        %parallel_loop3A_231 = vector.shape_cast %parallel_loop3A_226 : vector<16xf32> to vector<1x16xf32>
        tpu.vector_store %arg6[%parallel_loop3A_227, %parallel_loop3A_228], %parallel_loop3A_231 {strides = array<i32>} : memref<16x1024xf32, #tpu.memory_space<vmem>>, vector<1x16xf32>,
      } {sc.loop_unroll_factor = 8 : i64, sc.parallel_access}
    } {sc.loop_unroll_factor = 1 : i64, sc.parallel_access}
    %dma_start3A_181 = arith.constant 0 : i32
    %dma_start3A_182 = tpu.memref_slice %arg5[%add3A_163, %dma_start3A_181] : memref<2048x1024xf32, #tpu.memory_space<hbm>> -> memref<16x1024xf32, #tpu.memory_space<hbm>>
    %dma_start3A_183 = arith.constant 0 : i32
    %dma_start3A_184 = tpu.memref_slice %arg5[%add3A_163, %dma_start3A_183] : memref<2048x1024xf32, #tpu.memory_space<hbm>> -> memref<16x1024xf32, #tpu.memory_space<hbm>>
    tpu.enqueue_dma source(%arg6 : memref<16x1024xf32, #tpu.memory_space<vmem>>) target(%dma_start3A_184 : memref<16x1024xf32, #tpu.memory_space<hbm>>) target_semaphore(%arg18 : memref<!tpu.dma_semaphore, #tpu.memory_space<semaphore_mem>>)
    %dma_wait3A_185 = arith.constant 0 : i32
    %dma_wait3A_186 = tpu.memref_slice %arg5[%add3A_163, %dma_wait3A_185] : memref<2048x1024xf32, #tpu.memory_space<hbm>> -> memref<16x1024xf32, #tpu.memory_space<hbm>>
    %dma_wait3A_187 = arith.constant 0 : i32
    %dma_wait3A_188 = tpu.memref_slice %arg5[%add3A_163, %dma_wait3A_187] : memref<2048x1024xf32, #tpu.memory_space<hbm>> -> memref<16x1024xf32, #tpu.memory_space<hbm>>
    tpu.wait_dma2 semaphore(%arg18 : memref<!tpu.dma_semaphore, #tpu.memory_space<semaphore_mem>>) src(%arg6 : memref<16x1024xf32, #tpu.memory_space<vmem>>) dst(%dma_wait3A_188 : memref<16x1024xf32, #tpu.memory_space<hbm>>)
    %dma_wait3A_189 = arith.constant 0 : i32
    %dma_wait3A_190 = tpu.memref_slice %arg5[%add3A_99, %dma_wait3A_189] : memref<2048x1024xf32, #tpu.memory_space<hbm>> -> memref<16x1024xf32, #tpu.memory_space<hbm>>
    %dma_wait3A_191 = arith.constant 0 : i32
    %dma_wait3A_192 = tpu.memref_slice %arg5[%add3A_99, %dma_wait3A_191] : memref<2048x1024xf32, #tpu.memory_space<hbm>> -> memref<16x1024xf32, #tpu.memory_space<hbm>>
    tpu.wait_dma2 semaphore(%arg18 : memref<!tpu.dma_semaphore, #tpu.memory_space<semaphore_mem>>) src(%arg8 : memref<16x1024xf32, #tpu.memory_space<vmem>>) dst(%dma_wait3A_192 : memref<16x1024xf32, #tpu.memory_space<hbm>>)
    %dma_wait3A_193 = arith.constant 0 : i32
    %dma_wait3A_194 = tpu.memref_slice %arg5[%add3A_140, %dma_wait3A_193] : memref<2048x1024xf32, #tpu.memory_space<hbm>> -> memref<16x1024xf32, #tpu.memory_space<hbm>>
    %dma_wait3A_195 = arith.constant 0 : i32
    %dma_wait3A_196 = tpu.memref_slice %arg5[%add3A_140, %dma_wait3A_195] : memref<2048x1024xf32, #tpu.memory_space<hbm>> -> memref<16x1024xf32, #tpu.memory_space<hbm>>
    tpu.wait_dma2 semaphore(%arg18 : memref<!tpu.dma_semaphore, #tpu.memory_space<semaphore_mem>>) src(%arg10 : memref<16x1024xf32, #tpu.memory_space<vmem>>) dst(%dma_wait3A_196 : memref<16x1024xf32, #tpu.memory_space<hbm>>)
    return
  }
}

#map = affine_map<(d0, d1) -> (0, 0)>
module attributes {stable_mosaic.version = 14 : i64} {
  func.func @_xscatter_body(%arg0: i32, %arg1: i32, %arg2: memref<2048x1024xf32, #tpu.memory_space<hbm>>, %arg3: memref<2x2048xi32, #tpu.memory_space<hbm>>, %arg4: memref<9600x1024xf32, #tpu.memory_space<hbm>>, %arg5: memref<32x1024xf32, #tpu.memory_space<vmem>>, %arg6: memref<32x1024xf32, #tpu.memory_space<vmem>>, %arg7: memref<4x32xi32, #tpu.memory_space<vmem>>, %arg8: memref<!tpu.dma_semaphore, #tpu.memory_space<semaphore_mem>>, %arg9: memref<!tpu.dma_semaphore, #tpu.memory_space<semaphore_mem>>, %arg10: memref<!tpu.dma_semaphore, #tpu.memory_space<semaphore_mem>>) attributes {dimension_semantics = [#tpu.dimension_semantics<core_parallel>, #tpu.dimension_semantics<subcore_parallel>], iteration_bounds = array<i64: 2, 16>, scalar_prefetch = 0 : i64, scratch_operands = 6 : i64, tpu.core_type = #tpu.core_type<sc_vector_subcore>, window_params = [{transform_indices = #map}, {transform_indices = #map}, {transform_indices = #map}]} {
    %mul3A = arith.constant 2 : i32
    %mul3A_0 = arith.muli %arg1, %mul3A : i32
    %add3A = arith.addi %mul3A_0, %arg0 : i32
    %mul3A_1 = arith.constant 64 : i32
    %mul3A_2 = arith.muli %add3A, %mul3A_1 : i32
    %dma_start3A = arith.constant 0 : i32
    %dma_start3A_3 = tpu.memref_slice %arg2[%mul3A_2, %dma_start3A] : memref<2048x1024xf32, #tpu.memory_space<hbm>> -> memref<32x1024xf32, #tpu.memory_space<hbm>>
    %dma_start3A_4 = arith.constant 0 : i32
    %dma_start3A_5 = tpu.memref_slice %arg2[%mul3A_2, %dma_start3A_4] : memref<2048x1024xf32, #tpu.memory_space<hbm>> -> memref<32x1024xf32, #tpu.memory_space<hbm>>
    tpu.enqueue_dma source(%dma_start3A_5 : memref<32x1024xf32, #tpu.memory_space<hbm>>) target(%arg5 : memref<32x1024xf32, #tpu.memory_space<vmem>>) target_semaphore(%arg8 : memref<!tpu.dma_semaphore, #tpu.memory_space<semaphore_mem>>)
    %add3A_6 = arith.constant 32 : i32
    %add3A_7 = arith.addi %mul3A_2, %add3A_6 : i32
    %dma_start3A_8 = arith.constant 0 : i32
    %dma_start3A_9 = tpu.memref_slice %arg2[%add3A_7, %dma_start3A_8] : memref<2048x1024xf32, #tpu.memory_space<hbm>> -> memref<32x1024xf32, #tpu.memory_space<hbm>>
    %dma_start3A_10 = arith.constant 0 : i32
    %dma_start3A_11 = tpu.memref_slice %arg2[%add3A_7, %dma_start3A_10] : memref<2048x1024xf32, #tpu.memory_space<hbm>> -> memref<32x1024xf32, #tpu.memory_space<hbm>>
    tpu.enqueue_dma source(%dma_start3A_11 : memref<32x1024xf32, #tpu.memory_space<hbm>>) target(%arg6 : memref<32x1024xf32, #tpu.memory_space<vmem>>) target_semaphore(%arg9 : memref<!tpu.dma_semaphore, #tpu.memory_space<semaphore_mem>>)
    %add3A_12 = arith.constant 0 : i32
    %add3A_13 = arith.addi %mul3A_2, %add3A_12 : i32
    %run_scoped3A = arith.constant 0 : i32
    %run_scoped3A_14 = arith.constant 0 : i32
    "tpu.region"() ({
      %run_scoped3A_86 = tpu.sem_alloc : memref<!tpu.dma_semaphore, #tpu.memory_space<semaphore_mem>>
      %dma_start3A_87 = arith.constant 0 : i32
      %dma_start3A_88 = tpu.memref_slice %arg7[%run_scoped3A_14, %dma_start3A_87] : memref<4x32xi32, #tpu.memory_space<vmem>> -> memref<1x32xi32, #tpu.memory_space<vmem>>
      %dma_start3A_89 = tpu.memref_squeeze %dma_start3A_88 : memref<1x32xi32, #tpu.memory_space<vmem>> -> memref<32xi32, #tpu.memory_space<vmem>>
      %dma_start3A_90 = tpu.memref_slice %arg3[%run_scoped3A, %add3A_13] : memref<2x2048xi32, #tpu.memory_space<hbm>> -> memref<1x32xi32, #tpu.memory_space<hbm>>
      %dma_start3A_91 = tpu.memref_squeeze %dma_start3A_90 : memref<1x32xi32, #tpu.memory_space<hbm>> -> memref<32xi32, #tpu.memory_space<hbm>>
      %dma_start3A_92 = arith.constant 0 : i32
      %dma_start3A_93 = tpu.memref_slice %arg7[%run_scoped3A_14, %dma_start3A_92] : memref<4x32xi32, #tpu.memory_space<vmem>> -> memref<1x32xi32, #tpu.memory_space<vmem>>
      %dma_start3A_94 = tpu.memref_squeeze %dma_start3A_93 : memref<1x32xi32, #tpu.memory_space<vmem>> -> memref<32xi32, #tpu.memory_space<vmem>>
      %dma_start3A_95 = tpu.memref_slice %arg3[%run_scoped3A, %add3A_13] : memref<2x2048xi32, #tpu.memory_space<hbm>> -> memref<1x32xi32, #tpu.memory_space<hbm>>
      %dma_start3A_96 = tpu.memref_squeeze %dma_start3A_95 : memref<1x32xi32, #tpu.memory_space<hbm>> -> memref<32xi32, #tpu.memory_space<hbm>>
      tpu.enqueue_dma source(%dma_start3A_96 : memref<32xi32, #tpu.memory_space<hbm>>) target(%dma_start3A_94 : memref<32xi32, #tpu.memory_space<vmem>>) target_semaphore(%run_scoped3A_86 : memref<!tpu.dma_semaphore, #tpu.memory_space<semaphore_mem>>)
      %dma_wait3A_97 = arith.constant 0 : i32
      %dma_wait3A_98 = tpu.memref_slice %arg7[%run_scoped3A_14, %dma_wait3A_97] : memref<4x32xi32, #tpu.memory_space<vmem>> -> memref<1x32xi32, #tpu.memory_space<vmem>>
      %dma_wait3A_99 = tpu.memref_squeeze %dma_wait3A_98 : memref<1x32xi32, #tpu.memory_space<vmem>> -> memref<32xi32, #tpu.memory_space<vmem>>
      %dma_wait3A_100 = tpu.memref_slice %arg3[%run_scoped3A, %add3A_13] : memref<2x2048xi32, #tpu.memory_space<hbm>> -> memref<1x32xi32, #tpu.memory_space<hbm>>
      %dma_wait3A_101 = tpu.memref_squeeze %dma_wait3A_100 : memref<1x32xi32, #tpu.memory_space<hbm>> -> memref<32xi32, #tpu.memory_space<hbm>>
      %dma_wait3A_102 = arith.constant 0 : i32
      %dma_wait3A_103 = tpu.memref_slice %arg7[%run_scoped3A_14, %dma_wait3A_102] : memref<4x32xi32, #tpu.memory_space<vmem>> -> memref<1x32xi32, #tpu.memory_space<vmem>>
      %dma_wait3A_104 = tpu.memref_squeeze %dma_wait3A_103 : memref<1x32xi32, #tpu.memory_space<vmem>> -> memref<32xi32, #tpu.memory_space<vmem>>
      %dma_wait3A_105 = tpu.memref_slice %arg3[%run_scoped3A, %add3A_13] : memref<2x2048xi32, #tpu.memory_space<hbm>> -> memref<1x32xi32, #tpu.memory_space<hbm>>
      %dma_wait3A_106 = tpu.memref_squeeze %dma_wait3A_105 : memref<1x32xi32, #tpu.memory_space<hbm>> -> memref<32xi32, #tpu.memory_space<hbm>>
      tpu.wait_dma2 semaphore(%run_scoped3A_86 : memref<!tpu.dma_semaphore, #tpu.memory_space<semaphore_mem>>) src(%dma_wait3A_106 : memref<32xi32, #tpu.memory_space<hbm>>) dst(%dma_wait3A_104 : memref<32xi32, #tpu.memory_space<vmem>>)
      tpu.yield
    }) : () -> ()
    %run_scoped3A_15 = arith.constant 1 : i32
    %run_scoped3A_16 = arith.constant 1 : i32
    "tpu.region"() ({
      %run_scoped3A_86 = tpu.sem_alloc : memref<!tpu.dma_semaphore, #tpu.memory_space<semaphore_mem>>
      %dma_start3A_87 = arith.constant 0 : i32
      %dma_start3A_88 = tpu.memref_slice %arg7[%run_scoped3A_16, %dma_start3A_87] : memref<4x32xi32, #tpu.memory_space<vmem>> -> memref<1x32xi32, #tpu.memory_space<vmem>>
      %dma_start3A_89 = tpu.memref_squeeze %dma_start3A_88 : memref<1x32xi32, #tpu.memory_space<vmem>> -> memref<32xi32, #tpu.memory_space<vmem>>
      %dma_start3A_90 = tpu.memref_slice %arg3[%run_scoped3A_15, %add3A_13] : memref<2x2048xi32, #tpu.memory_space<hbm>> -> memref<1x32xi32, #tpu.memory_space<hbm>>
      %dma_start3A_91 = tpu.memref_squeeze %dma_start3A_90 : memref<1x32xi32, #tpu.memory_space<hbm>> -> memref<32xi32, #tpu.memory_space<hbm>>
      %dma_start3A_92 = arith.constant 0 : i32
      %dma_start3A_93 = tpu.memref_slice %arg7[%run_scoped3A_16, %dma_start3A_92] : memref<4x32xi32, #tpu.memory_space<vmem>> -> memref<1x32xi32, #tpu.memory_space<vmem>>
      %dma_start3A_94 = tpu.memref_squeeze %dma_start3A_93 : memref<1x32xi32, #tpu.memory_space<vmem>> -> memref<32xi32, #tpu.memory_space<vmem>>
      %dma_start3A_95 = tpu.memref_slice %arg3[%run_scoped3A_15, %add3A_13] : memref<2x2048xi32, #tpu.memory_space<hbm>> -> memref<1x32xi32, #tpu.memory_space<hbm>>
      %dma_start3A_96 = tpu.memref_squeeze %dma_start3A_95 : memref<1x32xi32, #tpu.memory_space<hbm>> -> memref<32xi32, #tpu.memory_space<hbm>>
      tpu.enqueue_dma source(%dma_start3A_96 : memref<32xi32, #tpu.memory_space<hbm>>) target(%dma_start3A_94 : memref<32xi32, #tpu.memory_space<vmem>>) target_semaphore(%run_scoped3A_86 : memref<!tpu.dma_semaphore, #tpu.memory_space<semaphore_mem>>)
      %dma_wait3A_97 = arith.constant 0 : i32
      %dma_wait3A_98 = tpu.memref_slice %arg7[%run_scoped3A_16, %dma_wait3A_97] : memref<4x32xi32, #tpu.memory_space<vmem>> -> memref<1x32xi32, #tpu.memory_space<vmem>>
      %dma_wait3A_99 = tpu.memref_squeeze %dma_wait3A_98 : memref<1x32xi32, #tpu.memory_space<vmem>> -> memref<32xi32, #tpu.memory_space<vmem>>
      %dma_wait3A_100 = tpu.memref_slice %arg3[%run_scoped3A_15, %add3A_13] : memref<2x2048xi32, #tpu.memory_space<hbm>> -> memref<1x32xi32, #tpu.memory_space<hbm>>
      %dma_wait3A_101 = tpu.memref_squeeze %dma_wait3A_100 : memref<1x32xi32, #tpu.memory_space<hbm>> -> memref<32xi32, #tpu.memory_space<hbm>>
      %dma_wait3A_102 = arith.constant 0 : i32
      %dma_wait3A_103 = tpu.memref_slice %arg7[%run_scoped3A_16, %dma_wait3A_102] : memref<4x32xi32, #tpu.memory_space<vmem>> -> memref<1x32xi32, #tpu.memory_space<vmem>>
      %dma_wait3A_104 = tpu.memref_squeeze %dma_wait3A_103 : memref<1x32xi32, #tpu.memory_space<vmem>> -> memref<32xi32, #tpu.memory_space<vmem>>
      %dma_wait3A_105 = tpu.memref_slice %arg3[%run_scoped3A_15, %add3A_13] : memref<2x2048xi32, #tpu.memory_space<hbm>> -> memref<1x32xi32, #tpu.memory_space<hbm>>
      %dma_wait3A_106 = tpu.memref_squeeze %dma_wait3A_105 : memref<1x32xi32, #tpu.memory_space<hbm>> -> memref<32xi32, #tpu.memory_space<hbm>>
      tpu.wait_dma2 semaphore(%run_scoped3A_86 : memref<!tpu.dma_semaphore, #tpu.memory_space<semaphore_mem>>) src(%dma_wait3A_106 : memref<32xi32, #tpu.memory_space<hbm>>) dst(%dma_wait3A_104 : memref<32xi32, #tpu.memory_space<vmem>>)
      tpu.yield
    }) : () -> ()
    %dma_wait3A = arith.constant 0 : i32
    %dma_wait3A_17 = tpu.memref_slice %arg2[%mul3A_2, %dma_wait3A] : memref<2048x1024xf32, #tpu.memory_space<hbm>> -> memref<32x1024xf32, #tpu.memory_space<hbm>>
    %dma_wait3A_18 = arith.constant 0 : i32
    %dma_wait3A_19 = tpu.memref_slice %arg2[%mul3A_2, %dma_wait3A_18] : memref<2048x1024xf32, #tpu.memory_space<hbm>> -> memref<32x1024xf32, #tpu.memory_space<hbm>>
    tpu.wait_dma2 semaphore(%arg8 : memref<!tpu.dma_semaphore, #tpu.memory_space<semaphore_mem>>) src(%dma_wait3A_19 : memref<32x1024xf32, #tpu.memory_space<hbm>>) dst(%arg5 : memref<32x1024xf32, #tpu.memory_space<vmem>>)
    %dma_start3A_20 = arith.constant 0 : i32
    %dma_start3A_21 = arith.constant 0 : i32
    %dma_start3A_22 = tpu.memref_slice %arg7[%dma_start3A_20, %dma_start3A_21] : memref<4x32xi32, #tpu.memory_space<vmem>> -> memref<1x32xi32, #tpu.memory_space<vmem>>
    %dma_start3A_23 = tpu.memref_squeeze %dma_start3A_22 : memref<1x32xi32, #tpu.memory_space<vmem>> -> memref<32xi32, #tpu.memory_space<vmem>>
    %dma_start3A_24 = arith.constant 0 : i32
    %dma_start3A_25 = arith.constant 0 : i32
    %dma_start3A_26 = tpu.memref_slice %arg4[%dma_start3A_24, %dma_start3A_25] : memref<9600x1024xf32, #tpu.memory_space<hbm>> -> memref<9600x1024xf32, #tpu.memory_space<hbm>>
    tpu.enqueue_indirect_dma source(%arg5 : memref<32x1024xf32, #tpu.memory_space<vmem>>) target(%dma_start3A_26 : memref<9600x1024xf32, #tpu.memory_space<hbm>>) offsets(%dma_start3A_23 : memref<32xi32, #tpu.memory_space<vmem>>) semaphore(%arg10 : memref<!tpu.dma_semaphore, #tpu.memory_space<semaphore_mem>>)
    %dma_start3A_27 = arith.constant 1 : i32
    %dma_start3A_28 = arith.constant 0 : i32
    %dma_start3A_29 = tpu.memref_slice %arg7[%dma_start3A_27, %dma_start3A_28] : memref<4x32xi32, #tpu.memory_space<vmem>> -> memref<1x32xi32, #tpu.memory_space<vmem>>
    %dma_start3A_30 = tpu.memref_squeeze %dma_start3A_29 : memref<1x32xi32, #tpu.memory_space<vmem>> -> memref<32xi32, #tpu.memory_space<vmem>>
    %dma_start3A_31 = arith.constant 0 : i32
    %dma_start3A_32 = arith.constant 0 : i32
    %dma_start3A_33 = tpu.memref_slice %arg4[%dma_start3A_31, %dma_start3A_32] : memref<9600x1024xf32, #tpu.memory_space<hbm>> -> memref<9600x1024xf32, #tpu.memory_space<hbm>>
    tpu.enqueue_indirect_dma source(%arg5 : memref<32x1024xf32, #tpu.memory_space<vmem>>) target(%dma_start3A_33 : memref<9600x1024xf32, #tpu.memory_space<hbm>>) offsets(%dma_start3A_30 : memref<32xi32, #tpu.memory_space<vmem>>) semaphore(%arg10 : memref<!tpu.dma_semaphore, #tpu.memory_space<semaphore_mem>>)
    %add3A_34 = arith.constant 32 : i32
    %add3A_35 = arith.addi %mul3A_2, %add3A_34 : i32
    %run_scoped3A_36 = arith.constant 0 : i32
    %run_scoped3A_37 = arith.constant 2 : i32
    "tpu.region"() ({
      %run_scoped3A_86 = tpu.sem_alloc : memref<!tpu.dma_semaphore, #tpu.memory_space<semaphore_mem>>
      %dma_start3A_87 = arith.constant 0 : i32
      %dma_start3A_88 = tpu.memref_slice %arg7[%run_scoped3A_37, %dma_start3A_87] : memref<4x32xi32, #tpu.memory_space<vmem>> -> memref<1x32xi32, #tpu.memory_space<vmem>>
      %dma_start3A_89 = tpu.memref_squeeze %dma_start3A_88 : memref<1x32xi32, #tpu.memory_space<vmem>> -> memref<32xi32, #tpu.memory_space<vmem>>
      %dma_start3A_90 = tpu.memref_slice %arg3[%run_scoped3A_36, %add3A_35] : memref<2x2048xi32, #tpu.memory_space<hbm>> -> memref<1x32xi32, #tpu.memory_space<hbm>>
      %dma_start3A_91 = tpu.memref_squeeze %dma_start3A_90 : memref<1x32xi32, #tpu.memory_space<hbm>> -> memref<32xi32, #tpu.memory_space<hbm>>
      %dma_start3A_92 = arith.constant 0 : i32
      %dma_start3A_93 = tpu.memref_slice %arg7[%run_scoped3A_37, %dma_start3A_92] : memref<4x32xi32, #tpu.memory_space<vmem>> -> memref<1x32xi32, #tpu.memory_space<vmem>>
      %dma_start3A_94 = tpu.memref_squeeze %dma_start3A_93 : memref<1x32xi32, #tpu.memory_space<vmem>> -> memref<32xi32, #tpu.memory_space<vmem>>
      %dma_start3A_95 = tpu.memref_slice %arg3[%run_scoped3A_36, %add3A_35] : memref<2x2048xi32, #tpu.memory_space<hbm>> -> memref<1x32xi32, #tpu.memory_space<hbm>>
      %dma_start3A_96 = tpu.memref_squeeze %dma_start3A_95 : memref<1x32xi32, #tpu.memory_space<hbm>> -> memref<32xi32, #tpu.memory_space<hbm>>
      tpu.enqueue_dma source(%dma_start3A_96 : memref<32xi32, #tpu.memory_space<hbm>>) target(%dma_start3A_94 : memref<32xi32, #tpu.memory_space<vmem>>) target_semaphore(%run_scoped3A_86 : memref<!tpu.dma_semaphore, #tpu.memory_space<semaphore_mem>>)
      %dma_wait3A_97 = arith.constant 0 : i32
      %dma_wait3A_98 = tpu.memref_slice %arg7[%run_scoped3A_37, %dma_wait3A_97] : memref<4x32xi32, #tpu.memory_space<vmem>> -> memref<1x32xi32, #tpu.memory_space<vmem>>
      %dma_wait3A_99 = tpu.memref_squeeze %dma_wait3A_98 : memref<1x32xi32, #tpu.memory_space<vmem>> -> memref<32xi32, #tpu.memory_space<vmem>>
      %dma_wait3A_100 = tpu.memref_slice %arg3[%run_scoped3A_36, %add3A_35] : memref<2x2048xi32, #tpu.memory_space<hbm>> -> memref<1x32xi32, #tpu.memory_space<hbm>>
      %dma_wait3A_101 = tpu.memref_squeeze %dma_wait3A_100 : memref<1x32xi32, #tpu.memory_space<hbm>> -> memref<32xi32, #tpu.memory_space<hbm>>
      %dma_wait3A_102 = arith.constant 0 : i32
      %dma_wait3A_103 = tpu.memref_slice %arg7[%run_scoped3A_37, %dma_wait3A_102] : memref<4x32xi32, #tpu.memory_space<vmem>> -> memref<1x32xi32, #tpu.memory_space<vmem>>
      %dma_wait3A_104 = tpu.memref_squeeze %dma_wait3A_103 : memref<1x32xi32, #tpu.memory_space<vmem>> -> memref<32xi32, #tpu.memory_space<vmem>>
      %dma_wait3A_105 = tpu.memref_slice %arg3[%run_scoped3A_36, %add3A_35] : memref<2x2048xi32, #tpu.memory_space<hbm>> -> memref<1x32xi32, #tpu.memory_space<hbm>>
      %dma_wait3A_106 = tpu.memref_squeeze %dma_wait3A_105 : memref<1x32xi32, #tpu.memory_space<hbm>> -> memref<32xi32, #tpu.memory_space<hbm>>
      tpu.wait_dma2 semaphore(%run_scoped3A_86 : memref<!tpu.dma_semaphore, #tpu.memory_space<semaphore_mem>>) src(%dma_wait3A_106 : memref<32xi32, #tpu.memory_space<hbm>>) dst(%dma_wait3A_104 : memref<32xi32, #tpu.memory_space<vmem>>)
      tpu.yield
    }) : () -> ()
    %run_scoped3A_38 = arith.constant 1 : i32
    %run_scoped3A_39 = arith.constant 3 : i32
    "tpu.region"() ({
      %run_scoped3A_86 = tpu.sem_alloc : memref<!tpu.dma_semaphore, #tpu.memory_space<semaphore_mem>>
      %dma_start3A_87 = arith.constant 0 : i32
      %dma_start3A_88 = tpu.memref_slice %arg7[%run_scoped3A_39, %dma_start3A_87] : memref<4x32xi32, #tpu.memory_space<vmem>> -> memref<1x32xi32, #tpu.memory_space<vmem>>
      %dma_start3A_89 = tpu.memref_squeeze %dma_start3A_88 : memref<1x32xi32, #tpu.memory_space<vmem>> -> memref<32xi32, #tpu.memory_space<vmem>>
      %dma_start3A_90 = tpu.memref_slice %arg3[%run_scoped3A_38, %add3A_35] : memref<2x2048xi32, #tpu.memory_space<hbm>> -> memref<1x32xi32, #tpu.memory_space<hbm>>
      %dma_start3A_91 = tpu.memref_squeeze %dma_start3A_90 : memref<1x32xi32, #tpu.memory_space<hbm>> -> memref<32xi32, #tpu.memory_space<hbm>>
      %dma_start3A_92 = arith.constant 0 : i32
      %dma_start3A_93 = tpu.memref_slice %arg7[%run_scoped3A_39, %dma_start3A_92] : memref<4x32xi32, #tpu.memory_space<vmem>> -> memref<1x32xi32, #tpu.memory_space<vmem>>
      %dma_start3A_94 = tpu.memref_squeeze %dma_start3A_93 : memref<1x32xi32, #tpu.memory_space<vmem>> -> memref<32xi32, #tpu.memory_space<vmem>>
      %dma_start3A_95 = tpu.memref_slice %arg3[%run_scoped3A_38, %add3A_35] : memref<2x2048xi32, #tpu.memory_space<hbm>> -> memref<1x32xi32, #tpu.memory_space<hbm>>
      %dma_start3A_96 = tpu.memref_squeeze %dma_start3A_95 : memref<1x32xi32, #tpu.memory_space<hbm>> -> memref<32xi32, #tpu.memory_space<hbm>>
      tpu.enqueue_dma source(%dma_start3A_96 : memref<32xi32, #tpu.memory_space<hbm>>) target(%dma_start3A_94 : memref<32xi32, #tpu.memory_space<vmem>>) target_semaphore(%run_scoped3A_86 : memref<!tpu.dma_semaphore, #tpu.memory_space<semaphore_mem>>)
      %dma_wait3A_97 = arith.constant 0 : i32
      %dma_wait3A_98 = tpu.memref_slice %arg7[%run_scoped3A_39, %dma_wait3A_97] : memref<4x32xi32, #tpu.memory_space<vmem>> -> memref<1x32xi32, #tpu.memory_space<vmem>>
      %dma_wait3A_99 = tpu.memref_squeeze %dma_wait3A_98 : memref<1x32xi32, #tpu.memory_space<vmem>> -> memref<32xi32, #tpu.memory_space<vmem>>
      %dma_wait3A_100 = tpu.memref_slice %arg3[%run_scoped3A_38, %add3A_35] : memref<2x2048xi32, #tpu.memory_space<hbm>> -> memref<1x32xi32, #tpu.memory_space<hbm>>
      %dma_wait3A_101 = tpu.memref_squeeze %dma_wait3A_100 : memref<1x32xi32, #tpu.memory_space<hbm>> -> memref<32xi32, #tpu.memory_space<hbm>>
      %dma_wait3A_102 = arith.constant 0 : i32
      %dma_wait3A_103 = tpu.memref_slice %arg7[%run_scoped3A_39, %dma_wait3A_102] : memref<4x32xi32, #tpu.memory_space<vmem>> -> memref<1x32xi32, #tpu.memory_space<vmem>>
      %dma_wait3A_104 = tpu.memref_squeeze %dma_wait3A_103 : memref<1x32xi32, #tpu.memory_space<vmem>> -> memref<32xi32, #tpu.memory_space<vmem>>
      %dma_wait3A_105 = tpu.memref_slice %arg3[%run_scoped3A_38, %add3A_35] : memref<2x2048xi32, #tpu.memory_space<hbm>> -> memref<1x32xi32, #tpu.memory_space<hbm>>
      %dma_wait3A_106 = tpu.memref_squeeze %dma_wait3A_105 : memref<1x32xi32, #tpu.memory_space<hbm>> -> memref<32xi32, #tpu.memory_space<hbm>>
      tpu.wait_dma2 semaphore(%run_scoped3A_86 : memref<!tpu.dma_semaphore, #tpu.memory_space<semaphore_mem>>) src(%dma_wait3A_106 : memref<32xi32, #tpu.memory_space<hbm>>) dst(%dma_wait3A_104 : memref<32xi32, #tpu.memory_space<vmem>>)
      tpu.yield
    }) : () -> ()
    %dma_wait3A_40 = arith.constant 0 : i32
    %dma_wait3A_41 = tpu.memref_slice %arg2[%add3A_7, %dma_wait3A_40] : memref<2048x1024xf32, #tpu.memory_space<hbm>> -> memref<32x1024xf32, #tpu.memory_space<hbm>>
    %dma_wait3A_42 = arith.constant 0 : i32
    %dma_wait3A_43 = tpu.memref_slice %arg2[%add3A_7, %dma_wait3A_42] : memref<2048x1024xf32, #tpu.memory_space<hbm>> -> memref<32x1024xf32, #tpu.memory_space<hbm>>
    tpu.wait_dma2 semaphore(%arg9 : memref<!tpu.dma_semaphore, #tpu.memory_space<semaphore_mem>>) src(%dma_wait3A_43 : memref<32x1024xf32, #tpu.memory_space<hbm>>) dst(%arg6 : memref<32x1024xf32, #tpu.memory_space<vmem>>)
    %dma_start3A_44 = arith.constant 2 : i32
    %dma_start3A_45 = arith.constant 0 : i32
    %dma_start3A_46 = tpu.memref_slice %arg7[%dma_start3A_44, %dma_start3A_45] : memref<4x32xi32, #tpu.memory_space<vmem>> -> memref<1x32xi32, #tpu.memory_space<vmem>>
    %dma_start3A_47 = tpu.memref_squeeze %dma_start3A_46 : memref<1x32xi32, #tpu.memory_space<vmem>> -> memref<32xi32, #tpu.memory_space<vmem>>
    %dma_start3A_48 = arith.constant 0 : i32
    %dma_start3A_49 = arith.constant 0 : i32
    %dma_start3A_50 = tpu.memref_slice %arg4[%dma_start3A_48, %dma_start3A_49] : memref<9600x1024xf32, #tpu.memory_space<hbm>> -> memref<9600x1024xf32, #tpu.memory_space<hbm>>
    tpu.enqueue_indirect_dma source(%arg6 : memref<32x1024xf32, #tpu.memory_space<vmem>>) target(%dma_start3A_50 : memref<9600x1024xf32, #tpu.memory_space<hbm>>) offsets(%dma_start3A_47 : memref<32xi32, #tpu.memory_space<vmem>>) semaphore(%arg10 : memref<!tpu.dma_semaphore, #tpu.memory_space<semaphore_mem>>)
    %dma_start3A_51 = arith.constant 3 : i32
    %dma_start3A_52 = arith.constant 0 : i32
    %dma_start3A_53 = tpu.memref_slice %arg7[%dma_start3A_51, %dma_start3A_52] : memref<4x32xi32, #tpu.memory_space<vmem>> -> memref<1x32xi32, #tpu.memory_space<vmem>>
    %dma_start3A_54 = tpu.memref_squeeze %dma_start3A_53 : memref<1x32xi32, #tpu.memory_space<vmem>> -> memref<32xi32, #tpu.memory_space<vmem>>
    %dma_start3A_55 = arith.constant 0 : i32
    %dma_start3A_56 = arith.constant 0 : i32
    %dma_start3A_57 = tpu.memref_slice %arg4[%dma_start3A_55, %dma_start3A_56] : memref<9600x1024xf32, #tpu.memory_space<hbm>> -> memref<9600x1024xf32, #tpu.memory_space<hbm>>
    tpu.enqueue_indirect_dma source(%arg6 : memref<32x1024xf32, #tpu.memory_space<vmem>>) target(%dma_start3A_57 : memref<9600x1024xf32, #tpu.memory_space<hbm>>) offsets(%dma_start3A_54 : memref<32xi32, #tpu.memory_space<vmem>>) semaphore(%arg10 : memref<!tpu.dma_semaphore, #tpu.memory_space<semaphore_mem>>)
    %dma_wait3A_58 = arith.constant 0 : i32
    %dma_wait3A_59 = arith.constant 0 : i32
    %dma_wait3A_60 = tpu.memref_slice %arg7[%dma_wait3A_58, %dma_wait3A_59] : memref<4x32xi32, #tpu.memory_space<vmem>> -> memref<1x32xi32, #tpu.memory_space<vmem>>
    %dma_wait3A_61 = tpu.memref_squeeze %dma_wait3A_60 : memref<1x32xi32, #tpu.memory_space<vmem>> -> memref<32xi32, #tpu.memory_space<vmem>>
    %dma_wait3A_62 = arith.constant 0 : i32
    %dma_wait3A_63 = arith.constant 0 : i32
    %dma_wait3A_64 = tpu.memref_slice %arg4[%dma_wait3A_62, %dma_wait3A_63] : memref<9600x1024xf32, #tpu.memory_space<hbm>> -> memref<9600x1024xf32, #tpu.memory_space<hbm>>
    tpu.wait_indirect_dma semaphore(%arg10 : memref<!tpu.dma_semaphore, #tpu.memory_space<semaphore_mem>>) src(%arg5 : memref<32x1024xf32, #tpu.memory_space<vmem>>) dst(%dma_wait3A_64 : memref<9600x1024xf32, #tpu.memory_space<hbm>>)
    %dma_wait3A_65 = arith.constant 1 : i32
    %dma_wait3A_66 = arith.constant 0 : i32
    %dma_wait3A_67 = tpu.memref_slice %arg7[%dma_wait3A_65, %dma_wait3A_66] : memref<4x32xi32, #tpu.memory_space<vmem>> -> memref<1x32xi32, #tpu.memory_space<vmem>>
    %dma_wait3A_68 = tpu.memref_squeeze %dma_wait3A_67 : memref<1x32xi32, #tpu.memory_space<vmem>> -> memref<32xi32, #tpu.memory_space<vmem>>
    %dma_wait3A_69 = arith.constant 0 : i32
    %dma_wait3A_70 = arith.constant 0 : i32
    %dma_wait3A_71 = tpu.memref_slice %arg4[%dma_wait3A_69, %dma_wait3A_70] : memref<9600x1024xf32, #tpu.memory_space<hbm>> -> memref<9600x1024xf32, #tpu.memory_space<hbm>>
    tpu.wait_indirect_dma semaphore(%arg10 : memref<!tpu.dma_semaphore, #tpu.memory_space<semaphore_mem>>) src(%arg5 : memref<32x1024xf32, #tpu.memory_space<vmem>>) dst(%dma_wait3A_71 : memref<9600x1024xf32, #tpu.memory_space<hbm>>)
    %dma_wait3A_72 = arith.constant 2 : i32
    %dma_wait3A_73 = arith.constant 0 : i32
    %dma_wait3A_74 = tpu.memref_slice %arg7[%dma_wait3A_72, %dma_wait3A_73] : memref<4x32xi32, #tpu.memory_space<vmem>> -> memref<1x32xi32, #tpu.memory_space<vmem>>
    %dma_wait3A_75 = tpu.memref_squeeze %dma_wait3A_74 : memref<1x32xi32, #tpu.memory_space<vmem>> -> memref<32xi32, #tpu.memory_space<vmem>>
    %dma_wait3A_76 = arith.constant 0 : i32
    %dma_wait3A_77 = arith.constant 0 : i32
    %dma_wait3A_78 = tpu.memref_slice %arg4[%dma_wait3A_76, %dma_wait3A_77] : memref<9600x1024xf32, #tpu.memory_space<hbm>> -> memref<9600x1024xf32, #tpu.memory_space<hbm>>
    tpu.wait_indirect_dma semaphore(%arg10 : memref<!tpu.dma_semaphore, #tpu.memory_space<semaphore_mem>>) src(%arg6 : memref<32x1024xf32, #tpu.memory_space<vmem>>) dst(%dma_wait3A_78 : memref<9600x1024xf32, #tpu.memory_space<hbm>>)
    %dma_wait3A_79 = arith.constant 3 : i32
    %dma_wait3A_80 = arith.constant 0 : i32
    %dma_wait3A_81 = tpu.memref_slice %arg7[%dma_wait3A_79, %dma_wait3A_80] : memref<4x32xi32, #tpu.memory_space<vmem>> -> memref<1x32xi32, #tpu.memory_space<vmem>>
    %dma_wait3A_82 = tpu.memref_squeeze %dma_wait3A_81 : memref<1x32xi32, #tpu.memory_space<vmem>> -> memref<32xi32, #tpu.memory_space<vmem>>
    %dma_wait3A_83 = arith.constant 0 : i32
    %dma_wait3A_84 = arith.constant 0 : i32
    %dma_wait3A_85 = tpu.memref_slice %arg4[%dma_wait3A_83, %dma_wait3A_84] : memref<9600x1024xf32, #tpu.memory_space<hbm>> -> memref<9600x1024xf32, #tpu.memory_space<hbm>>
    tpu.wait_indirect_dma semaphore(%arg10 : memref<!tpu.dma_semaphore, #tpu.memory_space<semaphore_mem>>) src(%arg6 : memref<32x1024xf32, #tpu.memory_space<vmem>>) dst(%dma_wait3A_85 : memref<9600x1024xf32, #tpu.memory_space<hbm>>)
    return
  }
}

module attributes {stable_mosaic.version = 14 : i64} {
  func.func @_ffn_body(%arg0: i32, %arg1: memref<1x15xi32, #tpu.memory_space<smem>>, %arg2: memref<1x1xi32, #tpu.memory_space<smem>>, %arg3: memref<640x1024xf32, #tpu.memory_space<vmem>>, %arg4: memref<1x1024x1024xf32, #tpu.memory_space<vmem>>, %arg5: memref<1x1024x512xf32, #tpu.memory_space<vmem>>, %arg6: memref<640x1024xf32, #tpu.memory_space<vmem>>) attributes {dimension_semantics = [#tpu.dimension_semantics<arbitrary>], iteration_bounds = array<i64: 15>, scalar_prefetch = 2 : i64, scratch_operands = 0 : i64, tpu.core_type = #tpu.core_type<tc>, window_params = [{transform_indices = @transform_0, window_bounds = array<i64: 640, 1024>}, {transform_indices = @transform_1, window_bounds = array<i64: 1, 1024, 1024>}, {transform_indices = @transform_2, window_bounds = array<i64: 1, 1024, 512>}, {transform_indices = @transform_3, window_bounds = array<i64: 640, 1024>}]} {
    %get3A = arith.constant 0 : index
    %get3A_0 = arith.constant 0 : index
    %get3A_1 = memref.load %arg2[%get3A, %get3A_0] : memref<1x1xi32, #tpu.memory_space<smem>>
    %lt3A = arith.cmpi slt, %arg0, %get3A_1 : i32
    %convert_element_type3A = arith.extui %lt3A : i1 to i32
    %cond3A = arith.constant 0 : i32
    %cond3A_2 = arith.cmpi ne, %convert_element_type3A, %cond3A : i32
    scf.if %cond3A_2 {
      %get3A_3 = arith.constant 0 : index
      %get3A_4 = arith.constant 0 : index
      %get3A_5 = vector.load %arg3[%get3A_3, %get3A_4] : memref<640x1024xf32, #tpu.memory_space<vmem>>, vector<640x1024xf32>
      %get3A_6 = arith.constant 0 : index
      %get3A_7 = arith.constant 0 : index
      %get3A_8 = arith.constant 0 : index
      %get3A_9 = vector.load %arg4[%get3A_6, %get3A_7, %get3A_8] : memref<1x1024x1024xf32, #tpu.memory_space<vmem>>, vector<1x1024x1024xf32>
      %get3A_10 = vector.shape_cast %get3A_9 : vector<1x1024x1024xf32> to vector<1024x1024xf32>
      %get3A_11 = arith.constant 0 : index
      %get3A_12 = arith.constant 0 : index
      %get3A_13 = arith.constant 0 : index
      %get3A_14 = vector.load %arg5[%get3A_11, %get3A_12, %get3A_13] : memref<1x1024x512xf32, #tpu.memory_space<vmem>>, vector<1x1024x512xf32>
      %get3A_15 = vector.shape_cast %get3A_14 : vector<1x1024x512xf32> to vector<1024x512xf32>
      %dot_general3A = arith.constant dense<0.000000e+00> : vector<640x1024xf32>
      %dot_general3A_16 = tpu.matmul %get3A_5, %get3A_10, %dot_general3A {dimension_numbers = #tpu.dot_dimension_numbers<[1], [1], [0], [0], [0, 0, 1, 0], [], []>, transpose_lhs_hint = false} : vector<640x1024xf32>, vector<1024x1024xf32>, vector<640x1024xf32> -> vector<640x1024xf32>
      %slice3A = vector.extract_strided_slice %dot_general3A_16 {offsets = [0, 0], sizes = [640, 512], strides = [1, 1]} : vector<640x1024xf32> to vector<640x512xf32>
      %slice3A_17 = vector.extract_strided_slice %dot_general3A_16 {offsets = [0, 512], sizes = [640, 512], strides = [1, 1]} : vector<640x1024xf32> to vector<640x512xf32>
      %logistic3A = arith.negf %slice3A : vector<640x512xf32>
      %logistic3A_18 = math.exp %logistic3A : vector<640x512xf32>
      %logistic3A_19 = arith.constant 1.000000e+00 : f32
      %logistic3A_20 = vector.broadcast %logistic3A_19 : f32 to vector<640x512xf32>
      %logistic3A_21 = arith.addf %logistic3A_20, %logistic3A_18 : vector<640x512xf32>
      %logistic3A_22 = arith.divf %logistic3A_20, %logistic3A_21 : vector<640x512xf32>
      %mul3A = arith.mulf %slice3A, %logistic3A_22 : vector<640x512xf32>
      %mul3A_23 = arith.mulf %mul3A, %slice3A_17 : vector<640x512xf32>
      %dot_general3A_24 = arith.constant dense<0.000000e+00> : vector<640x1024xf32>
      %dot_general3A_25 = tpu.matmul %mul3A_23, %get3A_15, %dot_general3A_24 {dimension_numbers = #tpu.dot_dimension_numbers<[1], [1], [0], [0], [0, 0, 1, 0], [], []>, transpose_lhs_hint = false} : vector<640x512xf32>, vector<1024x512xf32>, vector<640x1024xf32> -> vector<640x1024xf32>
      %swap3A = arith.constant 0 : index
      %swap3A_26 = arith.constant 0 : index
      %swap3A_27 = vector.load %arg6[%swap3A, %swap3A_26] : memref<640x1024xf32, #tpu.memory_space<vmem>>, vector<640x1024xf32>
      tpu.vector_store %arg6[%swap3A, %swap3A_26], %dot_general3A_25 {strides = array<i32>} : memref<640x1024xf32, #tpu.memory_space<vmem>>, vector<640x1024xf32>,
    } else {
    }
    return
  }
  func.func @transform_0(%arg0: i32, %arg1: memref<1x15xi32, #tpu.memory_space<smem>>, %arg2: memref<1x1xi32, #tpu.memory_space<smem>>) -> (i32, i32) {
    %get3A = arith.constant 0 : index
    %get3A_0 = arith.constant 0 : index
    %get3A_1 = memref.load %arg2[%get3A, %get3A_0] : memref<1x1xi32, #tpu.memory_space<smem>>
    %sub3A = arith.constant 1 : i32
    %sub3A_2 = arith.subi %get3A_1, %sub3A : i32
    %min3A = arith.minsi %arg0, %sub3A_2 : i32
    %c0_i32 = arith.constant 0 : i32
    %c0_i32_3 = arith.constant 0 : i32
    return %min3A, %c0_i32 : i32, i32
  }
  func.func @transform_1(%arg0: i32, %arg1: memref<1x15xi32, #tpu.memory_space<smem>>, %arg2: memref<1x1xi32, #tpu.memory_space<smem>>) -> (i32, i32, i32) {
    %get3A = arith.constant 0 : index
    %get3A_0 = arith.constant 0 : index
    %get3A_1 = memref.load %arg2[%get3A, %get3A_0] : memref<1x1xi32, #tpu.memory_space<smem>>
    %sub3A = arith.constant 1 : i32
    %sub3A_2 = arith.subi %get3A_1, %sub3A : i32
    %min3A = arith.minsi %arg0, %sub3A_2 : i32
    %get3A_3 = arith.constant 0 : index
    %get3A_4 = arith.index_cast %min3A : i32 to index
    %get3A_5 = memref.load %arg1[%get3A_3, %get3A_4] : memref<1x15xi32, #tpu.memory_space<smem>>
    %c0_i32 = arith.constant 0 : i32
    %c0_i32_6 = arith.constant 0 : i32
    %c0_i32_7 = arith.constant 0 : i32
    return %get3A_5, %c0_i32, %c0_i32_6 : i32, i32, i32
  }
  func.func @transform_2(%arg0: i32, %arg1: memref<1x15xi32, #tpu.memory_space<smem>>, %arg2: memref<1x1xi32, #tpu.memory_space<smem>>) -> (i32, i32, i32) {
    %get3A = arith.constant 0 : index
    %get3A_0 = arith.constant 0 : index
    %get3A_1 = memref.load %arg2[%get3A, %get3A_0] : memref<1x1xi32, #tpu.memory_space<smem>>
    %sub3A = arith.constant 1 : i32
    %sub3A_2 = arith.subi %get3A_1, %sub3A : i32
    %min3A = arith.minsi %arg0, %sub3A_2 : i32
    %get3A_3 = arith.constant 0 : index
    %get3A_4 = arith.index_cast %min3A : i32 to index
    %get3A_5 = memref.load %arg1[%get3A_3, %get3A_4] : memref<1x15xi32, #tpu.memory_space<smem>>
    %c0_i32 = arith.constant 0 : i32
    %c0_i32_6 = arith.constant 0 : i32
    %c0_i32_7 = arith.constant 0 : i32
    return %get3A_5, %c0_i32, %c0_i32_6 : i32, i32, i32
  }
  func.func @transform_3(%arg0: i32, %arg1: memref<1x15xi32, #tpu.memory_space<smem>>, %arg2: memref<1x1xi32, #tpu.memory_space<smem>>) -> (i32, i32) {
    %get3A = arith.constant 0 : index
    %get3A_0 = arith.constant 0 : index
    %get3A_1 = memref.load %arg2[%get3A, %get3A_0] : memref<1x1xi32, #tpu.memory_space<smem>>
    %sub3A = arith.constant 1 : i32
    %sub3A_2 = arith.subi %get3A_1, %sub3A : i32
    %min3A = arith.minsi %arg0, %sub3A_2 : i32
    %c0_i32 = arith.constant 0 : i32
    %c0_i32_3 = arith.constant 0 : i32
    return %min3A, %c0_i32 : i32, i32
  }
}

module attributes {stable_mosaic.version = 14 : i64} {
  func.func @_routing_body(%arg0: memref<2x2048xi32, #tpu.memory_space<vmem>>, %arg1: memref<2x2048xi32, #tpu.memory_space<vmem>>, %arg2: memref<1x15xi32, #tpu.memory_space<vmem>>, %arg3: memref<1x1xi32, #tpu.memory_space<vmem>>) attributes {dimension_semantics = [], scalar_prefetch = 0 : i64, scratch_operands = 0 : i64, tpu.core_type = #tpu.core_type<tc>} {
    %get3A = arith.constant 0 : index
    %get3A_0 = arith.constant 0 : index
    %get3A_1 = vector.load %arg0[%get3A, %get3A_0] : memref<2x2048xi32, #tpu.memory_space<vmem>>, vector<2x2048xi32>
    %iota3A = tpu.iota {dimensions = array<i32: 0>} : vector<8x2048xi32>
    %slice3A = vector.extract_strided_slice %get3A_1 {offsets = [0, 0], sizes = [1, 2048], strides = [1, 1]} : vector<2x2048xi32> to vector<1x2048xi32>
    %eq3A = vector.broadcast %slice3A : vector<1x2048xi32> to vector<8x2048xi32>
    %eq3A_2 = arith.cmpi eq, %eq3A, %iota3A : vector<8x2048xi32>
    %convert_element_type3A = arith.extui %eq3A_2 : vector<8x2048xi1> to vector<8x2048xi32>
    %convert_element_type3A_3 = arith.sitofp %convert_element_type3A : vector<8x2048xi32> to vector<8x2048xf32>
    %slice3A_4 = vector.extract_strided_slice %get3A_1 {offsets = [1, 0], sizes = [1, 2048], strides = [1, 1]} : vector<2x2048xi32> to vector<1x2048xi32>
    %eq3A_5 = vector.broadcast %slice3A_4 : vector<1x2048xi32> to vector<8x2048xi32>
    %eq3A_6 = arith.cmpi eq, %eq3A_5, %iota3A : vector<8x2048xi32>
    %convert_element_type3A_7 = arith.extui %eq3A_6 : vector<8x2048xi1> to vector<8x2048xi32>
    %convert_element_type3A_8 = arith.sitofp %convert_element_type3A_7 : vector<8x2048xi32> to vector<8x2048xf32>
    %add3A = arith.addf %convert_element_type3A_3, %convert_element_type3A_8 : vector<8x2048xf32>
    %broadcast_in_dim3A = arith.constant 0.000000e+00 : f32
    %broadcast_in_dim3A_9 = vector.broadcast %broadcast_in_dim3A : f32 to vector<8x1xf32>
    %slice3A_10 = vector.extract_strided_slice %add3A {offsets = [0, 0], sizes = [8, 2047], strides = [1, 1]} : vector<8x2048xf32> to vector<8x2047xf32>
    %concatenate3A = tpu.concatenate %broadcast_in_dim3A_9, %slice3A_10 in 1 : vector<8x1xf32>, vector<8x2047xf32> -> vector<8x2048xf32>
    %add3A_11 = arith.addf %add3A, %concatenate3A : vector<8x2048xf32>
    %broadcast_in_dim3A_12 = arith.constant 0.000000e+00 : f32
    %broadcast_in_dim3A_13 = vector.broadcast %broadcast_in_dim3A_12 : f32 to vector<8x2xf32>
    %slice3A_14 = vector.extract_strided_slice %add3A_11 {offsets = [0, 0], sizes = [8, 2046], strides = [1, 1]} : vector<8x2048xf32> to vector<8x2046xf32>
    %concatenate3A_15 = tpu.concatenate %broadcast_in_dim3A_13, %slice3A_14 in 1 : vector<8x2xf32>, vector<8x2046xf32> -> vector<8x2048xf32>
    %add3A_16 = arith.addf %add3A_11, %concatenate3A_15 : vector<8x2048xf32>
    %broadcast_in_dim3A_17 = arith.constant 0.000000e+00 : f32
    %broadcast_in_dim3A_18 = vector.broadcast %broadcast_in_dim3A_17 : f32 to vector<8x4xf32>
    %slice3A_19 = vector.extract_strided_slice %add3A_16 {offsets = [0, 0], sizes = [8, 2044], strides = [1, 1]} : vector<8x2048xf32> to vector<8x2044xf32>
    %concatenate3A_20 = tpu.concatenate %broadcast_in_dim3A_18, %slice3A_19 in 1 : vector<8x4xf32>, vector<8x2044xf32> -> vector<8x2048xf32>
    %add3A_21 = arith.addf %add3A_16, %concatenate3A_20 : vector<8x2048xf32>
    %broadcast_in_dim3A_22 = arith.constant 0.000000e+00 : f32
    %broadcast_in_dim3A_23 = vector.broadcast %broadcast_in_dim3A_22 : f32 to vector<8x8xf32>
    %slice3A_24 = vector.extract_strided_slice %add3A_21 {offsets = [0, 0], sizes = [8, 2040], strides = [1, 1]} : vector<8x2048xf32> to vector<8x2040xf32>
    %concatenate3A_25 = tpu.concatenate %broadcast_in_dim3A_23, %slice3A_24 in 1 : vector<8x8xf32>, vector<8x2040xf32> -> vector<8x2048xf32>
    %add3A_26 = arith.addf %add3A_21, %concatenate3A_25 : vector<8x2048xf32>
    %broadcast_in_dim3A_27 = arith.constant 0.000000e+00 : f32
    %broadcast_in_dim3A_28 = vector.broadcast %broadcast_in_dim3A_27 : f32 to vector<8x16xf32>
    %slice3A_29 = vector.extract_strided_slice %add3A_26 {offsets = [0, 0], sizes = [8, 2032], strides = [1, 1]} : vector<8x2048xf32> to vector<8x2032xf32>
    %concatenate3A_30 = tpu.concatenate %broadcast_in_dim3A_28, %slice3A_29 in 1 : vector<8x16xf32>, vector<8x2032xf32> -> vector<8x2048xf32>
    %add3A_31 = arith.addf %add3A_26, %concatenate3A_30 : vector<8x2048xf32>
    %broadcast_in_dim3A_32 = arith.constant 0.000000e+00 : f32
    %broadcast_in_dim3A_33 = vector.broadcast %broadcast_in_dim3A_32 : f32 to vector<8x32xf32>
    %slice3A_34 = vector.extract_strided_slice %add3A_31 {offsets = [0, 0], sizes = [8, 2016], strides = [1, 1]} : vector<8x2048xf32> to vector<8x2016xf32>
    %concatenate3A_35 = tpu.concatenate %broadcast_in_dim3A_33, %slice3A_34 in 1 : vector<8x32xf32>, vector<8x2016xf32> -> vector<8x2048xf32>
    %add3A_36 = arith.addf %add3A_31, %concatenate3A_35 : vector<8x2048xf32>
    %broadcast_in_dim3A_37 = arith.constant 0.000000e+00 : f32
    %broadcast_in_dim3A_38 = vector.broadcast %broadcast_in_dim3A_37 : f32 to vector<8x64xf32>
    %slice3A_39 = vector.extract_strided_slice %add3A_36 {offsets = [0, 0], sizes = [8, 1984], strides = [1, 1]} : vector<8x2048xf32> to vector<8x1984xf32>
    %concatenate3A_40 = tpu.concatenate %broadcast_in_dim3A_38, %slice3A_39 in 1 : vector<8x64xf32>, vector<8x1984xf32> -> vector<8x2048xf32>
    %add3A_41 = arith.addf %add3A_36, %concatenate3A_40 : vector<8x2048xf32>
    %broadcast_in_dim3A_42 = arith.constant 0.000000e+00 : f32
    %broadcast_in_dim3A_43 = vector.broadcast %broadcast_in_dim3A_42 : f32 to vector<8x128xf32>
    %slice3A_44 = vector.extract_strided_slice %add3A_41 {offsets = [0, 0], sizes = [8, 1920], strides = [1, 1]} : vector<8x2048xf32> to vector<8x1920xf32>
    %concatenate3A_45 = tpu.concatenate %broadcast_in_dim3A_43, %slice3A_44 in 1 : vector<8x128xf32>, vector<8x1920xf32> -> vector<8x2048xf32>
    %add3A_46 = arith.addf %add3A_41, %concatenate3A_45 : vector<8x2048xf32>
    %broadcast_in_dim3A_47 = arith.constant 0.000000e+00 : f32
    %broadcast_in_dim3A_48 = vector.broadcast %broadcast_in_dim3A_47 : f32 to vector<8x256xf32>
    %slice3A_49 = vector.extract_strided_slice %add3A_46 {offsets = [0, 0], sizes = [8, 1792], strides = [1, 1]} : vector<8x2048xf32> to vector<8x1792xf32>
    %concatenate3A_50 = tpu.concatenate %broadcast_in_dim3A_48, %slice3A_49 in 1 : vector<8x256xf32>, vector<8x1792xf32> -> vector<8x2048xf32>
    %add3A_51 = arith.addf %add3A_46, %concatenate3A_50 : vector<8x2048xf32>
    %broadcast_in_dim3A_52 = arith.constant 0.000000e+00 : f32
    %broadcast_in_dim3A_53 = vector.broadcast %broadcast_in_dim3A_52 : f32 to vector<8x512xf32>
    %slice3A_54 = vector.extract_strided_slice %add3A_51 {offsets = [0, 0], sizes = [8, 1536], strides = [1, 1]} : vector<8x2048xf32> to vector<8x1536xf32>
    %concatenate3A_55 = tpu.concatenate %broadcast_in_dim3A_53, %slice3A_54 in 1 : vector<8x512xf32>, vector<8x1536xf32> -> vector<8x2048xf32>
    %add3A_56 = arith.addf %add3A_51, %concatenate3A_55 : vector<8x2048xf32>
    %broadcast_in_dim3A_57 = arith.constant 0.000000e+00 : f32
    %broadcast_in_dim3A_58 = vector.broadcast %broadcast_in_dim3A_57 : f32 to vector<8x1024xf32>
    %slice3A_59 = vector.extract_strided_slice %add3A_56 {offsets = [0, 0], sizes = [8, 1024], strides = [1, 1]} : vector<8x2048xf32> to vector<8x1024xf32>
    %concatenate3A_60 = tpu.concatenate %broadcast_in_dim3A_58, %slice3A_59 in 1 : vector<8x1024xf32>, vector<8x1024xf32> -> vector<8x2048xf32>
    %add3A_61 = arith.addf %add3A_56, %concatenate3A_60 : vector<8x2048xf32>
    %sub3A = arith.subf %add3A_61, %add3A : vector<8x2048xf32>
    %slice3A_62 = vector.extract_strided_slice %add3A_61 {offsets = [0, 2047], sizes = [8, 1], strides = [1, 1]} : vector<8x2048xf32> to vector<8x1xf32>
    %mul3A = arith.constant 1.562500e-03 : f32
    %mul3A_63 = vector.broadcast %mul3A : f32 to vector<8x1xf32>
    %mul3A_64 = arith.mulf %slice3A_62, %mul3A_63 : vector<8x1xf32>
    %ceil3A = math.ceil %mul3A_64 : vector<8x1xf32>
    %mul3A_65 = arith.constant 6.400000e+02 : f32
    %mul3A_66 = vector.broadcast %mul3A_65 : f32 to vector<8x1xf32>
    %mul3A_67 = arith.mulf %ceil3A, %mul3A_66 : vector<8x1xf32>
    %iota3A_68 = tpu.iota {dimensions = array<i32: 0>} : vector<8x8xi32>
    %iota3A_69 = tpu.iota {dimensions = array<i32: 1>} : vector<8x8xi32>
    %lt3A = arith.cmpi slt, %iota3A_69, %iota3A_68 : vector<8x8xi32>
    %convert_element_type3A_70 = arith.extui %lt3A : vector<8x8xi1> to vector<8x8xi32>
    %convert_element_type3A_71 = arith.sitofp %convert_element_type3A_70 : vector<8x8xi32> to vector<8x8xf32>
    %dot_general3A = arith.constant dense<0.000000e+00> : vector<8x1xf32>
    %dot_general3A_72 = tpu.matmul %convert_element_type3A_71, %mul3A_67, %dot_general3A {dimension_numbers = #tpu.dot_dimension_numbers<[1], [0], [0], [1], [0, 0, 1, 1], [], []>, transpose_lhs_hint = false} : vector<8x8xf32>, vector<8x1xf32>, vector<8x1xf32> -> vector<8x1xf32>
    %add3A_73 = vector.broadcast %dot_general3A_72 : vector<8x1xf32> to vector<8x2048xf32>
    %add3A_74 = arith.addf %sub3A, %add3A_73 : vector<8x2048xf32>
    %mul3A_75 = arith.mulf %convert_element_type3A_3, %add3A_74 : vector<8x2048xf32>
    %reduce_sum3A = arith.constant dense<0.000000e+00> : vector<2048xf32>
    %reduce_sum3A_76 = vector.multi_reduction <add>, %mul3A_75, %reduce_sum3A [0] : vector<8x2048xf32> to vector<2048xf32>
    %reshape3A = vector.shape_cast %reduce_sum3A_76 : vector<2048xf32> to vector<1x2048xf32>
    %add3A_77 = arith.addf %add3A_74, %convert_element_type3A_3 : vector<8x2048xf32>
    %mul3A_78 = arith.mulf %convert_element_type3A_8, %add3A_77 : vector<8x2048xf32>
    %reduce_sum3A_79 = arith.constant dense<0.000000e+00> : vector<2048xf32>
    %reduce_sum3A_80 = vector.multi_reduction <add>, %mul3A_78, %reduce_sum3A_79 [0] : vector<8x2048xf32> to vector<2048xf32>
    %reshape3A_81 = vector.shape_cast %reduce_sum3A_80 : vector<2048xf32> to vector<1x2048xf32>
    %concatenate3A_82 = tpu.concatenate %reshape3A, %reshape3A_81 in 0 : vector<1x2048xf32>, vector<1x2048xf32> -> vector<2x2048xf32>
    %convert_element_type3A_83 = arith.fptosi %concatenate3A_82 : vector<2x2048xf32> to vector<2x2048xi32>
    %swap3A = arith.constant 0 : index
    %swap3A_84 = arith.constant 0 : index
    %swap3A_85 = vector.load %arg1[%swap3A, %swap3A_84] : memref<2x2048xi32, #tpu.memory_space<vmem>>, vector<2x2048xi32>
    tpu.vector_store %arg1[%swap3A, %swap3A_84], %convert_element_type3A_83 {strides = array<i32>} : memref<2x2048xi32, #tpu.memory_space<vmem>>, vector<2x2048xi32>,
    %add3A_86 = arith.addf %dot_general3A_72, %mul3A_67 : vector<8x1xf32>
    %iota3A_87 = tpu.iota {dimensions = array<i32: 1>} : vector<8x15xi32>
    %mul3A_88 = arith.constant 640 : i32
    %mul3A_89 = vector.broadcast %mul3A_88 : i32 to vector<8x15xi32>
    %mul3A_90 = arith.muli %iota3A_87, %mul3A_89 : vector<8x15xi32>
    %convert_element_type3A_91 = arith.sitofp %mul3A_90 : vector<8x15xi32> to vector<8x15xf32>
    %broadcast_in_dim3A_92 = vector.shape_cast %add3A_86 : vector<8x1xf32> to vector<8x1xf32>
    %broadcast_in_dim3A_93 = vector.broadcast %broadcast_in_dim3A_92 : vector<8x1xf32> to vector<8x15xf32>
    %le3A = arith.cmpf ole, %broadcast_in_dim3A_93, %convert_element_type3A_91 : vector<8x15xf32>
    %convert_element_type3A_94 = arith.extui %le3A : vector<8x15xi1> to vector<8x15xi32>
    %convert_element_type3A_95 = arith.sitofp %convert_element_type3A_94 : vector<8x15xi32> to vector<8x15xf32>
    %reduce_sum3A_96 = arith.constant dense<0.000000e+00> : vector<15xf32>
    %reduce_sum3A_97 = vector.multi_reduction <add>, %convert_element_type3A_95, %reduce_sum3A_96 [0] : vector<8x15xf32> to vector<15xf32>
    %min3A = arith.constant 7.000000e+00 : f32
    %min3A_98 = vector.broadcast %min3A : f32 to vector<15xf32>
    %min3A_99 = arith.minimumf %reduce_sum3A_97, %min3A_98 : vector<15xf32>
    %reshape3A_100 = vector.shape_cast %min3A_99 : vector<15xf32> to vector<1x15xf32>
    %convert_element_type3A_101 = arith.fptosi %reshape3A_100 : vector<1x15xf32> to vector<1x15xi32>
    %swap3A_102 = arith.constant 0 : index
    %swap3A_103 = arith.constant 0 : index
    %swap3A_104 = vector.load %arg2[%swap3A_102, %swap3A_103] : memref<1x15xi32, #tpu.memory_space<vmem>>, vector<1x15xi32>
    tpu.vector_store %arg2[%swap3A_102, %swap3A_103], %convert_element_type3A_101 {strides = array<i32>} : memref<1x15xi32, #tpu.memory_space<vmem>>, vector<1x15xi32>,
    %slice3A_105 = vector.extract_strided_slice %add3A_86 {offsets = [7, 0], sizes = [1, 1], strides = [1, 1]} : vector<8x1xf32> to vector<1x1xf32>
    %mul3A_106 = arith.constant 1.562500e-03 : f32
    %mul3A_107 = vector.broadcast %mul3A_106 : f32 to vector<1x1xf32>
    %mul3A_108 = arith.mulf %slice3A_105, %mul3A_107 : vector<1x1xf32>
    %convert_element_type3A_109 = arith.fptosi %mul3A_108 : vector<1x1xf32> to vector<1x1xi32>
    %swap3A_110 = arith.constant 0 : index
    %swap3A_111 = arith.constant 0 : index
    %swap3A_112 = vector.load %arg3[%swap3A_110, %swap3A_111] : memref<1x1xi32, #tpu.memory_space<vmem>>, vector<1x1xi32>
    tpu.vector_store %arg3[%swap3A_110, %swap3A_111], %convert_element_type3A_109 {strides = array<i32>} : memref<1x1xi32, #tpu.memory_space<vmem>>, vector<1x1xi32>,
    return
  }
}

</mosaic_0001>

<sc_bundles>
// kernel: kernel.6.cloned.1.call-start
scs
__scs_entry_jumppad:
0x0: {  	(pc) =	sbr.rel $0x88, $3  }
0x1: {  	(tag) =	ssettag $0x0;
	lr =	simm.s32 $0x1  }
0x2: {  	[smem:$0x3F9C] =	sst lr;
	_ =	strace $0xD0000000  }
0x3: {  	_ = 	snop  }
0x4: {  	_ = 	snop  }
0x5: {  	_ = 	snop  }
0x6: {  	_ = 	snop  }
0x7: {  	_ = 	snop  }
__scs_overlays_trampoline_lowered:
0x8: {  	[smem:$0x3FAB] =	sst s0  }
0x9: {  	[smem:$0x3FAC] =	sst s1  }
0xa: {  	[smem:$0x3FAD] =	sst s2  }
0xb: {  	[smem:$0x3FAE] =	sst s3  }
0xc: {  	[smem:$0x3FAF] =	sst s4  }
0xd: {  	[smem:$0x3FB0] =	sst s5  }
0xe: {  	[smem:$0x3FB1] =	sst s6  }
0xf: {  	[smem:$0x3FB2] =	sst s7  }
0x10: {  	[smem:$0x3FB3] =	sst s8  }
0x11: {  	[smem:$0x3FB4] =	sst s9;
	s0 =	simm.s32 @!p0 $0x0  }
0x12: {  	s1 =	sld [smem:$0x3F9A];
	s0 =	simm.s32 @p0 $0x1  }
0x13: {  	[smem:$0x3FB5] =	sst s0;
	s0 =	simm.s32 @!p1 $0x0  }
0x14: {  	s2 =	sld [smem:$0x3F99];
	s0 =	simm.s32 @p1 $0x1  }
0x15: {  	[smem:$0x3FB6] =	sst s0;
	s0 =	simm.s32 @!p2 $0x0  }
0x16: {  	s3 =	sld [smem:$0x3FDB];
	s0 =	simm.s32 @p2 $0x1  }
0x17: {  	s4 =	simm.s32 $0x1BF5;
	[smem:$0x3FB8] =	sst s0  }
0x18: {  	s0 =	sld [smem:$0x3F9B];
	_ =	swait.ge [sflag:s4], $0x0  }
0x19: {  	s7 =	sld [smem:$0x3F9C]  }
0x1a: {  	s8 =	sadd.s32 $0xFFFFE003, lr  }
0x1b: {  	s9 =	sadd.s32 $0xFFFFFEF7, lr;
	s5 =	simm.s32 $0xFFFFFFFF;
	p2 =	slt.u32 s8, $0xFFFFF086  }
0x1c: {  	p1 =	slt.u32 s9, $0xF7A;
	s5 =	simm.s32 @!p2 $0x0  }
0x1d: {  	s5 =	simm.s32 @p1 $0x1;
	p0 =	seq.s32 s7, s2  }
0x1e: {  	s7 =	smul.u32 @!p0 $0xF7A, s2;
	p2 =	seq.s32 @!p0 s5, $0x0  }
0x1f: {  	s9 =	smul.u32 $0xF7A, s1;
	s8 =	simm.s32 @!p0 $0x1BF5;
	p2 =	por !p2, p0  }
0x20: {  	[sflag:s8] =	ssyncset.s32 @!p0 $0xFFFFF086;
	s6 =	sadd.s32 @!p0 s3, s7;
	s7 =	simm.s32 @!p0 $0x108  }
0x21: {  	s3 =	sadd.s32 s3, s9;
	s6 =	sadd.s32 @!p0 $0x88, s6;
	s7 =	simm.s32 @p2 $0x1082  }
0x22: {  	[simem:s7], [sflag:s8] =	dma.local @!p0 [hbm:s6], $0xF7A  }
0x23: {  	s9 =	sor.u32 $0xD0000000, s2;
	s6 =	simm.s32 $0x108;
	_ =	swait.ge @!p0 [sflag:s8], $0x0  }
0x24: {  	s3 =	sadd.s32 $0x88, s3;
	s6 =	simm.s32 @!p1 $0x1082;
	[sflag:s4] =	ssyncset.s32 $0xFFFFF086  }
0x25: {  	[simem:s6], [sflag:s4] =	dma.local [hbm:s3], $0xF7A  }
0x26: {  	[smem:$0x3F9C] =	sst s1;
	(tag) =	ssettag s2;
	_ =	strace s9  }
0x27: {  	s1 =	sld [smem:$0x3FAC]  }
0x28: {  	s2 =	sld [smem:$0x3FAD]  }
0x29: {  	s4 =	sld [smem:$0x3FAF]  }
0x2a: {  	p0 =	seq.s32 s5, $0x0;
	s5 =	sld [smem:$0x3FB0]  }
0x2b: {  	s6 =	sld [smem:$0x3FB1]  }
0x2c: {  	s7 =	sld [smem:$0x3FB2]  }
0x2d: {  	s3 =	simm.s32 $0x108;
	s8 =	sld [smem:$0x3FB3]  }
0x2e: {  	s3 =	simm.s32 @!p0 $0x1082;
	s9 =	sld [smem:$0x3FB4]  }
0x2f: {  	lr =	sadd.s32 s0, s3;
	s0 =	sld [smem:$0x3FAB]  }
0x30: {  	s3 =	sld [smem:$0x3FAE]  }
0x31: {  	[smem:$0x3FB7] =	sst s10  }
0x32: {  	s10 =	sld [smem:$0x3FB5];
	_ =	sdelay $0x3  }
0x33: {  	p0 =	seq.s32 s10, $0x1;
	s10 =	sld [smem:$0x3FB7];
	_ =	sdelay $0x3  }
0x34: {  	[smem:$0x3FB7] =	sst s10  }
0x35: {  	s10 =	sld [smem:$0x3FB6];
	_ =	sdelay $0x3  }
0x36: {  	p1 =	seq.s32 s10, $0x1;
	s10 =	sld [smem:$0x3FB7];
	_ =	sdelay $0x3  }
0x37: {  	[smem:$0x3FB7] =	sst s10  }
0x38: {  	s10 =	sld [smem:$0x3FB8]  }
0x39: {  	_ = 	snop;
	(pc) =	sbr.ind lr, $3  }
0x3a: {  	_ = 	snop  }
0x3b: {  	_ = 	snop  }
0x3c: {  	p2 =	seq.s32 s10, $0x1;
	s10 =	sld [smem:$0x3FB7]  }
0x3d: {  	_ =	shalt  }
0x3e: {  	_ =	shalt  }
0x3f: {  	_ =	shalt  }
0x40: {  	_ =	shalt  }
0x41: {  	_ =	shalt  }
0x42: {  	_ =	shalt  }
0x43: {  	_ =	shalt  }
0x44: {  	_ =	shalt  }
0x45: {  	_ =	shalt  }
0x46: {  	_ =	shalt  }
0x47: {  	_ =	shalt  }
0x48: {  	_ =	shalt  }
0x49: {  	_ =	shalt  }
0x4a: {  	_ =	shalt  }
0x4b: {  	_ =	shalt  }
0x4c: {  	_ =	shalt  }
0x4d: {  	_ =	shalt  }
0x4e: {  	_ =	shalt  }
0x4f: {  	_ =	shalt  }
0x50: {  	_ =	shalt  }
0x51: {  	_ =	shalt  }
0x52: {  	_ =	shalt  }
0x53: {  	_ =	shalt  }
0x54: {  	_ =	shalt  }
0x55: {  	_ =	shalt  }
0x56: {  	_ =	shalt  }
0x57: {  	_ =	shalt  }
0x58: {  	_ =	shalt  }
0x59: {  	_ =	shalt  }
0x5a: {  	_ =	shalt  }
0x5b: {  	_ =	shalt  }
0x5c: {  	_ =	shalt  }
0x5d: {  	_ =	shalt  }
0x5e: {  	_ =	shalt  }
0x5f: {  	_ =	shalt  }
0x60: {  	_ =	shalt  }
0x61: {  	_ =	shalt  }
0x62: {  	_ =	shalt  }
0x63: {  	_ =	shalt  }
0x64: {  	_ =	shalt  }
0x65: {  	_ =	shalt  }
0x66: {  	_ =	shalt  }
0x67: {  	_ =	shalt  }
0x68: {  	_ =	shalt  }
0x69: {  	_ =	shalt  }
0x6a: {  	_ =	shalt  }
0x6b: {  	_ =	shalt  }
0x6c: {  	_ =	shalt  }
0x6d: {  	_ =	shalt  }
0x6e: {  	_ =	shalt  }
0x6f: {  	_ =	shalt  }
0x70: {  	_ =	shalt  }
0x71: {  	_ =	shalt  }
0x72: {  	_ =	shalt  }
0x73: {  	_ =	shalt  }
0x74: {  	_ =	shalt  }
0x75: {  	_ =	shalt  }
0x76: {  	_ =	shalt  }
0x77: {  	_ =	shalt  }
0x78: {  	_ =	shalt  }
0x79: {  	_ =	shalt  }
0x7a: {  	_ =	shalt  }
0x7b: {  	_ =	shalt  }
0x7c: {  	_ =	shalt  }
0x7d: {  	_ =	shalt  }
0x7e: {  	_ =	shalt  }
0x7f: {  	_ =	shalt  }
0x80: {  	_ =	shalt  }
0x81: {  	_ =	shalt  }
0x82: {  	_ =	shalt  }
0x83: {  	_ =	shalt  }
0x84: {  	_ =	shalt  }
0x85: {  	_ =	shalt  }
0x86: {  	_ =	shalt  }
0x87: {  	_ =	shalt  }
.Lfunc_end0:
.L_simem_size_0:
called_computation_lowered:
.L_overlay_start_0:
0x88: {  	s2 =	sld [smem:$0x3FD9]  }
0x89: {  	s3 =	sld [smem:$0x3FFE];
	_ =	sdelay $0x1  }
0x8a: {  	s1 =	srdreg.scid  }
0x8b: {  	s0 =	sand.u32 $0x1, s1  }
0x8c: {  	s17 =	sshll.u32 s0, $0xA;
	s2 =	sadd.s32 s3, s2  }
0x8d: {  	s2 =	sadd.s32 s2, s17  }
0x8e: {  	[smem:$0x3FC3] =	sst s2  }
0x8f: {  	_ = 	snop  }
0x90: {  	s2 =	sld [smem:$0x3FC9];
	(tm) =	ssettm $0x1  }
0x91: {  	s18 =	sld [smem:$0x3FFB];
	_ =	sdelay $0x3  }
0x92: {  	_ =	strace s18  }
0x93: {  	s3 =	sld [smem:$0x3FFC];
	_ =	sdelay $0x3  }
0x94: {  	_ =	strace s3  }
0x95: {  	s3 =	sld [smem:$0x3FFD];
	_ =	sdelay $0x3  }
0x96: {  	_ =	strace s3  }
0x97: {  	_ =	strace $0x8FFFFFFF  }
0x98: {  	s19 =	sld [smem:$0x3FDB];
	_ =	sdelay $0x1  }
0x99: {  	s4 =	simm.s32 $_scs_section_size  }
0x9a: {  	s5 =	simm.s32 $_size__tile_overlayer_lowered;
	s6 =	simm.s32 $_tile_overlayer_lowered  }
0x9b: {  	s22 =	simm.s32 $0x1BFF;
	s21 =	sshll.u32 s6, $0x1;
	s3 =	sadd.s32 s4, s19  }
0x9c: {  	s7 =	simm.s32 $0x0;
	s20 =	sshll.u32 s5, $0x1;
	s5 =	sadd.s32 s21, s3  }
0x9d: {  	[timem:s7], [sflag:s22] =	dma.local [hbm:s5], s20  }
0x9e: {  	_ =	swait.ge [sflag:s22], s20  }
0x9f: {  	s4 =	ssub.s32 $0x0, s20;
	[sflag:s22] =	ssyncset.done $0x0  }
0xa0: {  	[sflag:s22] =	ssyncadd.s32 s4;
	_ =	sdelay $0x1  }
0xa1: {  	s23 =	simm.s32 $0x1B8B  }
0xa2: {  	_ =	swait.ge [sflag:s23], $0x1  }
0xa3: {  	[sflag:s23] =	ssyncset.done $0x0  }
0xa4: {  	s25 =	simm.s32 $0x1B8E;
	s24 =	sld [smem:$0x3FFE];
	[sflag:s23] =	ssyncadd.s32 $0xFFFFFFFF  }
0xa5: {  	s26 =	simm.s32 $execute0_lowered;
	[smem:$0x3FD2] =	sst s25  }
0xa6: {  	s5 =	sshll.u32 s26, $0x1;
	_ =	strace $0x80000046;
	[dreg:$0x1] =	wrdreg $0xFFFFFFFF  }
0xa7: {  	s28 =	simm.s32 $_size_execute0_lowered;
	s3 =	sadd.s32 s3, s5;
	[dreg:$0x0] =	wrdreg $0x0  }
0xa8: {  	s5 =	sshll.u32 s28, $0x1;
	[dreg:$0x2] =	wrdreg s3  }
0xa9: {  	[dreg:$0x3] =	wrdreg s5  }
0xaa: {  	[dreg:$0x4] =	wrdreg $0xC0  }
0xab: {  	_ =	task [dreg:s7], $0x5FFFF  }
0xac: {  	[dreg:$0x1] =	wrdreg $0xFFFFFFFF  }
0xad: {  	[dreg:$0x0] =	wrdreg $0x60  }
0xae: {  	[dreg:$0x2] =	wrdreg s2  }
0xaf: {  	[dreg:$0x3] =	wrdreg s24  }
0xb0: {  	[dreg:$0x4] =	wrdreg $0x9  }
0xb1: {  	_ =	task.clear_ibuf [dreg:s7], $0x5FFFF;
	_ =	strace $0x90000046  }
0xb2: {  	s29 =	simm.s32 $0x9;
	_ =	strace $0x80000048  }
0xb3: {  	_ =	swait.ge [sflag:s29], $0x1  }
0xb4: {  	[sflag:s29] =	ssyncadd.s32 $0xFFFFFFFF  }
0xb5: {  	_ =	strace $0x90000048  }
0xb6: {  	_ =	sfence  }
0xb7: {  	s30 =	sld [smem:$0x0];
	_ =	sdelay $0x2  }
0xb8: {  	s31 =	sshll.u32 s1, $0xD;
	s1 =	sshrl.u32 s1, $0x2  }
0xb9: {  	s3 =	sand.u32 $0x4000, s31;
	s1 =	sadd.s32 s1, s30  }
0xba: {  	s0 =	sor.u32 s3, s0;
	s1 =	sshll.u32 s1, $0x11  }
0xbb: {  	s0 =	sor.u32 s1, s0  }
0xbc: {  	s0 =	sadd.s32 $0x8F2B, s0  }
0xbd: {  	[sflag:s0] =	ssyncadd.remote.s32 $0x1  }
0xbe: {  	_ =	sfence.sel $0xFFFF  }
0xbf: {  	[dreg:$0x0] =	wrdreg $0xFFFFFFFF;
	(pc) =	sbr.abs _section_cstart, $3  }
0xc0: {  	[dreg:$0x1] =	wrdreg $0xFFFFFFFF  }
0xc1: {  	_ =	task.clear_ibuf [dreg:s7], $0x2FFFF;
	_ =	strace $0x9FFFFFFF  }
0xc2: {  	(tm) =	ssettm $0x7FFFFFFF  }
0xc3: {  	_ =	shalt  }
tec
execute0_lowered:
.L_overlay_start_1:
0x0: {  	(tag) =	ssettag $0x1  }
0x1: {  	s0 =	rddreg [dreg:$0x0]  }
0x2: {  	s1 =	rddreg [dreg:$0x1]  }
0x3: {  	s2 =	simm.s32 $0x0;
	s3 =	srdreg.scid;
	s4 =	stileid.u32  }
0x4: {  	s23 =	simm.s32 $0x10000;
	s24 =	simm.s32 $0x10080;
	s25 =	simm.s32 $0x10100  }
0x5: {  	s26 =	simm.s32 $0x10180;
	s28 =	simm.s32 $0x3000;
	s29 =	simm.s32 $0x3800  }
0x6: {  	s30 =	simm.s32 $0x4000;
	s31 =	simm.s32 $0x4800;
	[smem:$0x7FF] =	sst s2  }
0x7: {  	s3 =	sand.u32 $0x1, s3;
	_ =	strace $0x80000047;
	[dreg:$0x9] =	wrdreg s23  }
0x8: {  	s4 =	sshll.u32 s4, $0x7;
	s7 =	sadd.s32 $0x1200, s1;
	[dreg:$0xa] =	wrdreg s24  }
0x9: {  	s5 =	sshll.u32 s3, $0x6;
	s6 =	ssub.s32 $0x2, s3;
	[dreg:$0xb] =	wrdreg s25  }
0xa: {  	s3 =	sadd.s32 $0x1400, s1;
	[dreg:$0xc] =	wrdreg s26;
	s26 =	simm.s32 $0x2  }
0xb: {  	s25 =	simm.s32 $0x2800;
	s4 =	sor.u32 s5, s4;
	s8 =	sshrl.u32 s6, $0x1  }
0xc: {  	s9 =	sshll.u32 s4, $0x7;
	s8 =	ssub.s32 s6, s8;
	s13 =	sshll.u32 s4, $0x1  }
0xd: {  	s4 =	sor.u32 $0x20, s4;
	s6 =	sadd.s32 $0x1700, s1;
	s12 =	sadd.s32 s0, s9  }
0xe: {  	s14 =	sand.u32 $0xF00, s13;
	s10 =	sshll.u32 s4, $0x7;
	s4 =	sand.u32 $0x60, s4  }
0xf: {  	s9 =	simm.s32 $0x4;
	[dreg:$0x3] =	wrdreg s12;
	s11 =	sor.u32 s5, s14  }
0x10: {  	s5 =	sor.u32 s5, s13;
	s0 =	sadd.s32 s0, s10;
	s18 =	sor.u32 s4, s14  }
0x11: {  	s19 =	sor.u32 s13, s4;
	s4 =	sadd.s32 $0x1500, s1;
	s10 =	simm.s32 $0x1  }
0x12: {  	s15 =	sshrl.u32 s11, $0x3;
	s5 =	sshrl.u32 s5, $0x3;
	[dreg:$0x4] =	wrdreg s0  }
0x13: {  	s0 =	sshrl.u32 s18, $0x3;
	s20 =	sshrl.u32 s19, $0x3;
	s18 =	simm.s32 $0xF000  }
0x14: {  	s19 =	simm.s32 $0xF800;
	s16 =	sadd.s32 s7, s15;
	s5 =	sor.u32 $0x10, s5  }
0x15: {  	s0 =	sadd.s32 s7, s0;
	s21 =	sor.u32 $0x10, s20;
	s15 =	simm.s32 $0xD800  }
0x16: {  	s20 =	simm.s32 $0x3;
	[dreg:$0x5] =	wrdreg s16;
	s17 =	sadd.s32 s7, s5  }
0x17: {  	v2 =	vlaneseq.u32;
	s5 =	sadd.s32 $0x1600, s1;
	[dreg:$0x7] =	wrdreg s0;
	s22 =	sadd.s32 s7, s21  }
0x18: {  	vm0 =	vmmov $0xffff;
	v1 =	vshrl.u32 v2, $0x3;
	s7 =	smax.u32 s8, $0x1;
	s8 =	simm.s32 $0x8000;
	[dreg:$0x6] =	wrdreg s17  }
0x19: {  	v0 =	vand.u32 $0x7, v2;
	v2 =	vor.u32 $0x8, v2;
	v1 =	vmul.u32 $0x8, v1;
	s16 =	simm.s32 $0xE000;
	[dreg:$0x8] =	wrdreg s22;
	s17 =	simm.s32 $0xE800  }
.LBB2_1:
0x1a: {  	s21 =	rddreg [dreg:$0x3]  }
0x1b: {  	s0 =	rddreg [dreg:$0x4]  }
0x1c: {  	[tilespmem:s2], [sflag:$0x1] =	stream.linear.gather [hbm4b:s21+s2], $0x8000, $0x38;
	[tilespmem:$0x10200] =	vst v63  }
0x1d: {  	s22 =	rddreg [dreg:$0x5]  }
0x1e: {  	[tilespmem:s8], [sflag:$0x2] =	stream.linear.gather [hbm4b:s0+s2], $0x8000, $0x38;
	[tilespmem:$0x10200] =	vst v63  }
0x1f: {  	s23 =	rddreg [dreg:$0x9]  }
0x20: {  	[tilespmem:s23], [sflag:$0x4] =	stream.linear.gather [hbm4b:s22+s2], $0x20, $0x38;
	[tilespmem:$0x10200] =	vst v63  }
0x21: {  	_ =	swait.ge [sflag:s9], $0x20  }
0x22: {  	s1 =	rddreg [dreg:$0x6];
	[sflag:s9] =	ssyncset.done $0x0  }
0x23: {  	s11 =	rddreg [dreg:$0xa];
	[sflag:s9] =	ssyncadd.s32 $0xFFFFFFE0  }
0x24: {  	[tilespmem:s11], [sflag:$0x4] =	stream.linear.gather [hbm4b:s1+s2], $0x20, $0x38;
	[tilespmem:$0x10200] =	vst v63  }
0x25: {  	_ =	swait.ge [sflag:s9], $0x20  }
0x26: {  	[sflag:s9] =	ssyncset.done $0x0  }
0x27: {  	[sflag:s9] =	ssyncadd.s32 $0xFFFFFFE0  }
0x28: {  	_ =	swait.ge [sflag:s10], $0x8000  }
0x29: {  	[sflag:s10] =	ssyncset.done $0x0  }
0x2a: {  	[sflag:s10] =	ssyncadd.s32 $0xFFFF8000  }
0x2b: {  	v3 =	vld [tilespmem:$0x10000];
	_ =	sdelay $0x4  }
0x2c: {  	v4 =	vshll.u32 v3, $0x3  }
0x2d: {  	v3 =	vand.u32 $0x7, v3;
	v4 =	vand.u32 $0xFFFFFFC0, v4  }
0x2e: {  	v3 =	vor.u32 v3, v4  }
0x2f: {  	v4 =	vperm.xlane v3, v0;
	_ =	sdelay $0x1  }
0x30: {  	v4 =	vadd.s32 v1, v4;
	_ =	sdelay $0x4  }
0x31: {  	[hbm4b:s3+s2] =	stream.indirect_vreg.scatter [tilespmem:s2], [sflag:$0x3], $0x80, v4, vm0, $0xb8;
	[tilespmem:$0x10200] =	vst v63  }
0x32: {  	s21 =	simm.s32 $0x800;
	v3 =	vperm.xlane v3, v2  }
0x33: {  	[hbm4b:s4+s2] =	stream.indirect_vreg.scatter [tilespmem:s21], [sflag:$0x3], $0x80, v4, vm0, $0xb8;
	[tilespmem:$0x10200] =	vst v63  }
0x34: {  	s22 =	simm.s32 $0x1000;
	v3 =	vadd.s32 v1, v3  }
0x35: {  	[hbm4b:s5+s2] =	stream.indirect_vreg.scatter [tilespmem:s22], [sflag:$0x3], $0x80, v4, vm0, $0xb8;
	[tilespmem:$0x10200] =	vst v63  }
0x36: {  	s23 =	simm.s32 $0x1800  }
0x37: {  	[hbm4b:s6+s2] =	stream.indirect_vreg.scatter [tilespmem:s23], [sflag:$0x3], $0x80, v4, vm0, $0xb8;
	[tilespmem:$0x10200] =	vst v63  }
0x38: {  	s24 =	simm.s32 $0x2000  }
0x39: {  	[hbm4b:s3+s2] =	stream.indirect_vreg.scatter [tilespmem:s24], [sflag:$0x3], $0x80, v3, vm0, $0xb8;
	[tilespmem:$0x10200] =	vst v63  }
0x3a: {  	_ = 	snop  }
0x3b: {  	[hbm4b:s4+s2] =	stream.indirect_vreg.scatter [tilespmem:s25], [sflag:$0x3], $0x80, v3, vm0, $0xb8;
	[tilespmem:$0x10200] =	vst v63  }
0x3c: {  	_ = 	snop  }
0x3d: {  	[hbm4b:s5+s2] =	stream.indirect_vreg.scatter [tilespmem:s28], [sflag:$0x3], $0x80, v3, vm0, $0xb8;
	[tilespmem:$0x10200] =	vst v63  }
0x3e: {  	_ = 	snop  }
0x3f: {  	[hbm4b:s6+s2] =	stream.indirect_vreg.scatter [tilespmem:s29], [sflag:$0x3], $0x80, v3, vm0, $0xb8;
	[tilespmem:$0x10200] =	vst v63  }
0x40: {  	v3 =	vld [tilespmem:$0x10010];
	_ =	sdelay $0x4  }
0x41: {  	v57 =	vshll.u32 v3, $0x3  }
0x42: {  	v3 =	vand.u32 $0x7, v3;
	v4 =	vand.u32 $0xFFFFFFC0, v57  }
0x43: {  	v3 =	vor.u32 v3, v4  }
0x44: {  	v4 =	vperm.xlane v3, v0;
	_ =	sdelay $0x1  }
0x45: {  	v4 =	vadd.s32 v1, v4;
	_ =	sdelay $0x4  }
0x46: {  	[hbm4b:s3+s2] =	stream.indirect_vreg.scatter [tilespmem:s30], [sflag:$0x3], $0x80, v4, vm0, $0xb8;
	[tilespmem:$0x10200] =	vst v63  }
0x47: {  	v3 =	vperm.xlane v3, v2  }
0x48: {  	[hbm4b:s4+s2] =	stream.indirect_vreg.scatter [tilespmem:s31], [sflag:$0x3], $0x80, v4, vm0, $0xb8;
	[tilespmem:$0x10200] =	vst v63  }
0x49: {  	s0 =	simm.s32 $0x5000;
	v3 =	vadd.s32 v1, v3  }
0x4a: {  	[hbm4b:s5+s2] =	stream.indirect_vreg.scatter [tilespmem:s0], [sflag:$0x3], $0x80, v4, vm0, $0xb8;
	[tilespmem:$0x10200] =	vst v63  }
0x4b: {  	s1 =	simm.s32 $0x5800  }
0x4c: {  	[hbm4b:s6+s2] =	stream.indirect_vreg.scatter [tilespmem:s1], [sflag:$0x3], $0x80, v4, vm0, $0xb8;
	[tilespmem:$0x10200] =	vst v63  }
0x4d: {  	s11 =	simm.s32 $0x6000  }
0x4e: {  	[hbm4b:s3+s2] =	stream.indirect_vreg.scatter [tilespmem:s11], [sflag:$0x3], $0x80, v3, vm0, $0xb8;
	[tilespmem:$0x10200] =	vst v63  }
0x4f: {  	s12 =	simm.s32 $0x6800  }
0x50: {  	[hbm4b:s4+s2] =	stream.indirect_vreg.scatter [tilespmem:s12], [sflag:$0x3], $0x80, v3, vm0, $0xb8;
	[tilespmem:$0x10200] =	vst v63  }
0x51: {  	s13 =	simm.s32 $0x7000  }
0x52: {  	[hbm4b:s5+s2] =	stream.indirect_vreg.scatter [tilespmem:s13], [sflag:$0x3], $0x80, v3, vm0, $0xb8;
	[tilespmem:$0x10200] =	vst v63  }
0x53: {  	s14 =	simm.s32 $0x7800  }
0x54: {  	[hbm4b:s6+s2] =	stream.indirect_vreg.scatter [tilespmem:s14], [sflag:$0x3], $0x80, v3, vm0, $0xb8;
	[tilespmem:$0x10200] =	vst v63  }
0x55: {  	v3 =	vld [tilespmem:$0x10080];
	_ =	sdelay $0x4  }
0x56: {  	v58 =	vshll.u32 v3, $0x3  }
0x57: {  	v3 =	vand.u32 $0x7, v3;
	v4 =	vand.u32 $0xFFFFFFC0, v58  }
0x58: {  	v3 =	vor.u32 v3, v4  }
0x59: {  	v4 =	vperm.xlane v3, v0;
	_ =	sdelay $0x1  }
0x5a: {  	v4 =	vadd.s32 v1, v4;
	_ =	sdelay $0x4  }
0x5b: {  	[hbm4b:s3+s2] =	stream.indirect_vreg.scatter [tilespmem:s2], [sflag:$0x3], $0x80, v4, vm0, $0xb8;
	[tilespmem:$0x10200] =	vst v63  }
0x5c: {  	v3 =	vperm.xlane v3, v2  }
0x5d: {  	[hbm4b:s4+s2] =	stream.indirect_vreg.scatter [tilespmem:s21], [sflag:$0x3], $0x80, v4, vm0, $0xb8;
	[tilespmem:$0x10200] =	vst v63  }
0x5e: {  	v3 =	vadd.s32 v1, v3  }
0x5f: {  	[hbm4b:s5+s2] =	stream.indirect_vreg.scatter [tilespmem:s22], [sflag:$0x3], $0x80, v4, vm0, $0xb8;
	[tilespmem:$0x10200] =	vst v63  }
0x60: {  	_ = 	snop  }
0x61: {  	[hbm4b:s6+s2] =	stream.indirect_vreg.scatter [tilespmem:s23], [sflag:$0x3], $0x80, v4, vm0, $0xb8;
	[tilespmem:$0x10200] =	vst v63  }
0x62: {  	_ = 	snop  }
0x63: {  	[hbm4b:s3+s2] =	stream.indirect_vreg.scatter [tilespmem:s24], [sflag:$0x3], $0x80, v3, vm0, $0xb8;
	[tilespmem:$0x10200] =	vst v63  }
0x64: {  	_ = 	snop  }
0x65: {  	[hbm4b:s4+s2] =	stream.indirect_vreg.scatter [tilespmem:s25], [sflag:$0x3], $0x80, v3, vm0, $0xb8;
	[tilespmem:$0x10200] =	vst v63  }
0x66: {  	_ = 	snop  }
0x67: {  	[hbm4b:s5+s2] =	stream.indirect_vreg.scatter [tilespmem:s28], [sflag:$0x3], $0x80, v3, vm0, $0xb8;
	[tilespmem:$0x10200] =	vst v63  }
0x68: {  	_ = 	snop  }
0x69: {  	[hbm4b:s6+s2] =	stream.indirect_vreg.scatter [tilespmem:s29], [sflag:$0x3], $0x80, v3, vm0, $0xb8;
	[tilespmem:$0x10200] =	vst v63  }
0x6a: {  	v3 =	vld [tilespmem:$0x10090];
	_ =	sdelay $0x4  }
0x6b: {  	v59 =	vshll.u32 v3, $0x3  }
0x6c: {  	v3 =	vand.u32 $0x7, v3;
	v4 =	vand.u32 $0xFFFFFFC0, v59  }
0x6d: {  	v3 =	vor.u32 v3, v4  }
0x6e: {  	v4 =	vperm.xlane v3, v0;
	_ =	sdelay $0x1  }
0x6f: {  	v4 =	vadd.s32 v1, v4;
	_ =	sdelay $0x4  }
0x70: {  	[hbm4b:s3+s2] =	stream.indirect_vreg.scatter [tilespmem:s30], [sflag:$0x3], $0x80, v4, vm0, $0xb8;
	[tilespmem:$0x10200] =	vst v63  }
0x71: {  	v3 =	vperm.xlane v3, v2  }
0x72: {  	[hbm4b:s4+s2] =	stream.indirect_vreg.scatter [tilespmem:s31], [sflag:$0x3], $0x80, v4, vm0, $0xb8;
	[tilespmem:$0x10200] =	vst v63  }
0x73: {  	v3 =	vadd.s32 v1, v3  }
0x74: {  	[hbm4b:s5+s2] =	stream.indirect_vreg.scatter [tilespmem:s0], [sflag:$0x3], $0x80, v4, vm0, $0xb8;
	[tilespmem:$0x10200] =	vst v63  }
0x75: {  	_ = 	snop  }
0x76: {  	[hbm4b:s6+s2] =	stream.indirect_vreg.scatter [tilespmem:s1], [sflag:$0x3], $0x80, v4, vm0, $0xb8;
	[tilespmem:$0x10200] =	vst v63  }
0x77: {  	_ = 	snop  }
0x78: {  	[hbm4b:s3+s2] =	stream.indirect_vreg.scatter [tilespmem:s11], [sflag:$0x3], $0x80, v3, vm0, $0xb8;
	[tilespmem:$0x10200] =	vst v63  }
0x79: {  	_ = 	snop  }
0x7a: {  	[hbm4b:s4+s2] =	stream.indirect_vreg.scatter [tilespmem:s12], [sflag:$0x3], $0x80, v3, vm0, $0xb8;
	[tilespmem:$0x10200] =	vst v63  }
0x7b: {  	_ = 	snop  }
0x7c: {  	[hbm4b:s5+s2] =	stream.indirect_vreg.scatter [tilespmem:s13], [sflag:$0x3], $0x80, v3, vm0, $0xb8;
	[tilespmem:$0x10200] =	vst v63  }
0x7d: {  	s12 =	rddreg [dreg:$0x7]  }
0x7e: {  	[hbm4b:s6+s2] =	stream.indirect_vreg.scatter [tilespmem:s14], [sflag:$0x3], $0x80, v3, vm0, $0xb8;
	[tilespmem:$0x10200] =	vst v63  }
0x7f: {  	s13 =	rddreg [dreg:$0xb]  }
0x80: {  	[tilespmem:s13], [sflag:$0x4] =	stream.linear.gather [hbm4b:s12+s2], $0x20, $0x38;
	[tilespmem:$0x10200] =	vst v63  }
0x81: {  	_ =	swait.ge [sflag:s9], $0x20  }
0x82: {  	s23 =	rddreg [dreg:$0x8];
	[sflag:s9] =	ssyncset.done $0x0  }
0x83: {  	s24 =	rddreg [dreg:$0xc];
	[sflag:s9] =	ssyncadd.s32 $0xFFFFFFE0  }
0x84: {  	[tilespmem:s24], [sflag:$0x4] =	stream.linear.gather [hbm4b:s23+s2], $0x20, $0x38;
	[tilespmem:$0x10200] =	vst v63  }
0x85: {  	_ =	swait.ge [sflag:s9], $0x20  }
0x86: {  	[sflag:s9] =	ssyncset.done $0x0  }
0x87: {  	[sflag:s9] =	ssyncadd.s32 $0xFFFFFFE0  }
0x88: {  	_ =	swait.ge [sflag:s26], $0x8000  }
0x89: {  	[sflag:s26] =	ssyncset.done $0x0  }
0x8a: {  	[sflag:s26] =	ssyncadd.s32 $0xFFFF8000  }
0x8b: {  	v3 =	vld [tilespmem:$0x10100];
	_ =	sdelay $0x4  }
0x8c: {  	v60 =	vshll.u32 v3, $0x3  }
0x8d: {  	v3 =	vand.u32 $0x7, v3;
	v4 =	vand.u32 $0xFFFFFFC0, v60  }
0x8e: {  	v3 =	vor.u32 v3, v4  }
0x8f: {  	v4 =	vperm.xlane v3, v0;
	_ =	sdelay $0x1  }
0x90: {  	v4 =	vadd.s32 v1, v4;
	_ =	sdelay $0x4  }
0x91: {  	[hbm4b:s3+s2] =	stream.indirect_vreg.scatter [tilespmem:s8], [sflag:$0x3], $0x80, v4, vm0, $0xb8;
	[tilespmem:$0x10200] =	vst v63  }
0x92: {  	s0 =	simm.s32 $0x8800;
	v3 =	vperm.xlane v3, v2  }
0x93: {  	[hbm4b:s4+s2] =	stream.indirect_vreg.scatter [tilespmem:s0], [sflag:$0x3], $0x80, v4, vm0, $0xb8;
	[tilespmem:$0x10200] =	vst v63  }
0x94: {  	s1 =	simm.s32 $0x9000;
	v3 =	vadd.s32 v1, v3  }
0x95: {  	[hbm4b:s5+s2] =	stream.indirect_vreg.scatter [tilespmem:s1], [sflag:$0x3], $0x80, v4, vm0, $0xb8;
	[tilespmem:$0x10200] =	vst v63  }
0x96: {  	s11 =	simm.s32 $0x9800  }
0x97: {  	[hbm4b:s6+s2] =	stream.indirect_vreg.scatter [tilespmem:s11], [sflag:$0x3], $0x80, v4, vm0, $0xb8;
	[tilespmem:$0x10200] =	vst v63  }
0x98: {  	s12 =	simm.s32 $0xA000  }
0x99: {  	[hbm4b:s3+s2] =	stream.indirect_vreg.scatter [tilespmem:s12], [sflag:$0x3], $0x80, v3, vm0, $0xb8;
	[tilespmem:$0x10200] =	vst v63  }
0x9a: {  	s13 =	simm.s32 $0xA800  }
0x9b: {  	[hbm4b:s4+s2] =	stream.indirect_vreg.scatter [tilespmem:s13], [sflag:$0x3], $0x80, v3, vm0, $0xb8;
	[tilespmem:$0x10200] =	vst v63  }
0x9c: {  	s14 =	simm.s32 $0xB000  }
0x9d: {  	[hbm4b:s5+s2] =	stream.indirect_vreg.scatter [tilespmem:s14], [sflag:$0x3], $0x80, v3, vm0, $0xb8;
	[tilespmem:$0x10200] =	vst v63  }
0x9e: {  	s21 =	simm.s32 $0xB800  }
0x9f: {  	[hbm4b:s6+s2] =	stream.indirect_vreg.scatter [tilespmem:s21], [sflag:$0x3], $0x80, v3, vm0, $0xb8;
	[tilespmem:$0x10200] =	vst v63  }
0xa0: {  	v3 =	vld [tilespmem:$0x10110];
	_ =	sdelay $0x4  }
0xa1: {  	v61 =	vshll.u32 v3, $0x3  }
0xa2: {  	v3 =	vand.u32 $0x7, v3;
	v4 =	vand.u32 $0xFFFFFFC0, v61  }
0xa3: {  	v3 =	vor.u32 v3, v4  }
0xa4: {  	v4 =	vperm.xlane v3, v0;
	_ =	sdelay $0x1  }
0xa5: {  	v4 =	vadd.s32 v1, v4;
	_ =	sdelay $0x3  }
0xa6: {  	s22 =	simm.s32 $0xC000  }
0xa7: {  	[hbm4b:s3+s2] =	stream.indirect_vreg.scatter [tilespmem:s22], [sflag:$0x3], $0x80, v4, vm0, $0xb8;
	[tilespmem:$0x10200] =	vst v63  }
0xa8: {  	s23 =	simm.s32 $0xC800;
	v3 =	vperm.xlane v3, v2  }
0xa9: {  	[hbm4b:s4+s2] =	stream.indirect_vreg.scatter [tilespmem:s23], [sflag:$0x3], $0x80, v4, vm0, $0xb8;
	[tilespmem:$0x10200] =	vst v63  }
0xaa: {  	s24 =	simm.s32 $0xD000;
	v3 =	vadd.s32 v1, v3  }
0xab: {  	[hbm4b:s5+s2] =	stream.indirect_vreg.scatter [tilespmem:s24], [sflag:$0x3], $0x80, v4, vm0, $0xb8;
	[tilespmem:$0x10200] =	vst v63  }
0xac: {  	_ = 	snop  }
0xad: {  	[hbm4b:s6+s2] =	stream.indirect_vreg.scatter [tilespmem:s15], [sflag:$0x3], $0x80, v4, vm0, $0xb8;
	[tilespmem:$0x10200] =	vst v63  }
0xae: {  	_ = 	snop  }
0xaf: {  	[hbm4b:s3+s2] =	stream.indirect_vreg.scatter [tilespmem:s16], [sflag:$0x3], $0x80, v3, vm0, $0xb8;
	[tilespmem:$0x10200] =	vst v63  }
0xb0: {  	_ = 	snop  }
0xb1: {  	[hbm4b:s4+s2] =	stream.indirect_vreg.scatter [tilespmem:s17], [sflag:$0x3], $0x80, v3, vm0, $0xb8;
	[tilespmem:$0x10200] =	vst v63  }
0xb2: {  	_ = 	snop  }
0xb3: {  	[hbm4b:s5+s2] =	stream.indirect_vreg.scatter [tilespmem:s18], [sflag:$0x3], $0x80, v3, vm0, $0xb8;
	[tilespmem:$0x10200] =	vst v63  }
0xb4: {  	_ = 	snop  }
0xb5: {  	[hbm4b:s6+s2] =	stream.indirect_vreg.scatter [tilespmem:s19], [sflag:$0x3], $0x80, v3, vm0, $0xb8;
	[tilespmem:$0x10200] =	vst v63  }
0xb6: {  	v3 =	vld [tilespmem:$0x10180];
	_ =	sdelay $0x4  }
0xb7: {  	v62 =	vshll.u32 v3, $0x3  }
0xb8: {  	v3 =	vand.u32 $0x7, v3;
	v4 =	vand.u32 $0xFFFFFFC0, v62  }
0xb9: {  	v3 =	vor.u32 v3, v4  }
0xba: {  	v4 =	vperm.xlane v3, v0;
	_ =	sdelay $0x1  }
0xbb: {  	v4 =	vadd.s32 v1, v4;
	_ =	sdelay $0x4  }
0xbc: {  	[hbm4b:s3+s2] =	stream.indirect_vreg.scatter [tilespmem:s8], [sflag:$0x3], $0x80, v4, vm0, $0xb8;
	[tilespmem:$0x10200] =	vst v63  }
0xbd: {  	v3 =	vperm.xlane v3, v2  }
0xbe: {  	[hbm4b:s4+s2] =	stream.indirect_vreg.scatter [tilespmem:s0], [sflag:$0x3], $0x80, v4, vm0, $0xb8;
	[tilespmem:$0x10200] =	vst v63  }
0xbf: {  	v3 =	vadd.s32 v1, v3  }
0xc0: {  	[hbm4b:s5+s2] =	stream.indirect_vreg.scatter [tilespmem:s1], [sflag:$0x3], $0x80, v4, vm0, $0xb8;
	[tilespmem:$0x10200] =	vst v63  }
0xc1: {  	_ = 	snop  }
0xc2: {  	[hbm4b:s6+s2] =	stream.indirect_vreg.scatter [tilespmem:s11], [sflag:$0x3], $0x80, v4, vm0, $0xb8;
	[tilespmem:$0x10200] =	vst v63  }
0xc3: {  	_ = 	snop  }
0xc4: {  	[hbm4b:s3+s2] =	stream.indirect_vreg.scatter [tilespmem:s12], [sflag:$0x3], $0x80, v3, vm0, $0xb8;
	[tilespmem:$0x10200] =	vst v63  }
0xc5: {  	_ = 	snop  }
0xc6: {  	[hbm4b:s4+s2] =	stream.indirect_vreg.scatter [tilespmem:s13], [sflag:$0x3], $0x80, v3, vm0, $0xb8;
	[tilespmem:$0x10200] =	vst v63  }
0xc7: {  	_ = 	snop  }
0xc8: {  	[hbm4b:s5+s2] =	stream.indirect_vreg.scatter [tilespmem:s14], [sflag:$0x3], $0x80, v3, vm0, $0xb8;
	[tilespmem:$0x10200] =	vst v63  }
0xc9: {  	_ = 	snop  }
0xca: {  	[hbm4b:s6+s2] =	stream.indirect_vreg.scatter [tilespmem:s21], [sflag:$0x3], $0x80, v3, vm0, $0xb8;
	[tilespmem:$0x10200] =	vst v63  }
0xcb: {  	v3 =	vld [tilespmem:$0x10190];
	_ =	sdelay $0x4  }
0xcc: {  	v63 =	vshll.u32 v3, $0x3  }
0xcd: {  	v3 =	vand.u32 $0x7, v3;
	v4 =	vand.u32 $0xFFFFFFC0, v63  }
0xce: {  	v3 =	vor.u32 v3, v4  }
0xcf: {  	v4 =	vperm.xlane v3, v0;
	_ =	sdelay $0x1  }
0xd0: {  	v4 =	vadd.s32 v1, v4;
	_ =	sdelay $0x4  }
0xd1: {  	[hbm4b:s3+s2] =	stream.indirect_vreg.scatter [tilespmem:s22], [sflag:$0x3], $0x80, v4, vm0, $0xb8;
	[tilespmem:$0x10200] =	vst v63  }
0xd2: {  	v3 =	vperm.xlane v3, v2  }
0xd3: {  	[hbm4b:s4+s2] =	stream.indirect_vreg.scatter [tilespmem:s23], [sflag:$0x3], $0x80, v4, vm0, $0xb8;
	[tilespmem:$0x10200] =	vst v63  }
0xd4: {  	v3 =	vadd.s32 v1, v3  }
0xd5: {  	[hbm4b:s5+s2] =	stream.indirect_vreg.scatter [tilespmem:s24], [sflag:$0x3], $0x80, v4, vm0, $0xb8;
	[tilespmem:$0x10200] =	vst v63  }
0xd6: {  	_ = 	snop  }
0xd7: {  	[hbm4b:s6+s2] =	stream.indirect_vreg.scatter [tilespmem:s15], [sflag:$0x3], $0x80, v4, vm0, $0xb8;
	[tilespmem:$0x10200] =	vst v63  }
0xd8: {  	_ = 	snop  }
0xd9: {  	[hbm4b:s3+s2] =	stream.indirect_vreg.scatter [tilespmem:s16], [sflag:$0x3], $0x80, v3, vm0, $0xb8;
	[tilespmem:$0x10200] =	vst v63  }
0xda: {  	_ = 	snop  }
0xdb: {  	[hbm4b:s4+s2] =	stream.indirect_vreg.scatter [tilespmem:s17], [sflag:$0x3], $0x80, v3, vm0, $0xb8;
	[tilespmem:$0x10200] =	vst v63  }
0xdc: {  	_ = 	snop  }
0xdd: {  	[hbm4b:s5+s2] =	stream.indirect_vreg.scatter [tilespmem:s18], [sflag:$0x3], $0x80, v3, vm0, $0xb8;
	[tilespmem:$0x10200] =	vst v63  }
0xde: {  	_ = 	snop  }
0xdf: {  	[hbm4b:s6+s2] =	stream.indirect_vreg.scatter [tilespmem:s19], [sflag:$0x3], $0x80, v3, vm0, $0xb8;
	[tilespmem:$0x10200] =	vst v63  }
0xe0: {  	_ =	swait.ge [sflag:s20], $0x8000  }
0xe1: {  	[sflag:s20] =	ssyncset.done $0x0  }
0xe2: {  	[sflag:s20] =	ssyncadd.s32 $0xFFFF8000  }
0xe3: {  	_ =	swait.ge [sflag:s20], $0x8000  }
0xe4: {  	[sflag:s20] =	ssyncset.done $0x0  }
0xe5: {  	[sflag:s20] =	ssyncadd.s32 $0xFFFF8000  }
0xe6: {  	p0 =	sne.s32 s7, $0x1;
	_ =	swait.ge [sflag:s20], $0x8000  }
.Ltmp0:
0xe7: {  	[sflag:s20] =	ssyncset.done $0x0;
	(pc) =	sbr.rel @p0 .LBB2_1-.Ltmp0, $4  }
0xe8: {  	[sflag:s20] =	ssyncadd.s32 $0xFFFF8000  }
0xe9: {  	_ =	swait.ge [sflag:s20], $0x8000  }
0xea: {  	[sflag:s20] =	ssyncset.done $0x0  }
0xeb: {  	s7 =	sadd.s32 $0xFFFFFFFF, s7;
	[sflag:s20] =	ssyncadd.s32 $0xFFFF8000  }
0xec: {  	_ =	sfence.sel $0x180000  }
0xed: {  	[bflag:$0x0] =	sbarrier.arrive $0xFFFF  }
0xee: {  	_ =	strace $0x90000047  }
0xef: {  	s0 =	stileid.u32;
	[bflag:$0x2] =	sbarrier.arrive $0xFFFF  }
0xf0: {  	p0 =	sne.s32 s0, $0x0;
	s0 =	rddreg [dreg:$0x2]  }
0xf1: {  	s0 =	sadd.s32 @!p0 $0x100000, s0  }
0xf2: {  	[sflag:s0] =	ssyncadd.tile.s32 @!p0 $0x1;
	_ =	shalt  }
.Lfunc_end2:
_tile_overlayer_lowered:
.L_overlay_start_2:
0xf3: {  	(tag) =	ssettag $0x2  }
0xf4: {  	s0 =	rddreg [dreg:$0x0];
	s2 =	stileid.u32  }
0xf5: {  	s1 =	rddreg [dreg:$0x1];
	p0 =	sne.s32 s2, $0x0  }
0xf6: {  	s3 =	rddreg [dreg:$0x2];
	[bflag:$0x3] =	sbarrier.arrive $0xFFFF;
	s2 =	simm.s32 @!p0 $0x1C04  }
0xf7: {  	[timem:s3], [sflag:s2] =	dma.local @!p0 [hbm:s0], s1  }
0xf8: {  	s0 =	simm.s32 @!p0 $0x4  }
0xf9: {  	_ =	swait.ge @!p0 [sflag:s0], s1  }
0xfa: {  	s1 =	ssub.s32 @!p0 $0x0, s1;
	[sflag:s0] =	ssyncset.done @!p0 $0x0  }
0xfb: {  	[sflag:s0] =	ssyncadd.s32 @!p0 s1  }
0xfc: {  	[bflag:$0x3] =	sbarrier.arrive $0xFFFF  }
0xfd: {  	_ =	shalt  }

// kernel: kernel.9.cloned.1.call-start
scs
__scs_entry_jumppad:
0x0: {  	(pc) =	sbr.rel $0x88, $3  }
0x1: {  	(tag) =	ssettag $0x0;
	lr =	simm.s32 $0x1  }
0x2: {  	[smem:$0x3F9C] =	sst lr;
	_ =	strace $0xD0000000  }
0x3: {  	_ = 	snop  }
0x4: {  	_ = 	snop  }
0x5: {  	_ = 	snop  }
0x6: {  	_ = 	snop  }
0x7: {  	_ = 	snop  }
__scs_overlays_trampoline_lowered:
0x8: {  	[smem:$0x3FAB] =	sst s0  }
0x9: {  	[smem:$0x3FAC] =	sst s1  }
0xa: {  	[smem:$0x3FAD] =	sst s2  }
0xb: {  	[smem:$0x3FAE] =	sst s3  }
0xc: {  	[smem:$0x3FAF] =	sst s4  }
0xd: {  	[smem:$0x3FB0] =	sst s5  }
0xe: {  	[smem:$0x3FB1] =	sst s6  }
0xf: {  	[smem:$0x3FB2] =	sst s7  }
0x10: {  	[smem:$0x3FB3] =	sst s8  }
0x11: {  	[smem:$0x3FB4] =	sst s9;
	s0 =	simm.s32 @!p0 $0x0  }
0x12: {  	s1 =	sld [smem:$0x3F9A];
	s0 =	simm.s32 @p0 $0x1  }
0x13: {  	[smem:$0x3FB5] =	sst s0;
	s0 =	simm.s32 @!p1 $0x0  }
0x14: {  	s2 =	sld [smem:$0x3F99];
	s0 =	simm.s32 @p1 $0x1  }
0x15: {  	[smem:$0x3FB6] =	sst s0;
	s0 =	simm.s32 @!p2 $0x0  }
0x16: {  	s3 =	sld [smem:$0x3FDB];
	s0 =	simm.s32 @p2 $0x1  }
0x17: {  	s4 =	simm.s32 $0x1BF5;
	[smem:$0x3FB8] =	sst s0  }
0x18: {  	s0 =	sld [smem:$0x3F9B];
	_ =	swait.ge [sflag:s4], $0x0  }
0x19: {  	s7 =	sld [smem:$0x3F9C]  }
0x1a: {  	s8 =	sadd.s32 $0xFFFFE003, lr  }
0x1b: {  	s9 =	sadd.s32 $0xFFFFFEF7, lr;
	s5 =	simm.s32 $0xFFFFFFFF;
	p2 =	slt.u32 s8, $0xFFFFF086  }
0x1c: {  	p1 =	slt.u32 s9, $0xF7A;
	s5 =	simm.s32 @!p2 $0x0  }
0x1d: {  	s5 =	simm.s32 @p1 $0x1;
	p0 =	seq.s32 s7, s2  }
0x1e: {  	s7 =	smul.u32 @!p0 $0xF7A, s2;
	p2 =	seq.s32 @!p0 s5, $0x0  }
0x1f: {  	s9 =	smul.u32 $0xF7A, s1;
	s8 =	simm.s32 @!p0 $0x1BF5;
	p2 =	por !p2, p0  }
0x20: {  	[sflag:s8] =	ssyncset.s32 @!p0 $0xFFFFF086;
	s6 =	sadd.s32 @!p0 s3, s7;
	s7 =	simm.s32 @!p0 $0x108  }
0x21: {  	s3 =	sadd.s32 s3, s9;
	s6 =	sadd.s32 @!p0 $0x88, s6;
	s7 =	simm.s32 @p2 $0x1082  }
0x22: {  	[simem:s7], [sflag:s8] =	dma.local @!p0 [hbm:s6], $0xF7A  }
0x23: {  	s9 =	sor.u32 $0xD0000000, s2;
	s6 =	simm.s32 $0x108;
	_ =	swait.ge @!p0 [sflag:s8], $0x0  }
0x24: {  	s3 =	sadd.s32 $0x88, s3;
	s6 =	simm.s32 @!p1 $0x1082;
	[sflag:s4] =	ssyncset.s32 $0xFFFFF086  }
0x25: {  	[simem:s6], [sflag:s4] =	dma.local [hbm:s3], $0xF7A  }
0x26: {  	[smem:$0x3F9C] =	sst s1;
	(tag) =	ssettag s2;
	_ =	strace s9  }
0x27: {  	s1 =	sld [smem:$0x3FAC]  }
0x28: {  	s2 =	sld [smem:$0x3FAD]  }
0x29: {  	s4 =	sld [smem:$0x3FAF]  }
0x2a: {  	p0 =	seq.s32 s5, $0x0;
	s5 =	sld [smem:$0x3FB0]  }
0x2b: {  	s6 =	sld [smem:$0x3FB1]  }
0x2c: {  	s7 =	sld [smem:$0x3FB2]  }
0x2d: {  	s3 =	simm.s32 $0x108;
	s8 =	sld [smem:$0x3FB3]  }
0x2e: {  	s3 =	simm.s32 @!p0 $0x1082;
	s9 =	sld [smem:$0x3FB4]  }
0x2f: {  	lr =	sadd.s32 s0, s3;
	s0 =	sld [smem:$0x3FAB]  }
0x30: {  	s3 =	sld [smem:$0x3FAE]  }
0x31: {  	[smem:$0x3FB7] =	sst s10  }
0x32: {  	s10 =	sld [smem:$0x3FB5];
	_ =	sdelay $0x3  }
0x33: {  	p0 =	seq.s32 s10, $0x1;
	s10 =	sld [smem:$0x3FB7];
	_ =	sdelay $0x3  }
0x34: {  	[smem:$0x3FB7] =	sst s10  }
0x35: {  	s10 =	sld [smem:$0x3FB6];
	_ =	sdelay $0x3  }
0x36: {  	p1 =	seq.s32 s10, $0x1;
	s10 =	sld [smem:$0x3FB7];
	_ =	sdelay $0x3  }
0x37: {  	[smem:$0x3FB7] =	sst s10  }
0x38: {  	s10 =	sld [smem:$0x3FB8]  }
0x39: {  	_ = 	snop;
	(pc) =	sbr.ind lr, $3  }
0x3a: {  	_ = 	snop  }
0x3b: {  	_ = 	snop  }
0x3c: {  	p2 =	seq.s32 s10, $0x1;
	s10 =	sld [smem:$0x3FB7]  }
0x3d: {  	_ =	shalt  }
0x3e: {  	_ =	shalt  }
0x3f: {  	_ =	shalt  }
0x40: {  	_ =	shalt  }
0x41: {  	_ =	shalt  }
0x42: {  	_ =	shalt  }
0x43: {  	_ =	shalt  }
0x44: {  	_ =	shalt  }
0x45: {  	_ =	shalt  }
0x46: {  	_ =	shalt  }
0x47: {  	_ =	shalt  }
0x48: {  	_ =	shalt  }
0x49: {  	_ =	shalt  }
0x4a: {  	_ =	shalt  }
0x4b: {  	_ =	shalt  }
0x4c: {  	_ =	shalt  }
0x4d: {  	_ =	shalt  }
0x4e: {  	_ =	shalt  }
0x4f: {  	_ =	shalt  }
0x50: {  	_ =	shalt  }
0x51: {  	_ =	shalt  }
0x52: {  	_ =	shalt  }
0x53: {  	_ =	shalt  }
0x54: {  	_ =	shalt  }
0x55: {  	_ =	shalt  }
0x56: {  	_ =	shalt  }
0x57: {  	_ =	shalt  }
0x58: {  	_ =	shalt  }
0x59: {  	_ =	shalt  }
0x5a: {  	_ =	shalt  }
0x5b: {  	_ =	shalt  }
0x5c: {  	_ =	shalt  }
0x5d: {  	_ =	shalt  }
0x5e: {  	_ =	shalt  }
0x5f: {  	_ =	shalt  }
0x60: {  	_ =	shalt  }
0x61: {  	_ =	shalt  }
0x62: {  	_ =	shalt  }
0x63: {  	_ =	shalt  }
0x64: {  	_ =	shalt  }
0x65: {  	_ =	shalt  }
0x66: {  	_ =	shalt  }
0x67: {  	_ =	shalt  }
0x68: {  	_ =	shalt  }
0x69: {  	_ =	shalt  }
0x6a: {  	_ =	shalt  }
0x6b: {  	_ =	shalt  }
0x6c: {  	_ =	shalt  }
0x6d: {  	_ =	shalt  }
0x6e: {  	_ =	shalt  }
0x6f: {  	_ =	shalt  }
0x70: {  	_ =	shalt  }
0x71: {  	_ =	shalt  }
0x72: {  	_ =	shalt  }
0x73: {  	_ =	shalt  }
0x74: {  	_ =	shalt  }
0x75: {  	_ =	shalt  }
0x76: {  	_ =	shalt  }
0x77: {  	_ =	shalt  }
0x78: {  	_ =	shalt  }
0x79: {  	_ =	shalt  }
0x7a: {  	_ =	shalt  }
0x7b: {  	_ =	shalt  }
0x7c: {  	_ =	shalt  }
0x7d: {  	_ =	shalt  }
0x7e: {  	_ =	shalt  }
0x7f: {  	_ =	shalt  }
0x80: {  	_ =	shalt  }
0x81: {  	_ =	shalt  }
0x82: {  	_ =	shalt  }
0x83: {  	_ =	shalt  }
0x84: {  	_ =	shalt  }
0x85: {  	_ =	shalt  }
0x86: {  	_ =	shalt  }
0x87: {  	_ =	shalt  }
.Lfunc_end0:
.L_simem_size_0:
called_computation.1_lowered:
.L_overlay_start_0:
0x88: {  	s2 =	sld [smem:$0x3FD9]  }
0x89: {  	s3 =	sld [smem:$0x3FFE];
	_ =	sdelay $0x1  }
0x8a: {  	s1 =	srdreg.scid  }
0x8b: {  	s0 =	sand.u32 $0x1, s1  }
0x8c: {  	s17 =	sshll.u32 s0, $0xA;
	s2 =	sadd.s32 s3, s2  }
0x8d: {  	s2 =	sadd.s32 s2, s17  }
0x8e: {  	[smem:$0x3FC3] =	sst s2  }
0x8f: {  	_ = 	snop  }
0x90: {  	s2 =	sld [smem:$0x3FD0];
	(tm) =	ssettm $0x1  }
0x91: {  	s18 =	sld [smem:$0x3FFB];
	_ =	sdelay $0x3  }
0x92: {  	_ =	strace s18  }
0x93: {  	s3 =	sld [smem:$0x3FFC];
	_ =	sdelay $0x3  }
0x94: {  	_ =	strace s3  }
0x95: {  	s3 =	sld [smem:$0x3FFD];
	_ =	sdelay $0x3  }
0x96: {  	_ =	strace s3  }
0x97: {  	_ =	strace $0x8FFFFFFF  }
0x98: {  	s19 =	sld [smem:$0x3FDB];
	_ =	sdelay $0x1  }
0x99: {  	s4 =	simm.s32 $_scs_section_size  }
0x9a: {  	s5 =	simm.s32 $_size__tile_overlayer_lowered;
	s6 =	simm.s32 $_tile_overlayer_lowered  }
0x9b: {  	s22 =	simm.s32 $0x1BFF;
	s21 =	sshll.u32 s6, $0x1;
	s3 =	sadd.s32 s4, s19  }
0x9c: {  	s7 =	simm.s32 $0x0;
	s20 =	sshll.u32 s5, $0x1;
	s5 =	sadd.s32 s21, s3  }
0x9d: {  	[timem:s7], [sflag:s22] =	dma.local [hbm:s5], s20  }
0x9e: {  	_ =	swait.ge [sflag:s22], s20  }
0x9f: {  	s4 =	ssub.s32 $0x0, s20;
	[sflag:s22] =	ssyncset.done $0x0  }
0xa0: {  	[sflag:s22] =	ssyncadd.s32 s4;
	_ =	sdelay $0x1  }
0xa1: {  	s23 =	simm.s32 $0x1B8B  }
0xa2: {  	_ =	swait.ge [sflag:s23], $0x1  }
0xa3: {  	[sflag:s23] =	ssyncset.done $0x0  }
0xa4: {  	s25 =	simm.s32 $0x1B8E;
	s24 =	sld [smem:$0x3FFE];
	[sflag:s23] =	ssyncadd.s32 $0xFFFFFFFF  }
0xa5: {  	s26 =	simm.s32 $execute0_lowered;
	[smem:$0x3FD2] =	sst s25  }
0xa6: {  	s5 =	sshll.u32 s26, $0x1;
	_ =	strace $0x80000049;
	[dreg:$0x1] =	wrdreg $0xFFFFFFFF  }
0xa7: {  	s28 =	simm.s32 $_size_execute0_lowered;
	s3 =	sadd.s32 s3, s5;
	[dreg:$0x0] =	wrdreg $0x0  }
0xa8: {  	s5 =	sshll.u32 s28, $0x1;
	[dreg:$0x2] =	wrdreg s3  }
0xa9: {  	[dreg:$0x3] =	wrdreg s5  }
0xaa: {  	[dreg:$0x4] =	wrdreg $0xC0  }
0xab: {  	_ =	task [dreg:s7], $0x5FFFF  }
0xac: {  	[dreg:$0x1] =	wrdreg $0xFFFFFFFF  }
0xad: {  	[dreg:$0x0] =	wrdreg $0x60  }
0xae: {  	[dreg:$0x2] =	wrdreg s24  }
0xaf: {  	[dreg:$0x3] =	wrdreg s2  }
0xb0: {  	[dreg:$0x4] =	wrdreg $0x9  }
0xb1: {  	_ =	task.clear_ibuf [dreg:s7], $0x5FFFF;
	_ =	strace $0x90000049  }
0xb2: {  	s29 =	simm.s32 $0x9;
	_ =	strace $0x8000004B  }
0xb3: {  	_ =	swait.ge [sflag:s29], $0x1  }
0xb4: {  	[sflag:s29] =	ssyncadd.s32 $0xFFFFFFFF  }
0xb5: {  	_ =	strace $0x9000004B  }
0xb6: {  	_ =	sfence  }
0xb7: {  	s30 =	sld [smem:$0x0];
	_ =	sdelay $0x2  }
0xb8: {  	s31 =	sshll.u32 s1, $0xD;
	s1 =	sshrl.u32 s1, $0x2  }
0xb9: {  	s3 =	sand.u32 $0x4000, s31;
	s1 =	sadd.s32 s1, s30  }
0xba: {  	s0 =	sor.u32 s3, s0;
	s1 =	sshll.u32 s1, $0x11  }
0xbb: {  	s0 =	sor.u32 s1, s0  }
0xbc: {  	s0 =	sadd.s32 $0x8F2B, s0  }
0xbd: {  	[sflag:s0] =	ssyncadd.remote.s32 $0x1  }
0xbe: {  	_ =	sfence.sel $0xFFFF  }
0xbf: {  	[dreg:$0x0] =	wrdreg $0xFFFFFFFF;
	(pc) =	sbr.abs _section_cstart, $3  }
0xc0: {  	[dreg:$0x1] =	wrdreg $0xFFFFFFFF  }
0xc1: {  	_ =	task.clear_ibuf [dreg:s7], $0x2FFFF;
	_ =	strace $0x9FFFFFFF  }
0xc2: {  	(tm) =	ssettm $0x7FFFFFFF  }
0xc3: {  	_ =	shalt  }
tec
execute0_lowered:
.L_overlay_start_1:
0x0: {  	(tag) =	ssettag $0x1  }
0x1: {  	s1 =	rddreg [dreg:$0x0]  }
0x2: {  	s0 =	rddreg [dreg:$0x1];
	s3 =	srdreg.scid  }
0x3: {  	s2 =	simm.s32 $0x0;
	s5 =	stileid.u32;
	s28 =	simm.s32 $0x2800  }
0x4: {  	s29 =	simm.s32 $0x3000;
	s30 =	simm.s32 $0x3800;
	s31 =	simm.s32 $0x4000  }
0x5: {  	s4 =	sand.u32 $0x1, s3;
	[smem:$0x7FF] =	sst s2;
	s18 =	sshll.u32 s5, $0x7  }
0x6: {  	s3 =	sadd.s32 $0x12D400, s1;
	s7 =	sadd.s32 $0x1200, s1;
	s19 =	sshll.u32 s4, $0x6  }
0x7: {  	_ =	strace $0x8000004A;
	s4 =	ssub.s32 $0x2, s4;
	s6 =	sor.u32 s19, s18  }
0x8: {  	s10 =	sshrl.u32 s4, $0x1;
	s8 =	sshll.u32 s6, $0x4;
	s9 =	sshll.u32 s6, $0x1  }
0x9: {  	s4 =	ssub.s32 s4, s10;
	s13 =	sor.u32 $0x20, s6;
	s26 =	sor.u32 $0x30, s6  }
0xa: {  	s8 =	sadd.s32 s8, s1;
	s11 =	sand.u32 $0xF00, s9;
	s12 =	sor.u32 s19, s9  }
0xb: {  	s14 =	sand.u32 $0x60, s13;
	s16 =	sand.u32 $0x70, s26;
	s5 =	sor.u32 s19, s11  }
0xc: {  	s20 =	sshrl.u32 s12, $0x3;
	s12 =	sor.u32 $0x10, s6;
	s24 =	sor.u32 s14, s11  }
0xd: {  	s15 =	sor.u32 s9, s14;
	s19 =	sadd.s32 $0x1400, s8;
	s14 =	sadd.s32 $0x12D500, s1  }
0xe: {  	s5 =	sshrl.u32 s5, $0x3;
	s10 =	sor.u32 $0x10, s20;
	s22 =	sand.u32 $0x50, s12  }
0xf: {  	s25 =	sshrl.u32 s24, $0x3;
	[dreg:$0xb] =	wrdreg s19;
	s20 =	sadd.s32 $0x9400, s8  }
0x10: {  	s24 =	sshll.u32 s13, $0x7;
	s8 =	simm.s32 $0x7800;
	s13 =	simm.s32 $0x4  }
0x11: {  	s5 =	sadd.s32 s7, s5;
	s21 =	sadd.s32 s7, s10;
	[dreg:$0xc] =	wrdreg s20  }
0x12: {  	s23 =	sor.u32 s22, s11;
	s11 =	sor.u32 s16, s11;
	[dreg:$0x3] =	wrdreg s5  }
0x13: {  	[dreg:$0x4] =	wrdreg s21;
	s5 =	sor.u32 s9, s22;
	s10 =	sshrl.u32 s23, $0x3  }
0x14: {  	s9 =	sor.u32 s9, s16;
	s11 =	sshrl.u32 s11, $0x3;
	s21 =	sshll.u32 s6, $0x7  }
0x15: {  	s16 =	sadd.s32 $0x12D700, s1;
	s23 =	sshll.u32 s12, $0x7;
	s6 =	simm.s32 $0x6800  }
0x16: {  	s12 =	simm.s32 $0x2;
	s5 =	sshrl.u32 s5, $0x3;
	s10 =	sadd.s32 s7, s10  }
0x17: {  	s9 =	sshrl.u32 s9, $0x3;
	s17 =	sadd.s32 s7, s11;
	[dreg:$0x5] =	wrdreg s10  }
0x18: {  	s22 =	sadd.s32 s0, s21;
	s11 =	simm.s32 $0x10000;
	[dreg:$0x9] =	wrdreg s17  }
0x19: {  	s5 =	sor.u32 $0x10, s5;
	s18 =	sor.u32 $0x10, s9;
	[dreg:$0xd] =	wrdreg s22  }
0x1a: {  	s9 =	simm.s32 $0x8000;
	s10 =	simm.s32 $0x1;
	s5 =	sadd.s32 s7, s5  }
0x1b: {  	s17 =	simm.s32 $0x3;
	[dreg:$0x6] =	wrdreg s5;
	s5 =	sadd.s32 s7, s25  }
0x1c: {  	s25 =	sshll.u32 s26, $0x7;
	s26 =	smax.u32 s4, $0x1;
	s4 =	simm.s32 $0x5800  }
0x1d: {  	[dreg:$0x7] =	wrdreg s5;
	s5 =	sshrl.u32 s15, $0x3;
	s15 =	sadd.s32 $0x12D600, s1  }
0x1e: {  	s1 =	sadd.s32 s0, s23;
	[dreg:$0x11] =	wrdreg s26;
	s23 =	simm.s32 $0x5  }
0x1f: {  	s5 =	sor.u32 $0x10, s5;
	[dreg:$0xe] =	wrdreg s1;
	s1 =	sadd.s32 s0, s24  }
0x20: {  	s0 =	sadd.s32 s0, s25;
	s5 =	sadd.s32 s7, s5;
	[dreg:$0xf] =	wrdreg s1  }
0x21: {  	v2 =	vlaneseq.u32;
	[dreg:$0x10] =	wrdreg s0;
	s0 =	simm.s32 $0x4800;
	s1 =	simm.s32 $0x5000  }
0x22: {  	vm0 =	vmmov $0xffff;
	v1 =	vshrl.u32 v2, $0x3;
	[dreg:$0x8] =	wrdreg s5;
	s5 =	sadd.s32 s7, s18;
	s7 =	simm.s32 $0x7000  }
0x23: {  	v0 =	vand.u32 $0x7, v2;
	v2 =	vor.u32 $0x8, v2;
	v1 =	vmul.u32 $0x8, v1;
	s18 =	simm.s32 $0x0;
	[dreg:$0xa] =	wrdreg s5;
	s5 =	simm.s32 $0x6000  }
.LBB2_1:
0x24: {  	s19 =	rddreg [dreg:$0x3];
	s20 =	simm.s32 $0x18000  }
0x25: {  	[tilespmem:s20], [sflag:$0x5] =	stream.linear.gather [hbm4b:s19+s2], $0x10, $0x38;
	[tilespmem:$0x1C400] =	vst v63  }
0x26: {  	_ =	swait.ge [sflag:s23], $0x10  }
0x27: {  	[sflag:s23] =	ssyncset.done $0x0  }
0x28: {  	s26 =	simm.s32 $0x18080;
	s25 =	rddreg [dreg:$0x4];
	[sflag:s23] =	ssyncadd.s32 $0xFFFFFFF0  }
0x29: {  	[tilespmem:s26], [sflag:$0x5] =	stream.linear.gather [hbm4b:s25+s2], $0x10, $0x38;
	[tilespmem:$0x1C400] =	vst v63  }
0x2a: {  	_ =	swait.ge [sflag:s23], $0x10  }
0x2b: {  	[sflag:s23] =	ssyncset.done $0x0  }
0x2c: {  	s21 =	simm.s32 $0x18100;
	s20 =	rddreg [dreg:$0x5];
	[sflag:s23] =	ssyncadd.s32 $0xFFFFFFF0  }
0x2d: {  	[tilespmem:s21], [sflag:$0x5] =	stream.linear.gather [hbm4b:s20+s2], $0x10, $0x38;
	[tilespmem:$0x1C400] =	vst v63  }
0x2e: {  	_ =	swait.ge [sflag:s23], $0x10  }
0x2f: {  	[sflag:s23] =	ssyncset.done $0x0  }
0x30: {  	s24 =	simm.s32 $0x18180;
	s22 =	rddreg [dreg:$0x6];
	[sflag:s23] =	ssyncadd.s32 $0xFFFFFFF0  }
0x31: {  	[tilespmem:s24], [sflag:$0x5] =	stream.linear.gather [hbm4b:s22+s2], $0x10, $0x38;
	[tilespmem:$0x1C400] =	vst v63  }
0x32: {  	_ =	swait.ge [sflag:s23], $0x10  }
0x33: {  	[sflag:s23] =	ssyncset.done $0x0  }
0x34: {  	s26 =	simm.s32 $0x18200;
	s25 =	rddreg [dreg:$0x7];
	[sflag:s23] =	ssyncadd.s32 $0xFFFFFFF0  }
0x35: {  	[tilespmem:s26], [sflag:$0x5] =	stream.linear.gather [hbm4b:s25+s2], $0x10, $0x38;
	[tilespmem:$0x1C400] =	vst v63  }
0x36: {  	_ =	swait.ge [sflag:s23], $0x10  }
0x37: {  	[sflag:s23] =	ssyncset.done $0x0  }
0x38: {  	s21 =	simm.s32 $0x18280;
	s20 =	rddreg [dreg:$0x8];
	[sflag:s23] =	ssyncadd.s32 $0xFFFFFFF0  }
0x39: {  	[tilespmem:s21], [sflag:$0x5] =	stream.linear.gather [hbm4b:s20+s2], $0x10, $0x38;
	[tilespmem:$0x1C400] =	vst v63  }
0x3a: {  	_ =	swait.ge [sflag:s23], $0x10  }
0x3b: {  	[sflag:s23] =	ssyncset.done $0x0  }
0x3c: {  	s24 =	simm.s32 $0x18300;
	s22 =	rddreg [dreg:$0x9];
	[sflag:s23] =	ssyncadd.s32 $0xFFFFFFF0  }
0x3d: {  	[tilespmem:s24], [sflag:$0x5] =	stream.linear.gather [hbm4b:s22+s2], $0x10, $0x38;
	[tilespmem:$0x1C400] =	vst v63  }
0x3e: {  	_ =	swait.ge [sflag:s23], $0x10  }
0x3f: {  	[sflag:s23] =	ssyncset.done $0x0  }
0x40: {  	s26 =	simm.s32 $0x18380;
	s25 =	rddreg [dreg:$0xa];
	[sflag:s23] =	ssyncadd.s32 $0xFFFFFFF0  }
0x41: {  	[tilespmem:s26], [sflag:$0x5] =	stream.linear.gather [hbm4b:s25+s2], $0x10, $0x38;
	[tilespmem:$0x1C400] =	vst v63  }
0x42: {  	_ =	swait.ge [sflag:s23], $0x10  }
0x43: {  	[sflag:s23] =	ssyncset.done $0x0  }
0x44: {  	s22 =	simm.s32 $0x18400;
	s21 =	rddreg [dreg:$0xb];
	[sflag:s23] =	ssyncadd.s32 $0xFFFFFFF0  }
0x45: {  	[tilespmem:s22], [sflag:$0x5] =	stream.linear.gather [hbm4b:s21+s2], $0x2000, $0x38;
	[tilespmem:$0x1C400] =	vst v63  }
0x46: {  	_ =	swait.ge [sflag:s23], $0x2000  }
0x47: {  	[sflag:s23] =	ssyncset.done $0x0  }
0x48: {  	s25 =	simm.s32 $0x1A400;
	s24 =	rddreg [dreg:$0xc];
	[sflag:s23] =	ssyncadd.s32 $0xFFFFE000  }
0x49: {  	[tilespmem:s25], [sflag:$0x5] =	stream.linear.gather [hbm4b:s24+s2], $0x2000, $0x38;
	[tilespmem:$0x1C400] =	vst v63  }
0x4a: {  	_ =	swait.ge [sflag:s23], $0x2000  }
0x4b: {  	[sflag:s23] =	ssyncset.done $0x0  }
0x4c: {  	[sflag:s23] =	ssyncadd.s32 $0xFFFFE000  }
0x4d: {  	v3 =	vld [tilespmem:$0x18000];
	_ =	sdelay $0x4  }
0x4e: {  	v4 =	vshll.u32 v3, $0x3  }
0x4f: {  	v3 =	vand.u32 $0x7, v3;
	v4 =	vand.u32 $0xFFFFFFC0, v4  }
0x50: {  	v3 =	vor.u32 v3, v4  }
0x51: {  	v4 =	vperm.xlane v3, v0;
	_ =	sdelay $0x1  }
0x52: {  	v4 =	vadd.s32 v1, v4;
	_ =	sdelay $0x4  }
0x53: {  	[tilespmem:s2], [sflag:$0x1] =	stream.indirect_vreg.gather [hbm4b:s3+s2], $0x80, v4, vm0, $0xb8;
	[tilespmem:$0x1C400] =	vst v63  }
0x54: {  	s26 =	simm.s32 $0x800;
	v3 =	vperm.xlane v3, v2  }
0x55: {  	[tilespmem:s26], [sflag:$0x1] =	stream.indirect_vreg.gather [hbm4b:s14+s2], $0x80, v4, vm0, $0xb8;
	[tilespmem:$0x1C400] =	vst v63  }
0x56: {  	s20 =	simm.s32 $0x1000;
	v3 =	vadd.s32 v1, v3  }
0x57: {  	[tilespmem:s20], [sflag:$0x1] =	stream.indirect_vreg.gather [hbm4b:s15+s2], $0x80, v4, vm0, $0xb8;
	[tilespmem:$0x1C400] =	vst v63  }
0x58: {  	s21 =	simm.s32 $0x1800  }
0x59: {  	[tilespmem:s21], [sflag:$0x1] =	stream.indirect_vreg.gather [hbm4b:s16+s2], $0x80, v4, vm0, $0xb8;
	[tilespmem:$0x1C400] =	vst v63  }
0x5a: {  	s22 =	simm.s32 $0x2000  }
0x5b: {  	[tilespmem:s22], [sflag:$0x1] =	stream.indirect_vreg.gather [hbm4b:s3+s2], $0x80, v3, vm0, $0xb8;
	[tilespmem:$0x1C400] =	vst v63  }
0x5c: {  	_ = 	snop  }
0x5d: {  	[tilespmem:s28], [sflag:$0x1] =	stream.indirect_vreg.gather [hbm4b:s14+s2], $0x80, v3, vm0, $0xb8;
	[tilespmem:$0x1C400] =	vst v63  }
0x5e: {  	_ = 	snop  }
0x5f: {  	[tilespmem:s29], [sflag:$0x1] =	stream.indirect_vreg.gather [hbm4b:s15+s2], $0x80, v3, vm0, $0xb8;
	[tilespmem:$0x1C400] =	vst v63  }
0x60: {  	_ = 	snop  }
0x61: {  	[tilespmem:s30], [sflag:$0x1] =	stream.indirect_vreg.gather [hbm4b:s16+s2], $0x80, v3, vm0, $0xb8;
	[tilespmem:$0x1C400] =	vst v63  }
0x62: {  	v3 =	vld [tilespmem:$0x18080];
	_ =	sdelay $0x4  }
0x63: {  	v61 =	vshll.u32 v3, $0x3  }
0x64: {  	v3 =	vand.u32 $0x7, v3;
	v4 =	vand.u32 $0xFFFFFFC0, v61  }
0x65: {  	v3 =	vor.u32 v3, v4  }
0x66: {  	v4 =	vperm.xlane v3, v0;
	_ =	sdelay $0x1  }
0x67: {  	v4 =	vadd.s32 v1, v4;
	_ =	sdelay $0x4  }
0x68: {  	[tilespmem:s31], [sflag:$0x1] =	stream.indirect_vreg.gather [hbm4b:s3+s2], $0x80, v4, vm0, $0xb8;
	[tilespmem:$0x1C400] =	vst v63  }
0x69: {  	v3 =	vperm.xlane v3, v2  }
0x6a: {  	[tilespmem:s0], [sflag:$0x1] =	stream.indirect_vreg.gather [hbm4b:s14+s2], $0x80, v4, vm0, $0xb8;
	[tilespmem:$0x1C400] =	vst v63  }
0x6b: {  	v3 =	vadd.s32 v1, v3  }
0x6c: {  	[tilespmem:s1], [sflag:$0x1] =	stream.indirect_vreg.gather [hbm4b:s15+s2], $0x80, v4, vm0, $0xb8;
	[tilespmem:$0x1C400] =	vst v63  }
0x6d: {  	_ = 	snop  }
0x6e: {  	[tilespmem:s4], [sflag:$0x1] =	stream.indirect_vreg.gather [hbm4b:s16+s2], $0x80, v4, vm0, $0xb8;
	[tilespmem:$0x1C400] =	vst v63  }
0x6f: {  	_ = 	snop  }
0x70: {  	[tilespmem:s5], [sflag:$0x1] =	stream.indirect_vreg.gather [hbm4b:s3+s2], $0x80, v3, vm0, $0xb8;
	[tilespmem:$0x1C400] =	vst v63  }
0x71: {  	_ = 	snop  }
0x72: {  	[tilespmem:s6], [sflag:$0x1] =	stream.indirect_vreg.gather [hbm4b:s14+s2], $0x80, v3, vm0, $0xb8;
	[tilespmem:$0x1C400] =	vst v63  }
0x73: {  	_ = 	snop  }
0x74: {  	[tilespmem:s7], [sflag:$0x1] =	stream.indirect_vreg.gather [hbm4b:s15+s2], $0x80, v3, vm0, $0xb8;
	[tilespmem:$0x1C400] =	vst v63  }
0x75: {  	_ = 	snop  }
0x76: {  	[tilespmem:s8], [sflag:$0x1] =	stream.indirect_vreg.gather [hbm4b:s16+s2], $0x80, v3, vm0, $0xb8;
	[tilespmem:$0x1C400] =	vst v63  }
0x77: {  	v3 =	vld [tilespmem:$0x18100];
	_ =	sdelay $0x4  }
0x78: {  	v62 =	vshll.u32 v3, $0x3  }
0x79: {  	v3 =	vand.u32 $0x7, v3;
	v4 =	vand.u32 $0xFFFFFFC0, v62  }
0x7a: {  	v3 =	vor.u32 v3, v4  }
0x7b: {  	v4 =	vperm.xlane v3, v0;
	_ =	sdelay $0x1  }
0x7c: {  	v4 =	vadd.s32 v1, v4;
	_ =	sdelay $0x4  }
0x7d: {  	[tilespmem:s9], [sflag:$0x2] =	stream.indirect_vreg.gather [hbm4b:s3+s2], $0x80, v4, vm0, $0xb8;
	[tilespmem:$0x1C400] =	vst v63  }
0x7e: {  	s24 =	simm.s32 $0x8800;
	v3 =	vperm.xlane v3, v2  }
0x7f: {  	[tilespmem:s24], [sflag:$0x2] =	stream.indirect_vreg.gather [hbm4b:s14+s2], $0x80, v4, vm0, $0xb8;
	[tilespmem:$0x1C400] =	vst v63  }
0x80: {  	s25 =	simm.s32 $0x9000;
	v3 =	vadd.s32 v1, v3  }
0x81: {  	[tilespmem:s25], [sflag:$0x2] =	stream.indirect_vreg.gather [hbm4b:s15+s2], $0x80, v4, vm0, $0xb8;
	[tilespmem:$0x1C400] =	vst v63  }
0x82: {  	s26 =	simm.s32 $0x9800  }
0x83: {  	[tilespmem:s26], [sflag:$0x2] =	stream.indirect_vreg.gather [hbm4b:s16+s2], $0x80, v4, vm0, $0xb8;
	[tilespmem:$0x1C400] =	vst v63  }
0x84: {  	s20 =	simm.s32 $0xA000  }
0x85: {  	[tilespmem:s20], [sflag:$0x2] =	stream.indirect_vreg.gather [hbm4b:s3+s2], $0x80, v3, vm0, $0xb8;
	[tilespmem:$0x1C400] =	vst v63  }
0x86: {  	s21 =	simm.s32 $0xA800  }
0x87: {  	[tilespmem:s21], [sflag:$0x2] =	stream.indirect_vreg.gather [hbm4b:s14+s2], $0x80, v3, vm0, $0xb8;
	[tilespmem:$0x1C400] =	vst v63  }
0x88: {  	s22 =	simm.s32 $0xB000  }
0x89: {  	[tilespmem:s22], [sflag:$0x2] =	stream.indirect_vreg.gather [hbm4b:s15+s2], $0x80, v3, vm0, $0xb8;
	[tilespmem:$0x1C400] =	vst v63  }
0x8a: {  	s24 =	simm.s32 $0xB800  }
0x8b: {  	[tilespmem:s24], [sflag:$0x2] =	stream.indirect_vreg.gather [hbm4b:s16+s2], $0x80, v3, vm0, $0xb8;
	[tilespmem:$0x1C400] =	vst v63  }
0x8c: {  	v3 =	vld [tilespmem:$0x18180];
	_ =	sdelay $0x4  }
0x8d: {  	v63 =	vshll.u32 v3, $0x3  }
0x8e: {  	v3 =	vand.u32 $0x7, v3;
	v4 =	vand.u32 $0xFFFFFFC0, v63  }
0x8f: {  	v3 =	vor.u32 v3, v4  }
0x90: {  	v4 =	vperm.xlane v3, v0;
	_ =	sdelay $0x1  }
0x91: {  	v4 =	vadd.s32 v1, v4;
	_ =	sdelay $0x3  }
0x92: {  	s25 =	simm.s32 $0xC000  }
0x93: {  	[tilespmem:s25], [sflag:$0x2] =	stream.indirect_vreg.gather [hbm4b:s3+s2], $0x80, v4, vm0, $0xb8;
	[tilespmem:$0x1C400] =	vst v63  }
0x94: {  	s26 =	simm.s32 $0xC800;
	v3 =	vperm.xlane v3, v2  }
0x95: {  	[tilespmem:s26], [sflag:$0x2] =	stream.indirect_vreg.gather [hbm4b:s14+s2], $0x80, v4, vm0, $0xb8;
	[tilespmem:$0x1C400] =	vst v63  }
0x96: {  	s20 =	simm.s32 $0xD000;
	v3 =	vadd.s32 v1, v3  }
0x97: {  	[tilespmem:s20], [sflag:$0x2] =	stream.indirect_vreg.gather [hbm4b:s15+s2], $0x80, v4, vm0, $0xb8;
	[tilespmem:$0x1C400] =	vst v63  }
0x98: {  	s21 =	simm.s32 $0xD800  }
0x99: {  	[tilespmem:s21], [sflag:$0x2] =	stream.indirect_vreg.gather [hbm4b:s16+s2], $0x80, v4, vm0, $0xb8;
	[tilespmem:$0x1C400] =	vst v63  }
0x9a: {  	s22 =	simm.s32 $0xE000  }
0x9b: {  	[tilespmem:s22], [sflag:$0x2] =	stream.indirect_vreg.gather [hbm4b:s3+s2], $0x80, v3, vm0, $0xb8;
	[tilespmem:$0x1C400] =	vst v63  }
0x9c: {  	s24 =	simm.s32 $0xE800  }
0x9d: {  	[tilespmem:s24], [sflag:$0x2] =	stream.indirect_vreg.gather [hbm4b:s14+s2], $0x80, v3, vm0, $0xb8;
	[tilespmem:$0x1C400] =	vst v63  }
0x9e: {  	s25 =	simm.s32 $0xF000  }
0x9f: {  	[tilespmem:s25], [sflag:$0x2] =	stream.indirect_vreg.gather [hbm4b:s15+s2], $0x80, v3, vm0, $0xb8;
	[tilespmem:$0x1C400] =	vst v63  }
0xa0: {  	s26 =	simm.s32 $0xF800  }
0xa1: {  	[tilespmem:s26], [sflag:$0x2] =	stream.indirect_vreg.gather [hbm4b:s16+s2], $0x80, v3, vm0, $0xb8;
	[tilespmem:$0x1C400] =	vst v63  }
0xa2: {  	_ =	swait.ge [sflag:s10], $0x4000  }
0xa3: {  	[sflag:s10] =	ssyncset.done $0x0  }
0xa4: {  	[sflag:s10] =	ssyncadd.s32 $0xFFFFC000  }
0xa5: {  	_ =	swait.ge [sflag:s10], $0x4000  }
0xa6: {  	s19 =	simm.s32 $0x0;
	[sflag:s10] =	ssyncset.done $0x0  }
0xa7: {  	s20 =	simm.s32 $0x0;
	s22 =	simm.s32 $0x0;
	[sflag:s10] =	ssyncadd.s32 $0xFFFFC000  }
.LBB2_2:
0xa8: {  	s21 =	sshll.u32 s22, $0x2;
	s24 =	sand.u32 $0x7, s19  }
0xa9: {  	s21 =	sand.u32 $0xFFFF8000, s21;
	s24 =	sshll.u32 s24, $0x9  }
0xaa: {  	s25 =	sshll.u32 s20, $0x7;
	s21 =	sor.u32 s24, s21  }
0xab: {  	v3 =	vld [tilespmem:s25+$0x18400];
	s21 =	sshrl.u32 s21, $0x2  }
0xac: {  	v4 =	vld [tilespmem:s25+$0x1A400];
	s24 =	sor.u32 $0x40, s21  }
0xad: {  	s21 =	sadd.s32 $0x4040, s21;
	v5 =	vld [tilespmem:s24+$0x30]  }
0xae: {  	v6 =	vld [tilespmem:s21+$0x30]  }
0xaf: {  	v8 =	vld [tilespmem:s21+$0xFFFFFFC0]  }
0xb0: {  	v7 =	vld [tilespmem:s24+$0xFFFFFFD0]  }
0xb1: {  	v9 =	vld [tilespmem:s21+$0xFFFFFFD0]  }
0xb2: {  	v10 =	vld [tilespmem:s24+$0xFFFFFFE0]  }
0xb3: {  	v11 =	vld [tilespmem:s21+$0xFFFFFFE0]  }
0xb4: {  	v12 =	vld [tilespmem:s24+$0xFFFFFFF0]  }
0xb5: {  	v13 =	vld [tilespmem:s21+$0xFFFFFFF0]  }
0xb6: {  	v14 =	vld [tilespmem:s24+$0x0];
	v5 =	vmul.f32 v5, v3;
	v6 =	vmul.f32 v6, v4  }
0xb7: {  	v16 =	vld [tilespmem:s21+$0x0];
	v15 =	vmul.f32 v7, v3;
	v9 =	vmul.f32 v9, v4  }
0xb8: {  	v10 =	vmul.f32 v10, v3;
	v11 =	vmul.f32 v11, v4;
	v7 =	vld [tilespmem:s24+$0x10];
	v5 =	vadd.f32 v6, v5  }
0xb9: {  	v15 =	vadd.f32 v9, v15;
	v6 =	vld [tilespmem:s21+$0x10]  }
0xba: {  	v12 =	vmul.f32 v12, v3;
	v13 =	vmul.f32 v13, v4;
	v17 =	vadd.f32 v11, v10;
	v9 =	vld [tilespmem:s24+$0x20];
	[tilespmem:s24+$0x30] =	vst v5  }
0xbb: {  	v10 =	vld [tilespmem:s21+$0x20];
	v11 =	vmul.f32 v14, v3;
	[tilespmem:s24+$0xFFFFFFD0] =	vst v15  }
0xbc: {  	s25 =	simm.s32 $0x0;
	s26 =	sadd.s32 $0x400, s24;
	v12 =	vadd.f32 v13, v12;
	v13 =	vmul.f32 v16, v4;
	v5 =	vmul.f32 v8, v4;
	v8 =	vld [tilespmem:s24+$0xFFFFFFC0];
	[tilespmem:s24+$0xFFFFFFE0] =	vst v17  }
.LBB2_3:
0xbd: {  	v14 =	vld [tilespmem:s26+$0x30];
	v7 =	vmul.f32 v7, v3;
	s21 =	sadd.s32 $0x400, s21  }
0xbe: {  	s25 =	sadd.s32 $0x8, s25;
	v15 =	vld [tilespmem:s21+$0x30];
	[tilespmem:s24+$0xFFFFFFF0] =	vst v12;
	v11 =	vadd.f32 v13, v11;
	v6 =	vmul.f32 v6, v4  }
0xbf: {  	p0 =	slt.u32 s25, $0x38;
	v12 =	vld [tilespmem:s21+$0xFFFFFFC0];
	v9 =	vmul.f32 v9, v3  }
0xc0: {  	v13 =	vld [tilespmem:s26+$0xFFFFFFD0];
	[tilespmem:s24+$0x0] =	vst v11;
	v6 =	vadd.f32 v6, v7;
	v7 =	vmul.f32 v10, v4  }
0xc1: {  	v10 =	vld [tilespmem:s21+$0xFFFFFFD0];
	v8 =	vmul.f32 v8, v3  }
0xc2: {  	v11 =	vld [tilespmem:s26+$0xFFFFFFE0];
	[tilespmem:s24+$0x10] =	vst v6;
	v6 =	vadd.f32 v7, v9  }
0xc3: {  	v9 =	vmul.f32 v14, v3;
	v7 =	vld [tilespmem:s21+$0xFFFFFFE0];
	v14 =	vmul.f32 v15, v4;
	v8 =	vadd.f32 v5, v8  }
0xc4: {  	v5 =	vmul.f32 v12, v4;
	v12 =	vld [tilespmem:s26+$0xFFFFFFF0];
	[tilespmem:s24+$0x20] =	vst v6  }
0xc5: {  	v6 =	vmul.f32 v13, v3;
	v13 =	vld [tilespmem:s21+$0xFFFFFFF0];
	v9 =	vadd.f32 v14, v9;
	[tilespmem:s24+$0xFFFFFFC0] =	vst v8;
	s24 =	smov.u32 s26  }
0xc6: {  	v8 =	vmul.f32 v10, v4;
	v10 =	vld [tilespmem:s26+$0x0]  }
0xc7: {  	v11 =	vmul.f32 v11, v3;
	v14 =	vld [tilespmem:s21+$0x0];
	[tilespmem:s26+$0x30] =	vst v9  }
.Ltmp0:
0xc8: {  	v8 =	vadd.f32 v8, v6;
	v9 =	vmul.f32 v7, v4;
	v7 =	vld [tilespmem:s26+$0x10];
	(pc) =	sbr.rel @p0 .LBB2_3-.Ltmp0, $4  }
0xc9: {  	v12 =	vmul.f32 v12, v3;
	v6 =	vld [tilespmem:s21+$0x10]  }
0xca: {  	[tilespmem:s26+$0xFFFFFFD0] =	vst v8;
	v15 =	vadd.f32 v9, v11;
	v13 =	vmul.f32 v13, v4;
	v9 =	vld [tilespmem:s26+$0x20]  }
0xcb: {  	v11 =	vmul.f32 v10, v3;
	v10 =	vld [tilespmem:s21+$0x20]  }
0xcc: {  	s26 =	sadd.s32 $0x400, s26;
	v8 =	vld [tilespmem:s24+$0xFFFFFFC0];
	[tilespmem:s24+$0xFFFFFFE0] =	vst v15;
	v12 =	vadd.f32 v13, v12;
	v13 =	vmul.f32 v14, v4  }
0xcd: {  	_ =	sdelay $0x1  }
0xce: {  	v7 =	vmul.f32 v7, v3;
	s20 =	sadd.s32 $0x1, s20;
	v6 =	vmul.f32 v6, v4  }
0xcf: {  	v11 =	vadd.f32 v13, v11;
	p0 =	sne.s32 s20, $0x10;
	v9 =	vmul.f32 v9, v3;
	v63 =	vmul.f32 v10, v4  }
.Ltmp1:
0xd0: {  	[tilespmem:s24+$0xFFFFFFF0] =	vst v12;
	v6 =	vadd.f32 v6, v7;
	v3 =	vmul.f32 v8, v3;
	(pc) =	sbr.rel @p0 .LBB2_2-.Ltmp1, $4  }
0xd1: {  	[tilespmem:s24+$0x0] =	vst v11;
	v4 =	vadd.f32 v63, v9  }
0xd2: {  	[tilespmem:s24+$0x10] =	vst v6;
	v3 =	vadd.f32 v5, v3  }
0xd3: {  	[tilespmem:s24+$0x20] =	vst v4  }
0xd4: {  	s22 =	sadd.s32 $0x400, s22;
	s19 =	sadd.s32 $0x1, s19;
	[tilespmem:s24+$0xFFFFFFC0] =	vst v3  }
0xd5: {  	s19 =	simm.s32 $0x0;
	s20 =	rddreg [dreg:$0xd]  }
0xd6: {  	[hbm4b:s20+s19] =	stream.linear.scatter [tilespmem:s19], [sflag:$0x4], $0x4000, $0x38;
	[tilespmem:$0x1C400] =	vst v63  }
0xd7: {  	v3 =	vld [tilespmem:$0x18200];
	_ =	sdelay $0x4  }
0xd8: {  	v4 =	vshll.u32 v3, $0x3  }
0xd9: {  	v3 =	vand.u32 $0x7, v3;
	v4 =	vand.u32 $0xFFFFFFC0, v4  }
0xda: {  	v3 =	vor.u32 v3, v4  }
0xdb: {  	v4 =	vperm.xlane v3, v0;
	_ =	sdelay $0x1  }
0xdc: {  	v4 =	vadd.s32 v1, v4;
	_ =	sdelay $0x4  }
0xdd: {  	[tilespmem:s11], [sflag:$0x3] =	stream.indirect_vreg.gather [hbm4b:s3+s19], $0x80, v4, vm0, $0xb8;
	[tilespmem:$0x1C400] =	vst v63  }
0xde: {  	s21 =	simm.s32 $0x10800;
	v3 =	vperm.xlane v3, v2  }
0xdf: {  	[tilespmem:s21], [sflag:$0x3] =	stream.indirect_vreg.gather [hbm4b:s14+s19], $0x80, v4, vm0, $0xb8;
	[tilespmem:$0x1C400] =	vst v63  }
0xe0: {  	s22 =	simm.s32 $0x11000;
	v3 =	vadd.s32 v1, v3  }
0xe1: {  	[tilespmem:s22], [sflag:$0x3] =	stream.indirect_vreg.gather [hbm4b:s15+s19], $0x80, v4, vm0, $0xb8;
	[tilespmem:$0x1C400] =	vst v63  }
0xe2: {  	s24 =	simm.s32 $0x11800  }
0xe3: {  	[tilespmem:s24], [sflag:$0x3] =	stream.indirect_vreg.gather [hbm4b:s16+s19], $0x80, v4, vm0, $0xb8;
	[tilespmem:$0x1C400] =	vst v63  }
0xe4: {  	s25 =	simm.s32 $0x12000  }
0xe5: {  	[tilespmem:s25], [sflag:$0x3] =	stream.indirect_vreg.gather [hbm4b:s3+s19], $0x80, v3, vm0, $0xb8;
	[tilespmem:$0x1C400] =	vst v63  }
0xe6: {  	s26 =	simm.s32 $0x12800  }
0xe7: {  	[tilespmem:s26], [sflag:$0x3] =	stream.indirect_vreg.gather [hbm4b:s14+s19], $0x80, v3, vm0, $0xb8;
	[tilespmem:$0x1C400] =	vst v63  }
0xe8: {  	s21 =	simm.s32 $0x13000  }
0xe9: {  	[tilespmem:s21], [sflag:$0x3] =	stream.indirect_vreg.gather [hbm4b:s15+s19], $0x80, v3, vm0, $0xb8;
	[tilespmem:$0x1C400] =	vst v63  }
0xea: {  	s22 =	simm.s32 $0x13800  }
0xeb: {  	[tilespmem:s22], [sflag:$0x3] =	stream.indirect_vreg.gather [hbm4b:s16+s19], $0x80, v3, vm0, $0xb8;
	[tilespmem:$0x1C400] =	vst v63  }
0xec: {  	v3 =	vld [tilespmem:$0x18280];
	_ =	sdelay $0x4  }
0xed: {  	v63 =	vshll.u32 v3, $0x3  }
0xee: {  	v3 =	vand.u32 $0x7, v3;
	v4 =	vand.u32 $0xFFFFFFC0, v63  }
0xef: {  	v3 =	vor.u32 v3, v4  }
0xf0: {  	v4 =	vperm.xlane v3, v0;
	_ =	sdelay $0x1  }
0xf1: {  	v4 =	vadd.s32 v1, v4;
	_ =	sdelay $0x3  }
0xf2: {  	s24 =	simm.s32 $0x14000  }
0xf3: {  	[tilespmem:s24], [sflag:$0x3] =	stream.indirect_vreg.gather [hbm4b:s3+s19], $0x80, v4, vm0, $0xb8;
	[tilespmem:$0x1C400] =	vst v63  }
0xf4: {  	s25 =	simm.s32 $0x14800;
	v3 =	vperm.xlane v3, v2  }
0xf5: {  	[tilespmem:s25], [sflag:$0x3] =	stream.indirect_vreg.gather [hbm4b:s14+s19], $0x80, v4, vm0, $0xb8;
	[tilespmem:$0x1C400] =	vst v63  }
0xf6: {  	s26 =	simm.s32 $0x15000;
	v3 =	vadd.s32 v1, v3  }
0xf7: {  	[tilespmem:s26], [sflag:$0x3] =	stream.indirect_vreg.gather [hbm4b:s15+s19], $0x80, v4, vm0, $0xb8;
	[tilespmem:$0x1C400] =	vst v63  }
0xf8: {  	s21 =	simm.s32 $0x15800  }
0xf9: {  	[tilespmem:s21], [sflag:$0x3] =	stream.indirect_vreg.gather [hbm4b:s16+s19], $0x80, v4, vm0, $0xb8;
	[tilespmem:$0x1C400] =	vst v63  }
0xfa: {  	s22 =	simm.s32 $0x16000  }
0xfb: {  	[tilespmem:s22], [sflag:$0x3] =	stream.indirect_vreg.gather [hbm4b:s3+s19], $0x80, v3, vm0, $0xb8;
	[tilespmem:$0x1C400] =	vst v63  }
0xfc: {  	s24 =	simm.s32 $0x16800  }
0xfd: {  	[tilespmem:s24], [sflag:$0x3] =	stream.indirect_vreg.gather [hbm4b:s14+s19], $0x80, v3, vm0, $0xb8;
	[tilespmem:$0x1C400] =	vst v63  }
0xfe: {  	s25 =	simm.s32 $0x17000  }
0xff: {  	[tilespmem:s25], [sflag:$0x3] =	stream.indirect_vreg.gather [hbm4b:s15+s19], $0x80, v3, vm0, $0xb8;
	[tilespmem:$0x1C400] =	vst v63  }
0x100: {  	s26 =	simm.s32 $0x17800  }
0x101: {  	[tilespmem:s26], [sflag:$0x3] =	stream.indirect_vreg.gather [hbm4b:s16+s19], $0x80, v3, vm0, $0xb8;
	[tilespmem:$0x1C400] =	vst v63  }
0x102: {  	_ =	swait.ge [sflag:s12], $0x4000  }
0x103: {  	[sflag:s12] =	ssyncset.done $0x0  }
0x104: {  	[sflag:s12] =	ssyncadd.s32 $0xFFFFC000  }
0x105: {  	_ =	swait.ge [sflag:s12], $0x4000  }
0x106: {  	[sflag:s12] =	ssyncset.done $0x0  }
0x107: {  	s20 =	simm.s32 $0x0;
	s22 =	simm.s32 $0x0;
	[sflag:s12] =	ssyncadd.s32 $0xFFFFC000  }
.LBB2_6:
0x108: {  	s21 =	sshll.u32 s22, $0x2;
	s24 =	sand.u32 $0x7, s19  }
0x109: {  	s21 =	sand.u32 $0xFFFF8000, s21;
	s24 =	sshll.u32 s24, $0x9  }
0x10a: {  	s25 =	sshll.u32 s20, $0x7;
	s21 =	sor.u32 s24, s21  }
0x10b: {  	v3 =	vld [tilespmem:s25+$0x18C00];
	s21 =	sshrl.u32 s21, $0x2  }
0x10c: {  	v4 =	vld [tilespmem:s25+$0x1AC00];
	s24 =	sadd.s32 $0x8040, s21  }
0x10d: {  	s21 =	sadd.s32 $0xC040, s21;
	v5 =	vld [tilespmem:s24+$0x30]  }
0x10e: {  	v6 =	vld [tilespmem:s21+$0x30]  }
0x10f: {  	v8 =	vld [tilespmem:s21+$0xFFFFFFC0]  }
0x110: {  	v7 =	vld [tilespmem:s24+$0xFFFFFFD0]  }
0x111: {  	v9 =	vld [tilespmem:s21+$0xFFFFFFD0]  }
0x112: {  	v10 =	vld [tilespmem:s24+$0xFFFFFFE0]  }
0x113: {  	v11 =	vld [tilespmem:s21+$0xFFFFFFE0]  }
0x114: {  	v12 =	vld [tilespmem:s24+$0xFFFFFFF0]  }
0x115: {  	v13 =	vld [tilespmem:s21+$0xFFFFFFF0]  }
0x116: {  	v14 =	vld [tilespmem:s24+$0x0];
	v5 =	vmul.f32 v5, v3;
	v6 =	vmul.f32 v6, v4  }
0x117: {  	v16 =	vld [tilespmem:s21+$0x0];
	v15 =	vmul.f32 v7, v3;
	v9 =	vmul.f32 v9, v4  }
0x118: {  	v10 =	vmul.f32 v10, v3;
	v11 =	vmul.f32 v11, v4;
	v7 =	vld [tilespmem:s24+$0x10];
	v5 =	vadd.f32 v6, v5  }
0x119: {  	v15 =	vadd.f32 v9, v15;
	v6 =	vld [tilespmem:s21+$0x10]  }
0x11a: {  	v12 =	vmul.f32 v12, v3;
	v13 =	vmul.f32 v13, v4;
	v17 =	vadd.f32 v11, v10;
	v9 =	vld [tilespmem:s24+$0x20];
	[tilespmem:s24+$0x30] =	vst v5  }
0x11b: {  	v10 =	vld [tilespmem:s21+$0x20];
	v11 =	vmul.f32 v14, v3;
	[tilespmem:s24+$0xFFFFFFD0] =	vst v15  }
0x11c: {  	s25 =	simm.s32 $0x0;
	s26 =	sadd.s32 $0x400, s24;
	v12 =	vadd.f32 v13, v12;
	v13 =	vmul.f32 v16, v4;
	v5 =	vmul.f32 v8, v4;
	v8 =	vld [tilespmem:s24+$0xFFFFFFC0];
	[tilespmem:s24+$0xFFFFFFE0] =	vst v17  }
.LBB2_7:
0x11d: {  	v14 =	vld [tilespmem:s26+$0x30];
	v7 =	vmul.f32 v7, v3;
	s21 =	sadd.s32 $0x400, s21  }
0x11e: {  	s25 =	sadd.s32 $0x8, s25;
	v15 =	vld [tilespmem:s21+$0x30];
	[tilespmem:s24+$0xFFFFFFF0] =	vst v12;
	v11 =	vadd.f32 v13, v11;
	v6 =	vmul.f32 v6, v4  }
0x11f: {  	p0 =	slt.u32 s25, $0x38;
	v12 =	vld [tilespmem:s21+$0xFFFFFFC0];
	v9 =	vmul.f32 v9, v3  }
0x120: {  	v13 =	vld [tilespmem:s26+$0xFFFFFFD0];
	[tilespmem:s24+$0x0] =	vst v11;
	v6 =	vadd.f32 v6, v7;
	v7 =	vmul.f32 v10, v4  }
0x121: {  	v10 =	vld [tilespmem:s21+$0xFFFFFFD0];
	v8 =	vmul.f32 v8, v3  }
0x122: {  	v11 =	vld [tilespmem:s26+$0xFFFFFFE0];
	[tilespmem:s24+$0x10] =	vst v6;
	v6 =	vadd.f32 v7, v9  }
0x123: {  	v9 =	vmul.f32 v14, v3;
	v7 =	vld [tilespmem:s21+$0xFFFFFFE0];
	v14 =	vmul.f32 v15, v4;
	v8 =	vadd.f32 v5, v8  }
0x124: {  	v5 =	vmul.f32 v12, v4;
	v12 =	vld [tilespmem:s26+$0xFFFFFFF0];
	[tilespmem:s24+$0x20] =	vst v6  }
0x125: {  	v6 =	vmul.f32 v13, v3;
	v13 =	vld [tilespmem:s21+$0xFFFFFFF0];
	v9 =	vadd.f32 v14, v9;
	[tilespmem:s24+$0xFFFFFFC0] =	vst v8;
	s24 =	smov.u32 s26  }
0x126: {  	v8 =	vmul.f32 v10, v4;
	v10 =	vld [tilespmem:s26+$0x0]  }
0x127: {  	v11 =	vmul.f32 v11, v3;
	v14 =	vld [tilespmem:s21+$0x0];
	[tilespmem:s26+$0x30] =	vst v9  }
.Ltmp2:
0x128: {  	v8 =	vadd.f32 v8, v6;
	v9 =	vmul.f32 v7, v4;
	v7 =	vld [tilespmem:s26+$0x10];
	(pc) =	sbr.rel @p0 .LBB2_7-.Ltmp2, $4  }
0x129: {  	v12 =	vmul.f32 v12, v3;
	v6 =	vld [tilespmem:s21+$0x10]  }
0x12a: {  	[tilespmem:s26+$0xFFFFFFD0] =	vst v8;
	v15 =	vadd.f32 v9, v11;
	v13 =	vmul.f32 v13, v4;
	v9 =	vld [tilespmem:s26+$0x20]  }
0x12b: {  	v11 =	vmul.f32 v10, v3;
	v10 =	vld [tilespmem:s21+$0x20]  }
0x12c: {  	s26 =	sadd.s32 $0x400, s26;
	v8 =	vld [tilespmem:s24+$0xFFFFFFC0];
	[tilespmem:s24+$0xFFFFFFE0] =	vst v15;
	v12 =	vadd.f32 v13, v12;
	v13 =	vmul.f32 v14, v4  }
0x12d: {  	_ =	sdelay $0x1  }
0x12e: {  	v7 =	vmul.f32 v7, v3;
	s20 =	sadd.s32 $0x1, s20;
	v6 =	vmul.f32 v6, v4  }
0x12f: {  	v11 =	vadd.f32 v13, v11;
	p0 =	sne.s32 s20, $0x10;
	v9 =	vmul.f32 v9, v3;
	v63 =	vmul.f32 v10, v4  }
.Ltmp3:
0x130: {  	[tilespmem:s24+$0xFFFFFFF0] =	vst v12;
	v6 =	vadd.f32 v6, v7;
	v3 =	vmul.f32 v8, v3;
	(pc) =	sbr.rel @p0 .LBB2_6-.Ltmp3, $4  }
0x131: {  	[tilespmem:s24+$0x0] =	vst v11;
	v4 =	vadd.f32 v63, v9  }
0x132: {  	[tilespmem:s24+$0x10] =	vst v6;
	v3 =	vadd.f32 v5, v3  }
0x133: {  	[tilespmem:s24+$0x20] =	vst v4  }
0x134: {  	s22 =	sadd.s32 $0x400, s22;
	s19 =	sadd.s32 $0x1, s19;
	[tilespmem:s24+$0xFFFFFFC0] =	vst v3  }
0x135: {  	s19 =	simm.s32 $0x0;
	s20 =	rddreg [dreg:$0xe]  }
0x136: {  	[hbm4b:s20+s19] =	stream.linear.scatter [tilespmem:s9], [sflag:$0x4], $0x4000, $0x38;
	[tilespmem:$0x1C400] =	vst v63  }
0x137: {  	_ =	swait.ge [sflag:s13], $0x4000  }
0x138: {  	[sflag:s13] =	ssyncset.done $0x0  }
0x139: {  	[sflag:s13] =	ssyncadd.s32 $0xFFFFC000  }
0x13a: {  	v3 =	vld [tilespmem:$0x18300];
	_ =	sdelay $0x4  }
0x13b: {  	v4 =	vshll.u32 v3, $0x3  }
0x13c: {  	v3 =	vand.u32 $0x7, v3;
	v4 =	vand.u32 $0xFFFFFFC0, v4  }
0x13d: {  	v3 =	vor.u32 v3, v4  }
0x13e: {  	v4 =	vperm.xlane v3, v0;
	_ =	sdelay $0x1  }
0x13f: {  	v4 =	vadd.s32 v1, v4;
	_ =	sdelay $0x4  }
0x140: {  	[tilespmem:s19], [sflag:$0x1] =	stream.indirect_vreg.gather [hbm4b:s3+s19], $0x80, v4, vm0, $0xb8;
	[tilespmem:$0x1C400] =	vst v63  }
0x141: {  	s22 =	simm.s32 $0x800;
	v3 =	vperm.xlane v3, v2  }
0x142: {  	[tilespmem:s22], [sflag:$0x1] =	stream.indirect_vreg.gather [hbm4b:s14+s19], $0x80, v4, vm0, $0xb8;
	[tilespmem:$0x1C400] =	vst v63  }
0x143: {  	s24 =	simm.s32 $0x1000;
	v3 =	vadd.s32 v1, v3  }
0x144: {  	[tilespmem:s24], [sflag:$0x1] =	stream.indirect_vreg.gather [hbm4b:s15+s19], $0x80, v4, vm0, $0xb8;
	[tilespmem:$0x1C400] =	vst v63  }
0x145: {  	s25 =	simm.s32 $0x1800  }
0x146: {  	[tilespmem:s25], [sflag:$0x1] =	stream.indirect_vreg.gather [hbm4b:s16+s19], $0x80, v4, vm0, $0xb8;
	[tilespmem:$0x1C400] =	vst v63  }
0x147: {  	s26 =	simm.s32 $0x2000  }
0x148: {  	[tilespmem:s26], [sflag:$0x1] =	stream.indirect_vreg.gather [hbm4b:s3+s19], $0x80, v3, vm0, $0xb8;
	[tilespmem:$0x1C400] =	vst v63  }
0x149: {  	_ = 	snop  }
0x14a: {  	[tilespmem:s28], [sflag:$0x1] =	stream.indirect_vreg.gather [hbm4b:s14+s19], $0x80, v3, vm0, $0xb8;
	[tilespmem:$0x1C400] =	vst v63  }
0x14b: {  	_ = 	snop  }
0x14c: {  	[tilespmem:s29], [sflag:$0x1] =	stream.indirect_vreg.gather [hbm4b:s15+s19], $0x80, v3, vm0, $0xb8;
	[tilespmem:$0x1C400] =	vst v63  }
0x14d: {  	_ = 	snop  }
0x14e: {  	[tilespmem:s30], [sflag:$0x1] =	stream.indirect_vreg.gather [hbm4b:s16+s19], $0x80, v3, vm0, $0xb8;
	[tilespmem:$0x1C400] =	vst v63  }
0x14f: {  	v3 =	vld [tilespmem:$0x18380];
	_ =	sdelay $0x4  }
0x150: {  	v63 =	vshll.u32 v3, $0x3  }
0x151: {  	v3 =	vand.u32 $0x7, v3;
	v4 =	vand.u32 $0xFFFFFFC0, v63  }
0x152: {  	v3 =	vor.u32 v3, v4  }
0x153: {  	v4 =	vperm.xlane v3, v0;
	_ =	sdelay $0x1  }
0x154: {  	v4 =	vadd.s32 v1, v4;
	_ =	sdelay $0x4  }
0x155: {  	[tilespmem:s31], [sflag:$0x1] =	stream.indirect_vreg.gather [hbm4b:s3+s19], $0x80, v4, vm0, $0xb8;
	[tilespmem:$0x1C400] =	vst v63  }
0x156: {  	v3 =	vperm.xlane v3, v2  }
0x157: {  	[tilespmem:s0], [sflag:$0x1] =	stream.indirect_vreg.gather [hbm4b:s14+s19], $0x80, v4, vm0, $0xb8;
	[tilespmem:$0x1C400] =	vst v63  }
0x158: {  	v3 =	vadd.s32 v1, v3  }
0x159: {  	[tilespmem:s1], [sflag:$0x1] =	stream.indirect_vreg.gather [hbm4b:s15+s19], $0x80, v4, vm0, $0xb8;
	[tilespmem:$0x1C400] =	vst v63  }
0x15a: {  	_ = 	snop  }
0x15b: {  	[tilespmem:s4], [sflag:$0x1] =	stream.indirect_vreg.gather [hbm4b:s16+s19], $0x80, v4, vm0, $0xb8;
	[tilespmem:$0x1C400] =	vst v63  }
0x15c: {  	_ = 	snop  }
0x15d: {  	[tilespmem:s5], [sflag:$0x1] =	stream.indirect_vreg.gather [hbm4b:s3+s19], $0x80, v3, vm0, $0xb8;
	[tilespmem:$0x1C400] =	vst v63  }
0x15e: {  	_ = 	snop  }
0x15f: {  	[tilespmem:s6], [sflag:$0x1] =	stream.indirect_vreg.gather [hbm4b:s14+s19], $0x80, v3, vm0, $0xb8;
	[tilespmem:$0x1C400] =	vst v63  }
0x160: {  	_ = 	snop  }
0x161: {  	[tilespmem:s7], [sflag:$0x1] =	stream.indirect_vreg.gather [hbm4b:s15+s19], $0x80, v3, vm0, $0xb8;
	[tilespmem:$0x1C400] =	vst v63  }
0x162: {  	_ = 	snop  }
0x163: {  	[tilespmem:s8], [sflag:$0x1] =	stream.indirect_vreg.gather [hbm4b:s16+s19], $0x80, v3, vm0, $0xb8;
	[tilespmem:$0x1C400] =	vst v63  }
0x164: {  	_ =	swait.ge [sflag:s17], $0x4000  }
0x165: {  	[sflag:s17] =	ssyncset.done $0x0  }
0x166: {  	[sflag:s17] =	ssyncadd.s32 $0xFFFFC000  }
0x167: {  	_ =	swait.ge [sflag:s17], $0x4000  }
0x168: {  	[sflag:s17] =	ssyncset.done $0x0  }
0x169: {  	s20 =	simm.s32 $0x0;
	s22 =	simm.s32 $0x0;
	[sflag:s17] =	ssyncadd.s32 $0xFFFFC000  }
.LBB2_10:
0x16a: {  	s21 =	sshll.u32 s22, $0x2;
	s24 =	sand.u32 $0x7, s19  }
0x16b: {  	s21 =	sand.u32 $0xFFFF8000, s21;
	s24 =	sshll.u32 s24, $0x9  }
0x16c: {  	s25 =	sshll.u32 s20, $0x7;
	s21 =	sor.u32 s24, s21  }
0x16d: {  	v3 =	vld [tilespmem:s25+$0x19400];
	s21 =	sshrl.u32 s21, $0x2  }
0x16e: {  	v4 =	vld [tilespmem:s25+$0x1B400];
	s24 =	sadd.s32 $0x10040, s21  }
0x16f: {  	s21 =	sadd.s32 $0x14040, s21;
	v5 =	vld [tilespmem:s24+$0x30]  }
0x170: {  	v6 =	vld [tilespmem:s21+$0x30]  }
0x171: {  	v8 =	vld [tilespmem:s21+$0xFFFFFFC0]  }
0x172: {  	v7 =	vld [tilespmem:s24+$0xFFFFFFD0]  }
0x173: {  	v9 =	vld [tilespmem:s21+$0xFFFFFFD0]  }
0x174: {  	v10 =	vld [tilespmem:s24+$0xFFFFFFE0]  }
0x175: {  	v11 =	vld [tilespmem:s21+$0xFFFFFFE0]  }
0x176: {  	v12 =	vld [tilespmem:s24+$0xFFFFFFF0]  }
0x177: {  	v13 =	vld [tilespmem:s21+$0xFFFFFFF0]  }
0x178: {  	v14 =	vld [tilespmem:s24+$0x0];
	v5 =	vmul.f32 v5, v3;
	v6 =	vmul.f32 v6, v4  }
0x179: {  	v16 =	vld [tilespmem:s21+$0x0];
	v15 =	vmul.f32 v7, v3;
	v9 =	vmul.f32 v9, v4  }
0x17a: {  	v10 =	vmul.f32 v10, v3;
	v11 =	vmul.f32 v11, v4;
	v7 =	vld [tilespmem:s24+$0x10];
	v5 =	vadd.f32 v6, v5  }
0x17b: {  	v15 =	vadd.f32 v9, v15;
	v6 =	vld [tilespmem:s21+$0x10]  }
0x17c: {  	v12 =	vmul.f32 v12, v3;
	v13 =	vmul.f32 v13, v4;
	v17 =	vadd.f32 v11, v10;
	v9 =	vld [tilespmem:s24+$0x20];
	[tilespmem:s24+$0x30] =	vst v5  }
0x17d: {  	v10 =	vld [tilespmem:s21+$0x20];
	v11 =	vmul.f32 v14, v3;
	[tilespmem:s24+$0xFFFFFFD0] =	vst v15  }
0x17e: {  	s25 =	simm.s32 $0x0;
	s26 =	sadd.s32 $0x400, s24;
	v12 =	vadd.f32 v13, v12;
	v13 =	vmul.f32 v16, v4;
	v5 =	vmul.f32 v8, v4;
	v8 =	vld [tilespmem:s24+$0xFFFFFFC0];
	[tilespmem:s24+$0xFFFFFFE0] =	vst v17  }
.LBB2_11:
0x17f: {  	v14 =	vld [tilespmem:s26+$0x30];
	v7 =	vmul.f32 v7, v3;
	s21 =	sadd.s32 $0x400, s21  }
0x180: {  	s25 =	sadd.s32 $0x8, s25;
	v15 =	vld [tilespmem:s21+$0x30];
	[tilespmem:s24+$0xFFFFFFF0] =	vst v12;
	v11 =	vadd.f32 v13, v11;
	v6 =	vmul.f32 v6, v4  }
0x181: {  	p0 =	slt.u32 s25, $0x38;
	v12 =	vld [tilespmem:s21+$0xFFFFFFC0];
	v9 =	vmul.f32 v9, v3  }
0x182: {  	v13 =	vld [tilespmem:s26+$0xFFFFFFD0];
	[tilespmem:s24+$0x0] =	vst v11;
	v6 =	vadd.f32 v6, v7;
	v7 =	vmul.f32 v10, v4  }
0x183: {  	v10 =	vld [tilespmem:s21+$0xFFFFFFD0];
	v8 =	vmul.f32 v8, v3  }
0x184: {  	v11 =	vld [tilespmem:s26+$0xFFFFFFE0];
	[tilespmem:s24+$0x10] =	vst v6;
	v6 =	vadd.f32 v7, v9  }
0x185: {  	v9 =	vmul.f32 v14, v3;
	v7 =	vld [tilespmem:s21+$0xFFFFFFE0];
	v14 =	vmul.f32 v15, v4;
	v8 =	vadd.f32 v5, v8  }
0x186: {  	v5 =	vmul.f32 v12, v4;
	v12 =	vld [tilespmem:s26+$0xFFFFFFF0];
	[tilespmem:s24+$0x20] =	vst v6  }
0x187: {  	v6 =	vmul.f32 v13, v3;
	v13 =	vld [tilespmem:s21+$0xFFFFFFF0];
	v9 =	vadd.f32 v14, v9;
	[tilespmem:s24+$0xFFFFFFC0] =	vst v8;
	s24 =	smov.u32 s26  }
0x188: {  	v8 =	vmul.f32 v10, v4;
	v10 =	vld [tilespmem:s26+$0x0]  }
0x189: {  	v11 =	vmul.f32 v11, v3;
	v14 =	vld [tilespmem:s21+$0x0];
	[tilespmem:s26+$0x30] =	vst v9  }
.Ltmp4:
0x18a: {  	v8 =	vadd.f32 v8, v6;
	v9 =	vmul.f32 v7, v4;
	v7 =	vld [tilespmem:s26+$0x10];
	(pc) =	sbr.rel @p0 .LBB2_11-.Ltmp4, $4  }
0x18b: {  	v12 =	vmul.f32 v12, v3;
	v6 =	vld [tilespmem:s21+$0x10]  }
0x18c: {  	[tilespmem:s26+$0xFFFFFFD0] =	vst v8;
	v15 =	vadd.f32 v9, v11;
	v13 =	vmul.f32 v13, v4;
	v9 =	vld [tilespmem:s26+$0x20]  }
0x18d: {  	v11 =	vmul.f32 v10, v3;
	v10 =	vld [tilespmem:s21+$0x20]  }
0x18e: {  	s26 =	sadd.s32 $0x400, s26;
	v8 =	vld [tilespmem:s24+$0xFFFFFFC0];
	[tilespmem:s24+$0xFFFFFFE0] =	vst v15;
	v12 =	vadd.f32 v13, v12;
	v13 =	vmul.f32 v14, v4  }
0x18f: {  	_ =	sdelay $0x1  }
0x190: {  	v7 =	vmul.f32 v7, v3;
	s20 =	sadd.s32 $0x1, s20;
	v6 =	vmul.f32 v6, v4  }
0x191: {  	v11 =	vadd.f32 v13, v11;
	p0 =	sne.s32 s20, $0x10;
	v9 =	vmul.f32 v9, v3;
	v63 =	vmul.f32 v10, v4  }
.Ltmp5:
0x192: {  	[tilespmem:s24+$0xFFFFFFF0] =	vst v12;
	v6 =	vadd.f32 v6, v7;
	v3 =	vmul.f32 v8, v3;
	(pc) =	sbr.rel @p0 .LBB2_10-.Ltmp5, $4  }
0x193: {  	[tilespmem:s24+$0x0] =	vst v11;
	v4 =	vadd.f32 v63, v9  }
0x194: {  	[tilespmem:s24+$0x10] =	vst v6;
	v3 =	vadd.f32 v5, v3  }
0x195: {  	[tilespmem:s24+$0x20] =	vst v4  }
0x196: {  	s22 =	sadd.s32 $0x400, s22;
	s19 =	sadd.s32 $0x1, s19;
	[tilespmem:s24+$0xFFFFFFC0] =	vst v3  }
0x197: {  	s19 =	simm.s32 $0x0;
	s20 =	rddreg [dreg:$0xf]  }
0x198: {  	[hbm4b:s20+s19] =	stream.linear.scatter [tilespmem:s11], [sflag:$0x4], $0x4000, $0x38;
	[tilespmem:$0x1C400] =	vst v63  }
0x199: {  	_ =	swait.ge [sflag:s10], $0x4000  }
0x19a: {  	[sflag:s10] =	ssyncset.done $0x0  }
0x19b: {  	[sflag:s10] =	ssyncadd.s32 $0xFFFFC000  }
0x19c: {  	_ =	swait.ge [sflag:s10], $0x4000  }
0x19d: {  	[sflag:s10] =	ssyncset.done $0x0  }
0x19e: {  	s22 =	simm.s32 $0x0;
	s20 =	simm.s32 $0x0;
	[sflag:s10] =	ssyncadd.s32 $0xFFFFC000  }
.LBB2_14:
0x19f: {  	s21 =	sshll.u32 s22, $0x2;
	s24 =	sand.u32 $0x7, s19  }
0x1a0: {  	s21 =	sand.u32 $0xFFFF8000, s21;
	s24 =	sshll.u32 s24, $0x9  }
0x1a1: {  	s25 =	sshll.u32 s20, $0x7;
	s21 =	sor.u32 s24, s21  }
0x1a2: {  	v3 =	vld [tilespmem:s25+$0x19C00];
	s21 =	sshrl.u32 s21, $0x2  }
0x1a3: {  	v4 =	vld [tilespmem:s25+$0x1BC00];
	s24 =	sor.u32 $0x40, s21  }
0x1a4: {  	s21 =	sadd.s32 $0x4040, s21;
	v5 =	vld [tilespmem:s24+$0x30]  }
0x1a5: {  	v6 =	vld [tilespmem:s21+$0x30]  }
0x1a6: {  	v8 =	vld [tilespmem:s21+$0xFFFFFFC0]  }
0x1a7: {  	v7 =	vld [tilespmem:s24+$0xFFFFFFD0]  }
0x1a8: {  	v9 =	vld [tilespmem:s21+$0xFFFFFFD0]  }
0x1a9: {  	v10 =	vld [tilespmem:s24+$0xFFFFFFE0]  }
0x1aa: {  	v11 =	vld [tilespmem:s21+$0xFFFFFFE0]  }
0x1ab: {  	v12 =	vld [tilespmem:s24+$0xFFFFFFF0]  }
0x1ac: {  	v13 =	vld [tilespmem:s21+$0xFFFFFFF0]  }
0x1ad: {  	v14 =	vld [tilespmem:s24+$0x0];
	v5 =	vmul.f32 v5, v3;
	v6 =	vmul.f32 v6, v4  }
0x1ae: {  	v16 =	vld [tilespmem:s21+$0x0];
	v15 =	vmul.f32 v7, v3;
	v9 =	vmul.f32 v9, v4  }
0x1af: {  	v10 =	vmul.f32 v10, v3;
	v11 =	vmul.f32 v11, v4;
	v7 =	vld [tilespmem:s24+$0x10];
	v5 =	vadd.f32 v6, v5  }
0x1b0: {  	v15 =	vadd.f32 v9, v15;
	v6 =	vld [tilespmem:s21+$0x10]  }
0x1b1: {  	v12 =	vmul.f32 v12, v3;
	v13 =	vmul.f32 v13, v4;
	v17 =	vadd.f32 v11, v10;
	v9 =	vld [tilespmem:s24+$0x20];
	[tilespmem:s24+$0x30] =	vst v5  }
0x1b2: {  	v10 =	vld [tilespmem:s21+$0x20];
	v11 =	vmul.f32 v14, v3;
	[tilespmem:s24+$0xFFFFFFD0] =	vst v15  }
0x1b3: {  	s25 =	simm.s32 $0x0;
	s26 =	sadd.s32 $0x400, s24;
	v12 =	vadd.f32 v13, v12;
	v13 =	vmul.f32 v16, v4;
	v5 =	vmul.f32 v8, v4;
	v8 =	vld [tilespmem:s24+$0xFFFFFFC0];
	[tilespmem:s24+$0xFFFFFFE0] =	vst v17  }
.LBB2_15:
0x1b4: {  	v14 =	vld [tilespmem:s26+$0x30];
	v7 =	vmul.f32 v7, v3;
	s21 =	sadd.s32 $0x400, s21  }
0x1b5: {  	s25 =	sadd.s32 $0x8, s25;
	v15 =	vld [tilespmem:s21+$0x30];
	[tilespmem:s24+$0xFFFFFFF0] =	vst v12;
	v11 =	vadd.f32 v13, v11;
	v6 =	vmul.f32 v6, v4  }
0x1b6: {  	p0 =	slt.u32 s25, $0x38;
	v12 =	vld [tilespmem:s21+$0xFFFFFFC0];
	v9 =	vmul.f32 v9, v3  }
0x1b7: {  	v13 =	vld [tilespmem:s26+$0xFFFFFFD0];
	[tilespmem:s24+$0x0] =	vst v11;
	v6 =	vadd.f32 v6, v7;
	v7 =	vmul.f32 v10, v4  }
0x1b8: {  	v10 =	vld [tilespmem:s21+$0xFFFFFFD0];
	v8 =	vmul.f32 v8, v3  }
0x1b9: {  	v11 =	vld [tilespmem:s26+$0xFFFFFFE0];
	[tilespmem:s24+$0x10] =	vst v6;
	v6 =	vadd.f32 v7, v9  }
0x1ba: {  	v9 =	vmul.f32 v14, v3;
	v7 =	vld [tilespmem:s21+$0xFFFFFFE0];
	v14 =	vmul.f32 v15, v4;
	v8 =	vadd.f32 v5, v8  }
0x1bb: {  	v5 =	vmul.f32 v12, v4;
	v12 =	vld [tilespmem:s26+$0xFFFFFFF0];
	[tilespmem:s24+$0x20] =	vst v6  }
0x1bc: {  	v6 =	vmul.f32 v13, v3;
	v13 =	vld [tilespmem:s21+$0xFFFFFFF0];
	v9 =	vadd.f32 v14, v9;
	[tilespmem:s24+$0xFFFFFFC0] =	vst v8;
	s24 =	smov.u32 s26  }
0x1bd: {  	v8 =	vmul.f32 v10, v4;
	v10 =	vld [tilespmem:s26+$0x0]  }
0x1be: {  	v11 =	vmul.f32 v11, v3;
	v14 =	vld [tilespmem:s21+$0x0];
	[tilespmem:s26+$0x30] =	vst v9  }
.Ltmp6:
0x1bf: {  	v8 =	vadd.f32 v8, v6;
	v9 =	vmul.f32 v7, v4;
	v7 =	vld [tilespmem:s26+$0x10];
	(pc) =	sbr.rel @p0 .LBB2_15-.Ltmp6, $4  }
0x1c0: {  	v12 =	vmul.f32 v12, v3;
	v6 =	vld [tilespmem:s21+$0x10]  }
0x1c1: {  	[tilespmem:s26+$0xFFFFFFD0] =	vst v8;
	v15 =	vadd.f32 v9, v11;
	v13 =	vmul.f32 v13, v4;
	v9 =	vld [tilespmem:s26+$0x20]  }
0x1c2: {  	v11 =	vmul.f32 v10, v3;
	v10 =	vld [tilespmem:s21+$0x20]  }
0x1c3: {  	s26 =	sadd.s32 $0x400, s26;
	v8 =	vld [tilespmem:s24+$0xFFFFFFC0];
	[tilespmem:s24+$0xFFFFFFE0] =	vst v15;
	v12 =	vadd.f32 v13, v12;
	v13 =	vmul.f32 v14, v4  }
0x1c4: {  	_ =	sdelay $0x1  }
0x1c5: {  	v7 =	vmul.f32 v7, v3;
	s20 =	sadd.s32 $0x1, s20;
	v6 =	vmul.f32 v6, v4  }
0x1c6: {  	v11 =	vadd.f32 v13, v11;
	p0 =	sne.s32 s20, $0x10;
	v9 =	vmul.f32 v9, v3;
	v63 =	vmul.f32 v10, v4  }
.Ltmp7:
0x1c7: {  	[tilespmem:s24+$0xFFFFFFF0] =	vst v12;
	v6 =	vadd.f32 v6, v7;
	v3 =	vmul.f32 v8, v3;
	(pc) =	sbr.rel @p0 .LBB2_14-.Ltmp7, $4  }
0x1c8: {  	[tilespmem:s24+$0x0] =	vst v11;
	v4 =	vadd.f32 v63, v9  }
0x1c9: {  	[tilespmem:s24+$0x10] =	vst v6;
	v3 =	vadd.f32 v5, v3  }
0x1ca: {  	[tilespmem:s24+$0x20] =	vst v4  }
0x1cb: {  	s22 =	sadd.s32 $0x400, s22;
	s19 =	sadd.s32 $0x1, s19;
	[tilespmem:s24+$0xFFFFFFC0] =	vst v3  }
0x1cc: {  	s19 =	rddreg [dreg:$0x10]  }
0x1cd: {  	[hbm4b:s19+s2] =	stream.linear.scatter [tilespmem:s2], [sflag:$0x4], $0x4000, $0x38;
	[tilespmem:$0x1C400] =	vst v63  }
0x1ce: {  	_ =	swait.ge [sflag:s13], $0x4000  }
0x1cf: {  	[sflag:s13] =	ssyncset.done $0x0  }
0x1d0: {  	[sflag:s13] =	ssyncadd.s32 $0xFFFFC000  }
0x1d1: {  	_ =	swait.ge [sflag:s13], $0x4000  }
0x1d2: {  	[sflag:s13] =	ssyncset.done $0x0  }
0x1d3: {  	[sflag:s13] =	ssyncadd.s32 $0xFFFFC000  }
0x1d4: {  	_ =	swait.ge [sflag:s13], $0x4000  }
0x1d5: {  	s18 =	sadd.s32 $0x1, s18;
	s26 =	rddreg [dreg:$0x11]  }
0x1d6: {  	p0 =	sne.s32 s18, s26  }
.Ltmp8:
0x1d7: {  	_ = 	snop;
	(pc) =	sbr.rel @p0 .LBB2_1-.Ltmp8, $3  }
0x1d8: {  	_ =	sdelay $0x1  }
0x1d9: {  	[sflag:s13] =	ssyncset.done $0x0  }
0x1da: {  	[sflag:s13] =	ssyncadd.s32 $0xFFFFC000  }
0x1db: {  	_ =	sfence.sel $0x180000  }
0x1dc: {  	[bflag:$0x0] =	sbarrier.arrive $0xFFFF  }
0x1dd: {  	_ =	strace $0x9000004A  }
0x1de: {  	s0 =	stileid.u32;
	[bflag:$0x2] =	sbarrier.arrive $0xFFFF  }
0x1df: {  	p0 =	sne.s32 s0, $0x0;
	s0 =	rddreg [dreg:$0x2]  }
0x1e0: {  	s0 =	sadd.s32 @!p0 $0x100000, s0  }
0x1e1: {  	[sflag:s0] =	ssyncadd.tile.s32 @!p0 $0x1;
	_ =	shalt  }
.Lfunc_end2:
_tile_overlayer_lowered:
.L_overlay_start_2:
0x1e2: {  	(tag) =	ssettag $0x2  }
0x1e3: {  	s0 =	rddreg [dreg:$0x0];
	s2 =	stileid.u32  }
0x1e4: {  	s1 =	rddreg [dreg:$0x1];
	p0 =	sne.s32 s2, $0x0  }
0x1e5: {  	s3 =	rddreg [dreg:$0x2];
	[bflag:$0x3] =	sbarrier.arrive $0xFFFF;
	s2 =	simm.s32 @!p0 $0x1C05  }
0x1e6: {  	[timem:s3], [sflag:s2] =	dma.local @!p0 [hbm:s0], s1  }
0x1e7: {  	s0 =	simm.s32 @!p0 $0x5  }
0x1e8: {  	_ =	swait.ge @!p0 [sflag:s0], s1  }
0x1e9: {  	s1 =	ssub.s32 @!p0 $0x0, s1;
	[sflag:s0] =	ssyncset.done @!p0 $0x0  }
0x1ea: {  	[sflag:s0] =	ssyncadd.s32 @!p0 s1  }
0x1eb: {  	[bflag:$0x3] =	sbarrier.arrive $0xFFFF  }
0x1ec: {  	_ =	shalt  }

</sc_bundles>
